<compile_context>
chip_gen: v7x
topology: tpu7x:2x2x1
jax: 0.10.2.dev20260603
libtpu: 0.0.44.dev20260713+nightly
codegen_flags: <defaults>
</compile_context>

<pallas_src>
import functools

import jax
import jax.numpy as jnp
from jax import lax
from jax.experimental import pallas as pl
from jax.experimental.pallas import tpu as pltpu
from jax.experimental.pallas import tpu_sc as plsc

NC = 2
NS = 16
NW = NC * NS

LANES = 16
GSLICE = 6400

LN2 = 0.6931471805599453


def _make_sc_call(B, S, K, V, KP):
    rows_per_w = B // NW
    ch = 64
    nchunk = rows_per_w // ch
    chunk_elems = ch * S
    ng = chunk_elems // GSLICE
    nvreg = (S + LANES - 1) // LANES
    tail = S - (nvreg - 1) * LANES
    pad = LANES

    mesh = plsc.VectorSubcoreMesh(core_axis_name="c", subcore_axis_name="s",
                                  num_cores=NC)

    SPAD = 256
    ntr = ch // 8
    @functools.partial(
        pl.kernel,
        out_type=jax.ShapeDtypeStruct((B, SPAD), jnp.float32),
        mesh=mesh,
        scratch_types=[
            pltpu.VMEM((rows_per_w + LANES,), jnp.int32),
            pltpu.VMEM((2 * (chunk_elems + pad),), jnp.int32),
            pltpu.VMEM((2 * (chunk_elems + pad),), jnp.int32),
            pltpu.VMEM((2 * (chunk_elems + pad),), jnp.float32),
            pltpu.VMEM((2, ch // 8, 2, 8, 128), jnp.float32),
            pltpu.SemaphoreType.DMA,
            pltpu.SemaphoreType.DMA,
            pltpu.SemaphoreType.DMA,
        ],
    )
    def sc_call(x_hbm, xl_hbm, u_hbm, out_hbm,
                xlbuf, xbuf, idxbuf, valbuf, outbuf, gsem, xsem, osem):
        cid = lax.axis_index("c")
        sid = lax.axis_index("s")
        wid = sid * NC + cid
        row0 = wid * rows_per_w

        pltpu.sync_copy(xl_hbm.at[pl.ds(row0, rows_per_w)],
                        xlbuf.at[pl.ds(0, rows_per_w)])

        lanes = lax.iota(jnp.int32, LANES)
        tail_mask = lanes < tail
        stride = chunk_elems + pad

        def pass1(ci, p):
            def row_idx(r, _):
                xlv = jnp.clip(xlbuf[pl.ds(ci * ch + r, LANES)][0], 0, K - 1)
                off = p * stride + r * S
                for j in range(nvreg):
                    xv = xbuf[pl.ds(off + LANES * j, LANES)]
                    idxbuf[pl.ds(off + LANES * j, LANES)] = xv * KP + xlv
                return 0
            lax.fori_loop(0, ch, row_idx, 0)

        def fire(p):
            def body(j, _):
                pltpu.async_copy(
                    u_hbm.at[idxbuf.at[pl.ds(p * stride + j * GSLICE, GSLICE)]],
                    valbuf.at[pl.ds(p * stride + j * GSLICE, GSLICE)],
                    gsem)
                return 0
            lax.fori_loop(0, ng, body, 0)

        def drain(p):
            pltpu.make_async_copy(
                u_hbm.at[pl.ds(0, chunk_elems)],
                valbuf.at[pl.ds(p * stride, chunk_elems)],
                gsem).wait()

        def pass2(ci, p):
            def row_lse(r, _):
                off = p * stride + r * S
                vs = []
                sv = jnp.zeros((LANES,), jnp.float32)
                for j in range(nvreg):
                    v = valbuf[pl.ds(off + LANES * j, LANES)]
                    vs.append(v)
                    e = jnp.exp(v)
                    if j == nvreg - 1:
                        e = jnp.where(tail_mask, e, 0.0)
                    sv = sv + e
                sv = sv + lax.rev(sv, (0,))
                stot = sv[0] + sv[1] + sv[2] + sv[3] + sv[4] + sv[5] + sv[6] + sv[7]
                sb = jnp.full((LANES,), stot)
                bits = lax.bitcast_convert_type(sb, jnp.int32)
                y = (bits.astype(jnp.float32) * jnp.float32(1.1920929e-7)
                     - 127.0) * jnp.float32(LN2)
                y = y - 1.0 + sb * jnp.exp(-y)
                t = r // 8
                sub = r - t * 8
                for j in range(nvreg):
                    cb, jj = divmod(j, 8)
                    outbuf[p, t, cb, sub, pl.ds(LANES * jj, LANES)] = vs[j] - y
                return 0
            lax.fori_loop(0, ch, row_lse, 0)

        def load_x(ci, p):
            pltpu.async_copy(
                x_hbm.at[pl.ds((row0 + ci * ch) * S, chunk_elems)],
                xbuf.at[pl.ds(p * stride, chunk_elems)],
                xsem)

        def wait_x(p):
            pltpu.make_async_copy(
                xl_hbm.at[pl.ds(0, chunk_elems)],
                xbuf.at[pl.ds(p * stride, chunk_elems)],
                xsem).wait()

        def store_out(ci, p):
            r_lo = row0 + ci * ch
            for t in range(ntr):
                for cb in range(2):
                    pltpu.async_copy(
                        outbuf.at[p, t, cb],
                        out_hbm.at[pl.ds(r_lo + t * 8, 8),
                                   pl.ds(cb * 128, 128)],
                        osem)

        def wait_out(p):
            for _ in range(ntr * 2):
                pltpu.make_async_copy(
                    outbuf.at[p, 0, 0],
                    out_hbm.at[pl.ds(0, 8), pl.ds(0, 128)],
                    osem).wait()

        load_x(0, 0)
        wait_x(0)
        pass1(0, 0)
        fire(0)
        load_x(1, 1)

        def chunk_body(ci, _):
            p = lax.rem(ci, 2)
            q = 1 - p

            @pl.when(ci + 1 < nchunk)
            def _():
                wait_x(q)
                pass1(ci + 1, q)

            drain(p)

            @pl.when(ci + 1 < nchunk)
            def _():
                fire(q)

            @pl.when(ci + 2 < nchunk)
            def _():
                load_x(ci + 2, p)

            @pl.when(ci >= 2)
            def _():
                wait_out(p)

            pass2(ci, p)
            store_out(ci, p)
            return 0

        lax.fori_loop(0, nchunk, chunk_body, 0)

        wait_out(0)
        wait_out(1)

    return sc_call


def kernel(x, xl, U):
    B, S = x.shape
    V, K = U.shape
    KP = 128
    sc_call = _make_sc_call(B, S, K, V, KP)
    uf = jnp.pad(U, ((0, 0), (0, KP - K))).reshape(-1)
    out = sc_call(x.reshape(-1), xl, uf)
    return out[:, :S]

# --- scband reference (transcript-rebuilt; emitter-appended) ---
"""Pipeline reference for scband-stratified-linear-91164975825175 (READ-ONLY COPY).

The authoritative reference and input builder live on the scoring server;
editing this copy changes nothing except your own understanding.
"""

import jax, jax.numpy as jnp
import numpy as np

NUM_ITEMS = 1000000
K = 5
B = 16384
S = 200


def setup_inputs(seed: int = 0) -> dict:
    key = jax.random.key(seed)
    k1, k2, k3 = jax.random.split(key, 3)
    # padded choice sets of item indices
    x = jax.random.randint(k1, (B, S), 0, NUM_ITEMS)
    # rank/stratum index for each observation (which of the k buckets)
    xl = jax.random.randint(k2, (B,), 0, K)
    # stratified per-item utility table: one utility column per rank bucket
    # (Embedding init: randn / sqrt(num_embeddings))
    U = jax.random.normal(k3, (NUM_ITEMS, K), dtype=jnp.float32) / np.sqrt(NUM_ITEMS)
    return {"x": x, "xl": xl, "U": U}


def reference(x, xl, U):
    # Stratified MNL forward: gather per-item utilities for every item in the
    # padded choice set (embedding lookup), select the utility column for the
    # rank stratum of each observation, then log-softmax over the choice set.
    emb = jnp.take(U, x, axis=0)                      # [B, S, K] gather (SparseCore)
    b = jnp.clip(xl, 0, K - 1)                        # stratum bucket per sample
    sel = jnp.take_along_axis(emb, b[:, None, None], axis=2)[..., 0]  # [B, S]
    logZ = jax.nn.logsumexp(sel, axis=1, keepdims=True)
    return sel - logZ                                 # log-probabilities [B, S]

if __name__ == "__main__":
    import jax
    _d = setup_inputs()
    print(jax.jit(kernel)(*tuple(_d.values())))

</pallas_src>

<mosaic_0001>
#map = affine_map<(d0, d1) -> (0)>
#map1 = affine_map<(d0, d1) -> (0, 0)>
module attributes {stable_mosaic.version = 14 : i64} {
  func.func @sc_call(%arg0: i32, %arg1: i32, %arg2: memref<3276800xi32, #tpu.memory_space<hbm>>, %arg3: memref<16384xi32, #tpu.memory_space<hbm>>, %arg4: memref<128000000xf32, #tpu.memory_space<hbm>>, %arg5: memref<16384x256xf32, #tpu.memory_space<hbm>>, %arg6: memref<528xi32, #tpu.memory_space<vmem>>, %arg7: memref<25632xi32, #tpu.memory_space<vmem>>, %arg8: memref<25632xi32, #tpu.memory_space<vmem>>, %arg9: memref<25632xf32, #tpu.memory_space<vmem>>, %arg10: memref<2x8x2x8x128xf32, #tpu.memory_space<vmem>>, %arg11: memref<!tpu.dma_semaphore, #tpu.memory_space<semaphore_mem>>, %arg12: memref<!tpu.dma_semaphore, #tpu.memory_space<semaphore_mem>>, %arg13: memref<!tpu.dma_semaphore, #tpu.memory_space<semaphore_mem>>) attributes {dimension_semantics = [#tpu.dimension_semantics<core_parallel>, #tpu.dimension_semantics<subcore_parallel>], iteration_bounds = array<i64: 2, 16>, scalar_prefetch = 0 : i64, scratch_operands = 8 : i64, tpu.core_type = #tpu.core_type<sc_vector_subcore>, window_params = [{transform_indices = #map}, {transform_indices = #map}, {transform_indices = #map}, {transform_indices = #map1}]} {
    %mul3A = arith.constant 2 : i32
    %mul3A_0 = arith.muli %arg1, %mul3A : i32
    %add3A = arith.addi %mul3A_0, %arg0 : i32
    %mul3A_1 = arith.constant 512 : i32
    %mul3A_2 = arith.muli %add3A, %mul3A_1 : i32
    "tpu.region"() ({
      %run_scoped3A = tpu.sem_alloc : memref<!tpu.dma_semaphore, #tpu.memory_space<semaphore_mem>>
      %dma_start3A_595 = arith.constant 0 : i32
      %dma_start3A_596 = tpu.memref_slice %arg6[%dma_start3A_595] : memref<528xi32, #tpu.memory_space<vmem>> -> memref<512xi32, #tpu.memory_space<vmem>>
      %dma_start3A_597 = tpu.memref_slice %arg3[%mul3A_2] : memref<16384xi32, #tpu.memory_space<hbm>> -> memref<512xi32, #tpu.memory_space<hbm>>
      %dma_start3A_598 = arith.constant 0 : i32
      %dma_start3A_599 = tpu.memref_slice %arg6[%dma_start3A_598] : memref<528xi32, #tpu.memory_space<vmem>> -> memref<512xi32, #tpu.memory_space<vmem>>
      %dma_start3A_600 = tpu.memref_slice %arg3[%mul3A_2] : memref<16384xi32, #tpu.memory_space<hbm>> -> memref<512xi32, #tpu.memory_space<hbm>>
      tpu.enqueue_dma source(%dma_start3A_600 : memref<512xi32, #tpu.memory_space<hbm>>) target(%dma_start3A_599 : memref<512xi32, #tpu.memory_space<vmem>>) target_semaphore(%run_scoped3A : memref<!tpu.dma_semaphore, #tpu.memory_space<semaphore_mem>>)
      %dma_wait3A_601 = arith.constant 0 : i32
      %dma_wait3A_602 = tpu.memref_slice %arg6[%dma_wait3A_601] : memref<528xi32, #tpu.memory_space<vmem>> -> memref<512xi32, #tpu.memory_space<vmem>>
      %dma_wait3A_603 = tpu.memref_slice %arg3[%mul3A_2] : memref<16384xi32, #tpu.memory_space<hbm>> -> memref<512xi32, #tpu.memory_space<hbm>>
      %dma_wait3A_604 = arith.constant 0 : i32
      %dma_wait3A_605 = tpu.memref_slice %arg6[%dma_wait3A_604] : memref<528xi32, #tpu.memory_space<vmem>> -> memref<512xi32, #tpu.memory_space<vmem>>
      %dma_wait3A_606 = tpu.memref_slice %arg3[%mul3A_2] : memref<16384xi32, #tpu.memory_space<hbm>> -> memref<512xi32, #tpu.memory_space<hbm>>
      tpu.wait_dma2 semaphore(%run_scoped3A : memref<!tpu.dma_semaphore, #tpu.memory_space<semaphore_mem>>) src(%dma_wait3A_606 : memref<512xi32, #tpu.memory_space<hbm>>) dst(%dma_wait3A_605 : memref<512xi32, #tpu.memory_space<vmem>>)
      tpu.yield
    }) : () -> ()
    %iota3A = tpu.iota {dimensions = array<i32: 0>} : vector<16xi32>
    %lt3A = arith.constant 8 : i32
    %lt3A_3 = vector.broadcast %lt3A : i32 to vector<16xi32>
    %lt3A_4 = arith.cmpi slt, %iota3A, %lt3A_3 : vector<16xi32>
    %add3A_5 = arith.constant 0 : i32
    %add3A_6 = arith.addi %mul3A_2, %add3A_5 : i32
    %mul3A_7 = arith.constant 200 : i32
    %mul3A_8 = arith.muli %add3A_6, %mul3A_7 : i32
    %dma_start3A = arith.constant 0 : i32
    %dma_start3A_9 = tpu.memref_slice %arg7[%dma_start3A] : memref<25632xi32, #tpu.memory_space<vmem>> -> memref<12800xi32, #tpu.memory_space<vmem>>
    %dma_start3A_10 = tpu.memref_slice %arg2[%mul3A_8] : memref<3276800xi32, #tpu.memory_space<hbm>> -> memref<12800xi32, #tpu.memory_space<hbm>>
    %dma_start3A_11 = arith.constant 0 : i32
    %dma_start3A_12 = tpu.memref_slice %arg7[%dma_start3A_11] : memref<25632xi32, #tpu.memory_space<vmem>> -> memref<12800xi32, #tpu.memory_space<vmem>>
    %dma_start3A_13 = tpu.memref_slice %arg2[%mul3A_8] : memref<3276800xi32, #tpu.memory_space<hbm>> -> memref<12800xi32, #tpu.memory_space<hbm>>
    tpu.enqueue_dma source(%dma_start3A_13 : memref<12800xi32, #tpu.memory_space<hbm>>) target(%dma_start3A_12 : memref<12800xi32, #tpu.memory_space<vmem>>) target_semaphore(%arg12 : memref<!tpu.dma_semaphore, #tpu.memory_space<semaphore_mem>>)
    %dma_wait3A = arith.constant 0 : i32
    %dma_wait3A_14 = tpu.memref_slice %arg7[%dma_wait3A] : memref<25632xi32, #tpu.memory_space<vmem>> -> memref<12800xi32, #tpu.memory_space<vmem>>
    %dma_wait3A_15 = arith.constant 0 : i32
    %dma_wait3A_16 = tpu.memref_slice %arg3[%dma_wait3A_15] : memref<16384xi32, #tpu.memory_space<hbm>> -> memref<12800xi32, #tpu.memory_space<hbm>>
    %dma_wait3A_17 = arith.constant 0 : i32
    %dma_wait3A_18 = tpu.memref_slice %arg7[%dma_wait3A_17] : memref<25632xi32, #tpu.memory_space<vmem>> -> memref<12800xi32, #tpu.memory_space<vmem>>
    %dma_wait3A_19 = arith.constant 0 : i32
    %dma_wait3A_20 = tpu.memref_slice %arg3[%dma_wait3A_19] : memref<16384xi32, #tpu.memory_space<hbm>> -> memref<12800xi32, #tpu.memory_space<hbm>>
    tpu.wait_dma2 semaphore(%arg12 : memref<!tpu.dma_semaphore, #tpu.memory_space<semaphore_mem>>) src(%dma_wait3A_20 : memref<12800xi32, #tpu.memory_space<hbm>>) dst(%dma_wait3A_18 : memref<12800xi32, #tpu.memory_space<vmem>>)
    %scan3A = arith.constant 0 : i32
    %scan3A_21 = arith.constant 0 : i32
    %scan3A_22 = arith.constant 64 : i32
    %scan3A_23 = arith.addi %scan3A_21, %scan3A_22 : i32
    %scan3A_24 = arith.constant 1 : i32
    %scan3A_25 = scf.for %scan3A_595 = %scan3A_21 to %scan3A_23 step %scan3A_24 iter_args(%scan3A_596 = %scan3A) -> (i32)  : i32 {
      %add3A_597 = arith.constant 0 : i32
      %add3A_598 = arith.addi %add3A_597, %scan3A_595 : i32
      %get3A = arith.index_cast %add3A_598 : i32 to index
      %get3A_599 = tpu.vector_load %arg6[%get3A] {strides = array<i32>} : memref<528xi32, #tpu.memory_space<vmem>>, vector<16xi32>,
      %get3A_600 = vector.shape_cast %get3A_599 : vector<16xi32> to vector<16xi32>
      %slice3A = vector.extract_strided_slice %get3A_600 {offsets = [0], sizes = [1], strides = [1]} : vector<16xi32> to vector<1xi32>
      %squeeze3A = vector.extract %slice3A[0] : i32 from vector<1xi32>
      %jit3A = arith.constant 0 : i32
      %jit3A_601 = arith.constant 4 : i32
      %max3A = arith.maxsi %jit3A, %squeeze3A : i32
      %min3A = arith.minsi %jit3A_601, %max3A : i32
      %mul3A_602 = arith.constant 200 : i32
      %mul3A_603 = arith.muli %scan3A_595, %mul3A_602 : i32
      %add3A_604 = arith.constant 0 : i32
      %add3A_605 = arith.addi %add3A_604, %mul3A_603 : i32
      %add3A_606 = arith.constant 0 : i32
      %add3A_607 = arith.addi %add3A_605, %add3A_606 : i32
      %get3A_608 = arith.index_cast %add3A_607 : i32 to index
      %get3A_609 = tpu.vector_load %arg7[%get3A_608] {strides = array<i32>} : memref<25632xi32, #tpu.memory_space<vmem>>, vector<16xi32>,
      %get3A_610 = vector.shape_cast %get3A_609 : vector<16xi32> to vector<16xi32>
      %mul3A_611 = arith.constant 128 : i32
      %mul3A_612 = vector.broadcast %mul3A_611 : i32 to vector<16xi32>
      %mul3A_613 = arith.muli %get3A_610, %mul3A_612 : vector<16xi32>
      %add3A_614 = vector.broadcast %min3A : i32 to vector<16xi32>
      %add3A_615 = arith.addi %mul3A_613, %add3A_614 : vector<16xi32>
      %add3A_616 = arith.constant 0 : i32
      %add3A_617 = arith.addi %add3A_605, %add3A_616 : i32
      %swap3A = arith.index_cast %add3A_617 : i32 to index
      %swap3A_618 = tpu.vector_load %arg8[%swap3A] {strides = array<i32>} : memref<25632xi32, #tpu.memory_space<vmem>>, vector<16xi32>,
      %swap3A_619 = vector.shape_cast %swap3A_618 : vector<16xi32> to vector<16xi32>
      %swap3A_620 = vector.shape_cast %add3A_615 : vector<16xi32> to vector<16xi32>
      tpu.vector_store %arg8[%swap3A], %swap3A_620 {strides = array<i32>} : memref<25632xi32, #tpu.memory_space<vmem>>, vector<16xi32>,
      %add3A_621 = arith.constant 16 : i32
      %add3A_622 = arith.addi %add3A_605, %add3A_621 : i32
      %get3A_623 = arith.index_cast %add3A_622 : i32 to index
      %get3A_624 = tpu.vector_load %arg7[%get3A_623] {strides = array<i32>} : memref<25632xi32, #tpu.memory_space<vmem>>, vector<16xi32>,
      %get3A_625 = vector.shape_cast %get3A_624 : vector<16xi32> to vector<16xi32>
      %mul3A_626 = arith.constant 128 : i32
      %mul3A_627 = vector.broadcast %mul3A_626 : i32 to vector<16xi32>
      %mul3A_628 = arith.muli %get3A_625, %mul3A_627 : vector<16xi32>
      %add3A_629 = vector.broadcast %min3A : i32 to vector<16xi32>
      %add3A_630 = arith.addi %mul3A_628, %add3A_629 : vector<16xi32>
      %add3A_631 = arith.constant 16 : i32
      %add3A_632 = arith.addi %add3A_605, %add3A_631 : i32
      %swap3A_633 = arith.index_cast %add3A_632 : i32 to index
      %swap3A_634 = tpu.vector_load %arg8[%swap3A_633] {strides = array<i32>} : memref<25632xi32, #tpu.memory_space<vmem>>, vector<16xi32>,
      %swap3A_635 = vector.shape_cast %swap3A_634 : vector<16xi32> to vector<16xi32>
      %swap3A_636 = vector.shape_cast %add3A_630 : vector<16xi32> to vector<16xi32>
      tpu.vector_store %arg8[%swap3A_633], %swap3A_636 {strides = array<i32>} : memref<25632xi32, #tpu.memory_space<vmem>>, vector<16xi32>,
      %add3A_637 = arith.constant 32 : i32
      %add3A_638 = arith.addi %add3A_605, %add3A_637 : i32
      %get3A_639 = arith.index_cast %add3A_638 : i32 to index
      %get3A_640 = tpu.vector_load %arg7[%get3A_639] {strides = array<i32>} : memref<25632xi32, #tpu.memory_space<vmem>>, vector<16xi32>,
      %get3A_641 = vector.shape_cast %get3A_640 : vector<16xi32> to vector<16xi32>
      %mul3A_642 = arith.constant 128 : i32
      %mul3A_643 = vector.broadcast %mul3A_642 : i32 to vector<16xi32>
      %mul3A_644 = arith.muli %get3A_641, %mul3A_643 : vector<16xi32>
      %add3A_645 = vector.broadcast %min3A : i32 to vector<16xi32>
      %add3A_646 = arith.addi %mul3A_644, %add3A_645 : vector<16xi32>
      %add3A_647 = arith.constant 32 : i32
      %add3A_648 = arith.addi %add3A_605, %add3A_647 : i32
      %swap3A_649 = arith.index_cast %add3A_648 : i32 to index
      %swap3A_650 = tpu.vector_load %arg8[%swap3A_649] {strides = array<i32>} : memref<25632xi32, #tpu.memory_space<vmem>>, vector<16xi32>,
      %swap3A_651 = vector.shape_cast %swap3A_650 : vector<16xi32> to vector<16xi32>
      %swap3A_652 = vector.shape_cast %add3A_646 : vector<16xi32> to vector<16xi32>
      tpu.vector_store %arg8[%swap3A_649], %swap3A_652 {strides = array<i32>} : memref<25632xi32, #tpu.memory_space<vmem>>, vector<16xi32>,
      %add3A_653 = arith.constant 48 : i32
      %add3A_654 = arith.addi %add3A_605, %add3A_653 : i32
      %get3A_655 = arith.index_cast %add3A_654 : i32 to index
      %get3A_656 = tpu.vector_load %arg7[%get3A_655] {strides = array<i32>} : memref<25632xi32, #tpu.memory_space<vmem>>, vector<16xi32>,
      %get3A_657 = vector.shape_cast %get3A_656 : vector<16xi32> to vector<16xi32>
      %mul3A_658 = arith.constant 128 : i32
      %mul3A_659 = vector.broadcast %mul3A_658 : i32 to vector<16xi32>
      %mul3A_660 = arith.muli %get3A_657, %mul3A_659 : vector<16xi32>
      %add3A_661 = vector.broadcast %min3A : i32 to vector<16xi32>
      %add3A_662 = arith.addi %mul3A_660, %add3A_661 : vector<16xi32>
      %add3A_663 = arith.constant 48 : i32
      %add3A_664 = arith.addi %add3A_605, %add3A_663 : i32
      %swap3A_665 = arith.index_cast %add3A_664 : i32 to index
      %swap3A_666 = tpu.vector_load %arg8[%swap3A_665] {strides = array<i32>} : memref<25632xi32, #tpu.memory_space<vmem>>, vector<16xi32>,
      %swap3A_667 = vector.shape_cast %swap3A_666 : vector<16xi32> to vector<16xi32>
      %swap3A_668 = vector.shape_cast %add3A_662 : vector<16xi32> to vector<16xi32>
      tpu.vector_store %arg8[%swap3A_665], %swap3A_668 {strides = array<i32>} : memref<25632xi32, #tpu.memory_space<vmem>>, vector<16xi32>,
      %add3A_669 = arith.constant 64 : i32
      %add3A_670 = arith.addi %add3A_605, %add3A_669 : i32
      %get3A_671 = arith.index_cast %add3A_670 : i32 to index
      %get3A_672 = tpu.vector_load %arg7[%get3A_671] {strides = array<i32>} : memref<25632xi32, #tpu.memory_space<vmem>>, vector<16xi32>,
      %get3A_673 = vector.shape_cast %get3A_672 : vector<16xi32> to vector<16xi32>
      %mul3A_674 = arith.constant 128 : i32
      %mul3A_675 = vector.broadcast %mul3A_674 : i32 to vector<16xi32>
      %mul3A_676 = arith.muli %get3A_673, %mul3A_675 : vector<16xi32>
      %add3A_677 = vector.broadcast %min3A : i32 to vector<16xi32>
      %add3A_678 = arith.addi %mul3A_676, %add3A_677 : vector<16xi32>
      %add3A_679 = arith.constant 64 : i32
      %add3A_680 = arith.addi %add3A_605, %add3A_679 : i32
      %swap3A_681 = arith.index_cast %add3A_680 : i32 to index
      %swap3A_682 = tpu.vector_load %arg8[%swap3A_681] {strides = array<i32>} : memref<25632xi32, #tpu.memory_space<vmem>>, vector<16xi32>,
      %swap3A_683 = vector.shape_cast %swap3A_682 : vector<16xi32> to vector<16xi32>
      %swap3A_684 = vector.shape_cast %add3A_678 : vector<16xi32> to vector<16xi32>
      tpu.vector_store %arg8[%swap3A_681], %swap3A_684 {strides = array<i32>} : memref<25632xi32, #tpu.memory_space<vmem>>, vector<16xi32>,
      %add3A_685 = arith.constant 80 : i32
      %add3A_686 = arith.addi %add3A_605, %add3A_685 : i32
      %get3A_687 = arith.index_cast %add3A_686 : i32 to index
      %get3A_688 = tpu.vector_load %arg7[%get3A_687] {strides = array<i32>} : memref<25632xi32, #tpu.memory_space<vmem>>, vector<16xi32>,
      %get3A_689 = vector.shape_cast %get3A_688 : vector<16xi32> to vector<16xi32>
      %mul3A_690 = arith.constant 128 : i32
      %mul3A_691 = vector.broadcast %mul3A_690 : i32 to vector<16xi32>
      %mul3A_692 = arith.muli %get3A_689, %mul3A_691 : vector<16xi32>
      %add3A_693 = vector.broadcast %min3A : i32 to vector<16xi32>
      %add3A_694 = arith.addi %mul3A_692, %add3A_693 : vector<16xi32>
      %add3A_695 = arith.constant 80 : i32
      %add3A_696 = arith.addi %add3A_605, %add3A_695 : i32
      %swap3A_697 = arith.index_cast %add3A_696 : i32 to index
      %swap3A_698 = tpu.vector_load %arg8[%swap3A_697] {strides = array<i32>} : memref<25632xi32, #tpu.memory_space<vmem>>, vector<16xi32>,
      %swap3A_699 = vector.shape_cast %swap3A_698 : vector<16xi32> to vector<16xi32>
      %swap3A_700 = vector.shape_cast %add3A_694 : vector<16xi32> to vector<16xi32>
      tpu.vector_store %arg8[%swap3A_697], %swap3A_700 {strides = array<i32>} : memref<25632xi32, #tpu.memory_space<vmem>>, vector<16xi32>,
      %add3A_701 = arith.constant 96 : i32
      %add3A_702 = arith.addi %add3A_605, %add3A_701 : i32
      %get3A_703 = arith.index_cast %add3A_702 : i32 to index
      %get3A_704 = tpu.vector_load %arg7[%get3A_703] {strides = array<i32>} : memref<25632xi32, #tpu.memory_space<vmem>>, vector<16xi32>,
      %get3A_705 = vector.shape_cast %get3A_704 : vector<16xi32> to vector<16xi32>
      %mul3A_706 = arith.constant 128 : i32
      %mul3A_707 = vector.broadcast %mul3A_706 : i32 to vector<16xi32>
      %mul3A_708 = arith.muli %get3A_705, %mul3A_707 : vector<16xi32>
      %add3A_709 = vector.broadcast %min3A : i32 to vector<16xi32>
      %add3A_710 = arith.addi %mul3A_708, %add3A_709 : vector<16xi32>
      %add3A_711 = arith.constant 96 : i32
      %add3A_712 = arith.addi %add3A_605, %add3A_711 : i32
      %swap3A_713 = arith.index_cast %add3A_712 : i32 to index
      %swap3A_714 = tpu.vector_load %arg8[%swap3A_713] {strides = array<i32>} : memref<25632xi32, #tpu.memory_space<vmem>>, vector<16xi32>,
      %swap3A_715 = vector.shape_cast %swap3A_714 : vector<16xi32> to vector<16xi32>
      %swap3A_716 = vector.shape_cast %add3A_710 : vector<16xi32> to vector<16xi32>
      tpu.vector_store %arg8[%swap3A_713], %swap3A_716 {strides = array<i32>} : memref<25632xi32, #tpu.memory_space<vmem>>, vector<16xi32>,
      %add3A_717 = arith.constant 112 : i32
      %add3A_718 = arith.addi %add3A_605, %add3A_717 : i32
      %get3A_719 = arith.index_cast %add3A_718 : i32 to index
      %get3A_720 = tpu.vector_load %arg7[%get3A_719] {strides = array<i32>} : memref<25632xi32, #tpu.memory_space<vmem>>, vector<16xi32>,
      %get3A_721 = vector.shape_cast %get3A_720 : vector<16xi32> to vector<16xi32>
      %mul3A_722 = arith.constant 128 : i32
      %mul3A_723 = vector.broadcast %mul3A_722 : i32 to vector<16xi32>
      %mul3A_724 = arith.muli %get3A_721, %mul3A_723 : vector<16xi32>
      %add3A_725 = vector.broadcast %min3A : i32 to vector<16xi32>
      %add3A_726 = arith.addi %mul3A_724, %add3A_725 : vector<16xi32>
      %add3A_727 = arith.constant 112 : i32
      %add3A_728 = arith.addi %add3A_605, %add3A_727 : i32
      %swap3A_729 = arith.index_cast %add3A_728 : i32 to index
      %swap3A_730 = tpu.vector_load %arg8[%swap3A_729] {strides = array<i32>} : memref<25632xi32, #tpu.memory_space<vmem>>, vector<16xi32>,
      %swap3A_731 = vector.shape_cast %swap3A_730 : vector<16xi32> to vector<16xi32>
      %swap3A_732 = vector.shape_cast %add3A_726 : vector<16xi32> to vector<16xi32>
      tpu.vector_store %arg8[%swap3A_729], %swap3A_732 {strides = array<i32>} : memref<25632xi32, #tpu.memory_space<vmem>>, vector<16xi32>,
      %add3A_733 = arith.constant 128 : i32
      %add3A_734 = arith.addi %add3A_605, %add3A_733 : i32
      %get3A_735 = arith.index_cast %add3A_734 : i32 to index
      %get3A_736 = tpu.vector_load %arg7[%get3A_735] {strides = array<i32>} : memref<25632xi32, #tpu.memory_space<vmem>>, vector<16xi32>,
      %get3A_737 = vector.shape_cast %get3A_736 : vector<16xi32> to vector<16xi32>
      %mul3A_738 = arith.constant 128 : i32
      %mul3A_739 = vector.broadcast %mul3A_738 : i32 to vector<16xi32>
      %mul3A_740 = arith.muli %get3A_737, %mul3A_739 : vector<16xi32>
      %add3A_741 = vector.broadcast %min3A : i32 to vector<16xi32>
      %add3A_742 = arith.addi %mul3A_740, %add3A_741 : vector<16xi32>
      %add3A_743 = arith.constant 128 : i32
      %add3A_744 = arith.addi %add3A_605, %add3A_743 : i32
      %swap3A_745 = arith.index_cast %add3A_744 : i32 to index
      %swap3A_746 = tpu.vector_load %arg8[%swap3A_745] {strides = array<i32>} : memref<25632xi32, #tpu.memory_space<vmem>>, vector<16xi32>,
      %swap3A_747 = vector.shape_cast %swap3A_746 : vector<16xi32> to vector<16xi32>
      %swap3A_748 = vector.shape_cast %add3A_742 : vector<16xi32> to vector<16xi32>
      tpu.vector_store %arg8[%swap3A_745], %swap3A_748 {strides = array<i32>} : memref<25632xi32, #tpu.memory_space<vmem>>, vector<16xi32>,
      %add3A_749 = arith.constant 144 : i32
      %add3A_750 = arith.addi %add3A_605, %add3A_749 : i32
      %get3A_751 = arith.index_cast %add3A_750 : i32 to index
      %get3A_752 = tpu.vector_load %arg7[%get3A_751] {strides = array<i32>} : memref<25632xi32, #tpu.memory_space<vmem>>, vector<16xi32>,
      %get3A_753 = vector.shape_cast %get3A_752 : vector<16xi32> to vector<16xi32>
      %mul3A_754 = arith.constant 128 : i32
      %mul3A_755 = vector.broadcast %mul3A_754 : i32 to vector<16xi32>
      %mul3A_756 = arith.muli %get3A_753, %mul3A_755 : vector<16xi32>
      %add3A_757 = vector.broadcast %min3A : i32 to vector<16xi32>
      %add3A_758 = arith.addi %mul3A_756, %add3A_757 : vector<16xi32>
      %add3A_759 = arith.constant 144 : i32
      %add3A_760 = arith.addi %add3A_605, %add3A_759 : i32
      %swap3A_761 = arith.index_cast %add3A_760 : i32 to index
      %swap3A_762 = tpu.vector_load %arg8[%swap3A_761] {strides = array<i32>} : memref<25632xi32, #tpu.memory_space<vmem>>, vector<16xi32>,
      %swap3A_763 = vector.shape_cast %swap3A_762 : vector<16xi32> to vector<16xi32>
      %swap3A_764 = vector.shape_cast %add3A_758 : vector<16xi32> to vector<16xi32>
      tpu.vector_store %arg8[%swap3A_761], %swap3A_764 {strides = array<i32>} : memref<25632xi32, #tpu.memory_space<vmem>>, vector<16xi32>,
      %add3A_765 = arith.constant 160 : i32
      %add3A_766 = arith.addi %add3A_605, %add3A_765 : i32
      %get3A_767 = arith.index_cast %add3A_766 : i32 to index
      %get3A_768 = tpu.vector_load %arg7[%get3A_767] {strides = array<i32>} : memref<25632xi32, #tpu.memory_space<vmem>>, vector<16xi32>,
      %get3A_769 = vector.shape_cast %get3A_768 : vector<16xi32> to vector<16xi32>
      %mul3A_770 = arith.constant 128 : i32
      %mul3A_771 = vector.broadcast %mul3A_770 : i32 to vector<16xi32>
      %mul3A_772 = arith.muli %get3A_769, %mul3A_771 : vector<16xi32>
      %add3A_773 = vector.broadcast %min3A : i32 to vector<16xi32>
      %add3A_774 = arith.addi %mul3A_772, %add3A_773 : vector<16xi32>
      %add3A_775 = arith.constant 160 : i32
      %add3A_776 = arith.addi %add3A_605, %add3A_775 : i32
      %swap3A_777 = arith.index_cast %add3A_776 : i32 to index
      %swap3A_778 = tpu.vector_load %arg8[%swap3A_777] {strides = array<i32>} : memref<25632xi32, #tpu.memory_space<vmem>>, vector<16xi32>,
      %swap3A_779 = vector.shape_cast %swap3A_778 : vector<16xi32> to vector<16xi32>
      %swap3A_780 = vector.shape_cast %add3A_774 : vector<16xi32> to vector<16xi32>
      tpu.vector_store %arg8[%swap3A_777], %swap3A_780 {strides = array<i32>} : memref<25632xi32, #tpu.memory_space<vmem>>, vector<16xi32>,
      %add3A_781 = arith.constant 176 : i32
      %add3A_782 = arith.addi %add3A_605, %add3A_781 : i32
      %get3A_783 = arith.index_cast %add3A_782 : i32 to index
      %get3A_784 = tpu.vector_load %arg7[%get3A_783] {strides = array<i32>} : memref<25632xi32, #tpu.memory_space<vmem>>, vector<16xi32>,
      %get3A_785 = vector.shape_cast %get3A_784 : vector<16xi32> to vector<16xi32>
      %mul3A_786 = arith.constant 128 : i32
      %mul3A_787 = vector.broadcast %mul3A_786 : i32 to vector<16xi32>
      %mul3A_788 = arith.muli %get3A_785, %mul3A_787 : vector<16xi32>
      %add3A_789 = vector.broadcast %min3A : i32 to vector<16xi32>
      %add3A_790 = arith.addi %mul3A_788, %add3A_789 : vector<16xi32>
      %add3A_791 = arith.constant 176 : i32
      %add3A_792 = arith.addi %add3A_605, %add3A_791 : i32
      %swap3A_793 = arith.index_cast %add3A_792 : i32 to index
      %swap3A_794 = tpu.vector_load %arg8[%swap3A_793] {strides = array<i32>} : memref<25632xi32, #tpu.memory_space<vmem>>, vector<16xi32>,
      %swap3A_795 = vector.shape_cast %swap3A_794 : vector<16xi32> to vector<16xi32>
      %swap3A_796 = vector.shape_cast %add3A_790 : vector<16xi32> to vector<16xi32>
      tpu.vector_store %arg8[%swap3A_793], %swap3A_796 {strides = array<i32>} : memref<25632xi32, #tpu.memory_space<vmem>>, vector<16xi32>,
      %add3A_797 = arith.constant 192 : i32
      %add3A_798 = arith.addi %add3A_605, %add3A_797 : i32
      %get3A_799 = arith.index_cast %add3A_798 : i32 to index
      %get3A_800 = tpu.vector_load %arg7[%get3A_799] {strides = array<i32>} : memref<25632xi32, #tpu.memory_space<vmem>>, vector<16xi32>,
      %get3A_801 = vector.shape_cast %get3A_800 : vector<16xi32> to vector<16xi32>
      %mul3A_802 = arith.constant 128 : i32
      %mul3A_803 = vector.broadcast %mul3A_802 : i32 to vector<16xi32>
      %mul3A_804 = arith.muli %get3A_801, %mul3A_803 : vector<16xi32>
      %add3A_805 = vector.broadcast %min3A : i32 to vector<16xi32>
      %add3A_806 = arith.addi %mul3A_804, %add3A_805 : vector<16xi32>
      %add3A_807 = arith.constant 192 : i32
      %add3A_808 = arith.addi %add3A_605, %add3A_807 : i32
      %swap3A_809 = arith.index_cast %add3A_808 : i32 to index
      %swap3A_810 = tpu.vector_load %arg8[%swap3A_809] {strides = array<i32>} : memref<25632xi32, #tpu.memory_space<vmem>>, vector<16xi32>,
      %swap3A_811 = vector.shape_cast %swap3A_810 : vector<16xi32> to vector<16xi32>
      %swap3A_812 = vector.shape_cast %add3A_806 : vector<16xi32> to vector<16xi32>
      tpu.vector_store %arg8[%swap3A_809], %swap3A_812 {strides = array<i32>} : memref<25632xi32, #tpu.memory_space<vmem>>, vector<16xi32>,
      %scan3A_813 = arith.constant 0 : i32
      scf.yield %scan3A_813 : i32
    }
    %scan3A_26 = arith.constant 64 : i32
    %scan3A_27 = arith.constant 0 : i32
    %scan3A_28 = arith.constant 0 : i32
    %scan3A_29 = arith.constant 2 : i32
    %scan3A_30 = arith.addi %scan3A_28, %scan3A_29 : i32
    %scan3A_31 = arith.constant 1 : i32
    %scan3A_32 = scf.for %scan3A_595 = %scan3A_28 to %scan3A_30 step %scan3A_31 iter_args(%scan3A_596 = %scan3A_27) -> (i32)  : i32 {
      %mul3A_597 = arith.constant 6400 : i32
      %mul3A_598 = arith.muli %scan3A_595, %mul3A_597 : i32
      %add3A_599 = arith.constant 0 : i32
      %add3A_600 = arith.addi %add3A_599, %mul3A_598 : i32
      %mul3A_601 = arith.constant 6400 : i32
      %mul3A_602 = arith.muli %scan3A_595, %mul3A_601 : i32
      %add3A_603 = arith.constant 0 : i32
      %add3A_604 = arith.addi %add3A_603, %mul3A_602 : i32
      %dma_start3A_605 = tpu.memref_slice %arg9[%add3A_604] : memref<25632xf32, #tpu.memory_space<vmem>> -> memref<6400xf32, #tpu.memory_space<vmem>>
      %dma_start3A_606 = tpu.memref_slice %arg8[%add3A_600] : memref<25632xi32, #tpu.memory_space<vmem>> -> memref<6400xi32, #tpu.memory_space<vmem>>
      %dma_start3A_607 = arith.constant 0 : i32
      %dma_start3A_608 = tpu.memref_slice %arg4[%dma_start3A_607] : memref<128000000xf32, #tpu.memory_space<hbm>> -> memref<128000000xf32, #tpu.memory_space<hbm>>
      tpu.enqueue_indirect_dma source(%dma_start3A_608 : memref<128000000xf32, #tpu.memory_space<hbm>>) target(%dma_start3A_605 : memref<6400xf32, #tpu.memory_space<vmem>>) offsets(%dma_start3A_606 : memref<6400xi32, #tpu.memory_space<vmem>>) semaphore(%arg11 : memref<!tpu.dma_semaphore, #tpu.memory_space<semaphore_mem>>)
      %scan3A_609 = arith.constant 0 : i32
      scf.yield %scan3A_609 : i32
    }
    %scan3A_33 = arith.constant 2 : i32
    %add3A_34 = arith.constant 64 : i32
    %add3A_35 = arith.addi %mul3A_2, %add3A_34 : i32
    %mul3A_36 = arith.constant 200 : i32
    %mul3A_37 = arith.muli %add3A_35, %mul3A_36 : i32
    %dma_start3A_38 = arith.constant 12816 : i32
    %dma_start3A_39 = tpu.memref_slice %arg7[%dma_start3A_38] : memref<25632xi32, #tpu.memory_space<vmem>> -> memref<12800xi32, #tpu.memory_space<vmem>>
    %dma_start3A_40 = tpu.memref_slice %arg2[%mul3A_37] : memref<3276800xi32, #tpu.memory_space<hbm>> -> memref<12800xi32, #tpu.memory_space<hbm>>
    %dma_start3A_41 = arith.constant 12816 : i32
    %dma_start3A_42 = tpu.memref_slice %arg7[%dma_start3A_41] : memref<25632xi32, #tpu.memory_space<vmem>> -> memref<12800xi32, #tpu.memory_space<vmem>>
    %dma_start3A_43 = tpu.memref_slice %arg2[%mul3A_37] : memref<3276800xi32, #tpu.memory_space<hbm>> -> memref<12800xi32, #tpu.memory_space<hbm>>
    tpu.enqueue_dma source(%dma_start3A_43 : memref<12800xi32, #tpu.memory_space<hbm>>) target(%dma_start3A_42 : memref<12800xi32, #tpu.memory_space<vmem>>) target_semaphore(%arg12 : memref<!tpu.dma_semaphore, #tpu.memory_space<semaphore_mem>>)
    %scan3A_44 = arith.constant 0 : i32
    %scan3A_45 = arith.constant 0 : i32
    %scan3A_46 = arith.constant 8 : i32
    %scan3A_47 = arith.addi %scan3A_45, %scan3A_46 : i32
    %scan3A_48 = arith.constant 1 : i32
    %scan3A_49 = scf.for %scan3A_595 = %scan3A_45 to %scan3A_47 step %scan3A_48 iter_args(%scan3A_596 = %scan3A_44) -> (i32)  : i32 {
      %rem3A = arith.constant 2 : i32
      %rem3A_597 = arith.remsi %scan3A_595, %rem3A : i32
      %sub3A = arith.constant 1 : i32
      %sub3A_598 = arith.subi %sub3A, %rem3A_597 : i32
      %add3A_599 = arith.constant 1 : i32
      %add3A_600 = arith.addi %scan3A_595, %add3A_599 : i32
      %lt3A_601 = arith.constant 8 : i32
      %lt3A_602 = arith.cmpi slt, %add3A_600, %lt3A_601 : i32
      %convert_element_type3A = arith.extui %lt3A_602 : i1 to i32
      %cond3A = arith.constant 0 : i32
      %cond3A_603 = arith.cmpi ne, %convert_element_type3A, %cond3A : i32
      scf.if %cond3A_603 {
        %mul3A_897 = arith.constant 12816 : i32
        %mul3A_898 = arith.muli %sub3A_598, %mul3A_897 : i32
        %dma_wait3A_899 = tpu.memref_slice %arg7[%mul3A_898] : memref<25632xi32, #tpu.memory_space<vmem>> -> memref<12800xi32, #tpu.memory_space<vmem>>
        %dma_wait3A_900 = arith.constant 0 : i32
        %dma_wait3A_901 = tpu.memref_slice %arg3[%dma_wait3A_900] : memref<16384xi32, #tpu.memory_space<hbm>> -> memref<12800xi32, #tpu.memory_space<hbm>>
        %dma_wait3A_902 = tpu.memref_slice %arg7[%mul3A_898] : memref<25632xi32, #tpu.memory_space<vmem>> -> memref<12800xi32, #tpu.memory_space<vmem>>
        %dma_wait3A_903 = arith.constant 0 : i32
        %dma_wait3A_904 = tpu.memref_slice %arg3[%dma_wait3A_903] : memref<16384xi32, #tpu.memory_space<hbm>> -> memref<12800xi32, #tpu.memory_space<hbm>>
        tpu.wait_dma2 semaphore(%arg12 : memref<!tpu.dma_semaphore, #tpu.memory_space<semaphore_mem>>) src(%dma_wait3A_904 : memref<12800xi32, #tpu.memory_space<hbm>>) dst(%dma_wait3A_902 : memref<12800xi32, #tpu.memory_space<vmem>>)
        %add3A_905 = arith.constant 1 : i32
        %add3A_906 = arith.addi %scan3A_595, %add3A_905 : i32
        %scan3A_907 = arith.constant 0 : i32
        %scan3A_908 = arith.constant 0 : i32
        %scan3A_909 = arith.constant 64 : i32
        %scan3A_910 = arith.addi %scan3A_908, %scan3A_909 : i32
        %scan3A_911 = arith.constant 1 : i32
        %scan3A_912 = scf.for %scan3A_914 = %scan3A_908 to %scan3A_910 step %scan3A_911 iter_args(%scan3A_915 = %scan3A_907) -> (i32)  : i32 {
          %mul3A_916 = arith.constant 64 : i32
          %mul3A_917 = arith.muli %add3A_906, %mul3A_916 : i32
          %add3A_918 = arith.addi %mul3A_917, %scan3A_914 : i32
          %get3A = arith.index_cast %add3A_918 : i32 to index
          %get3A_919 = tpu.vector_load %arg6[%get3A] {strides = array<i32>} : memref<528xi32, #tpu.memory_space<vmem>>, vector<16xi32>,
          %get3A_920 = vector.shape_cast %get3A_919 : vector<16xi32> to vector<16xi32>
          %slice3A = vector.extract_strided_slice %get3A_920 {offsets = [0], sizes = [1], strides = [1]} : vector<16xi32> to vector<1xi32>
          %squeeze3A = vector.extract %slice3A[0] : i32 from vector<1xi32>
          %jit3A = arith.constant 0 : i32
          %jit3A_921 = arith.constant 4 : i32
          %max3A = arith.maxsi %jit3A, %squeeze3A : i32
          %min3A = arith.minsi %jit3A_921, %max3A : i32
          %mul3A_922 = arith.constant 12816 : i32
          %mul3A_923 = arith.muli %sub3A_598, %mul3A_922 : i32
          %mul3A_924 = arith.constant 200 : i32
          %mul3A_925 = arith.muli %scan3A_914, %mul3A_924 : i32
          %add3A_926 = arith.addi %mul3A_923, %mul3A_925 : i32
          %add3A_927 = arith.constant 0 : i32
          %add3A_928 = arith.addi %add3A_926, %add3A_927 : i32
          %get3A_929 = arith.index_cast %add3A_928 : i32 to index
          %get3A_930 = tpu.vector_load %arg7[%get3A_929] {strides = array<i32>} : memref<25632xi32, #tpu.memory_space<vmem>>, vector<16xi32>,
          %get3A_931 = vector.shape_cast %get3A_930 : vector<16xi32> to vector<16xi32>
          %mul3A_932 = arith.constant 128 : i32
          %mul3A_933 = vector.broadcast %mul3A_932 : i32 to vector<16xi32>
          %mul3A_934 = arith.muli %get3A_931, %mul3A_933 : vector<16xi32>
          %add3A_935 = vector.broadcast %min3A : i32 to vector<16xi32>
          %add3A_936 = arith.addi %mul3A_934, %add3A_935 : vector<16xi32>
          %add3A_937 = arith.constant 0 : i32
          %add3A_938 = arith.addi %add3A_926, %add3A_937 : i32
          %swap3A = arith.index_cast %add3A_938 : i32 to index
          %swap3A_939 = tpu.vector_load %arg8[%swap3A] {strides = array<i32>} : memref<25632xi32, #tpu.memory_space<vmem>>, vector<16xi32>,
          %swap3A_940 = vector.shape_cast %swap3A_939 : vector<16xi32> to vector<16xi32>
          %swap3A_941 = vector.shape_cast %add3A_936 : vector<16xi32> to vector<16xi32>
          tpu.vector_store %arg8[%swap3A], %swap3A_941 {strides = array<i32>} : memref<25632xi32, #tpu.memory_space<vmem>>, vector<16xi32>,
          %add3A_942 = arith.constant 16 : i32
          %add3A_943 = arith.addi %add3A_926, %add3A_942 : i32
          %get3A_944 = arith.index_cast %add3A_943 : i32 to index
          %get3A_945 = tpu.vector_load %arg7[%get3A_944] {strides = array<i32>} : memref<25632xi32, #tpu.memory_space<vmem>>, vector<16xi32>,
          %get3A_946 = vector.shape_cast %get3A_945 : vector<16xi32> to vector<16xi32>
          %mul3A_947 = arith.constant 128 : i32
          %mul3A_948 = vector.broadcast %mul3A_947 : i32 to vector<16xi32>
          %mul3A_949 = arith.muli %get3A_946, %mul3A_948 : vector<16xi32>
          %add3A_950 = vector.broadcast %min3A : i32 to vector<16xi32>
          %add3A_951 = arith.addi %mul3A_949, %add3A_950 : vector<16xi32>
          %add3A_952 = arith.constant 16 : i32
          %add3A_953 = arith.addi %add3A_926, %add3A_952 : i32
          %swap3A_954 = arith.index_cast %add3A_953 : i32 to index
          %swap3A_955 = tpu.vector_load %arg8[%swap3A_954] {strides = array<i32>} : memref<25632xi32, #tpu.memory_space<vmem>>, vector<16xi32>,
          %swap3A_956 = vector.shape_cast %swap3A_955 : vector<16xi32> to vector<16xi32>
          %swap3A_957 = vector.shape_cast %add3A_951 : vector<16xi32> to vector<16xi32>
          tpu.vector_store %arg8[%swap3A_954], %swap3A_957 {strides = array<i32>} : memref<25632xi32, #tpu.memory_space<vmem>>, vector<16xi32>,
          %add3A_958 = arith.constant 32 : i32
          %add3A_959 = arith.addi %add3A_926, %add3A_958 : i32
          %get3A_960 = arith.index_cast %add3A_959 : i32 to index
          %get3A_961 = tpu.vector_load %arg7[%get3A_960] {strides = array<i32>} : memref<25632xi32, #tpu.memory_space<vmem>>, vector<16xi32>,
          %get3A_962 = vector.shape_cast %get3A_961 : vector<16xi32> to vector<16xi32>
          %mul3A_963 = arith.constant 128 : i32
          %mul3A_964 = vector.broadcast %mul3A_963 : i32 to vector<16xi32>
          %mul3A_965 = arith.muli %get3A_962, %mul3A_964 : vector<16xi32>
          %add3A_966 = vector.broadcast %min3A : i32 to vector<16xi32>
          %add3A_967 = arith.addi %mul3A_965, %add3A_966 : vector<16xi32>
          %add3A_968 = arith.constant 32 : i32
          %add3A_969 = arith.addi %add3A_926, %add3A_968 : i32
          %swap3A_970 = arith.index_cast %add3A_969 : i32 to index
          %swap3A_971 = tpu.vector_load %arg8[%swap3A_970] {strides = array<i32>} : memref<25632xi32, #tpu.memory_space<vmem>>, vector<16xi32>,
          %swap3A_972 = vector.shape_cast %swap3A_971 : vector<16xi32> to vector<16xi32>
          %swap3A_973 = vector.shape_cast %add3A_967 : vector<16xi32> to vector<16xi32>
          tpu.vector_store %arg8[%swap3A_970], %swap3A_973 {strides = array<i32>} : memref<25632xi32, #tpu.memory_space<vmem>>, vector<16xi32>,
          %add3A_974 = arith.constant 48 : i32
          %add3A_975 = arith.addi %add3A_926, %add3A_974 : i32
          %get3A_976 = arith.index_cast %add3A_975 : i32 to index
          %get3A_977 = tpu.vector_load %arg7[%get3A_976] {strides = array<i32>} : memref<25632xi32, #tpu.memory_space<vmem>>, vector<16xi32>,
          %get3A_978 = vector.shape_cast %get3A_977 : vector<16xi32> to vector<16xi32>
          %mul3A_979 = arith.constant 128 : i32
          %mul3A_980 = vector.broadcast %mul3A_979 : i32 to vector<16xi32>
          %mul3A_981 = arith.muli %get3A_978, %mul3A_980 : vector<16xi32>
          %add3A_982 = vector.broadcast %min3A : i32 to vector<16xi32>
          %add3A_983 = arith.addi %mul3A_981, %add3A_982 : vector<16xi32>
          %add3A_984 = arith.constant 48 : i32
          %add3A_985 = arith.addi %add3A_926, %add3A_984 : i32
          %swap3A_986 = arith.index_cast %add3A_985 : i32 to index
          %swap3A_987 = tpu.vector_load %arg8[%swap3A_986] {strides = array<i32>} : memref<25632xi32, #tpu.memory_space<vmem>>, vector<16xi32>,
          %swap3A_988 = vector.shape_cast %swap3A_987 : vector<16xi32> to vector<16xi32>
          %swap3A_989 = vector.shape_cast %add3A_983 : vector<16xi32> to vector<16xi32>
          tpu.vector_store %arg8[%swap3A_986], %swap3A_989 {strides = array<i32>} : memref<25632xi32, #tpu.memory_space<vmem>>, vector<16xi32>,
          %add3A_990 = arith.constant 64 : i32
          %add3A_991 = arith.addi %add3A_926, %add3A_990 : i32
          %get3A_992 = arith.index_cast %add3A_991 : i32 to index
          %get3A_993 = tpu.vector_load %arg7[%get3A_992] {strides = array<i32>} : memref<25632xi32, #tpu.memory_space<vmem>>, vector<16xi32>,
          %get3A_994 = vector.shape_cast %get3A_993 : vector<16xi32> to vector<16xi32>
          %mul3A_995 = arith.constant 128 : i32
          %mul3A_996 = vector.broadcast %mul3A_995 : i32 to vector<16xi32>
          %mul3A_997 = arith.muli %get3A_994, %mul3A_996 : vector<16xi32>
          %add3A_998 = vector.broadcast %min3A : i32 to vector<16xi32>
          %add3A_999 = arith.addi %mul3A_997, %add3A_998 : vector<16xi32>
          %add3A_1000 = arith.constant 64 : i32
          %add3A_1001 = arith.addi %add3A_926, %add3A_1000 : i32
          %swap3A_1002 = arith.index_cast %add3A_1001 : i32 to index
          %swap3A_1003 = tpu.vector_load %arg8[%swap3A_1002] {strides = array<i32>} : memref<25632xi32, #tpu.memory_space<vmem>>, vector<16xi32>,
          %swap3A_1004 = vector.shape_cast %swap3A_1003 : vector<16xi32> to vector<16xi32>
          %swap3A_1005 = vector.shape_cast %add3A_999 : vector<16xi32> to vector<16xi32>
          tpu.vector_store %arg8[%swap3A_1002], %swap3A_1005 {strides = array<i32>} : memref<25632xi32, #tpu.memory_space<vmem>>, vector<16xi32>,
          %add3A_1006 = arith.constant 80 : i32
          %add3A_1007 = arith.addi %add3A_926, %add3A_1006 : i32
          %get3A_1008 = arith.index_cast %add3A_1007 : i32 to index
          %get3A_1009 = tpu.vector_load %arg7[%get3A_1008] {strides = array<i32>} : memref<25632xi32, #tpu.memory_space<vmem>>, vector<16xi32>,
          %get3A_1010 = vector.shape_cast %get3A_1009 : vector<16xi32> to vector<16xi32>
          %mul3A_1011 = arith.constant 128 : i32
          %mul3A_1012 = vector.broadcast %mul3A_1011 : i32 to vector<16xi32>
          %mul3A_1013 = arith.muli %get3A_1010, %mul3A_1012 : vector<16xi32>
          %add3A_1014 = vector.broadcast %min3A : i32 to vector<16xi32>
          %add3A_1015 = arith.addi %mul3A_1013, %add3A_1014 : vector<16xi32>
          %add3A_1016 = arith.constant 80 : i32
          %add3A_1017 = arith.addi %add3A_926, %add3A_1016 : i32
          %swap3A_1018 = arith.index_cast %add3A_1017 : i32 to index
          %swap3A_1019 = tpu.vector_load %arg8[%swap3A_1018] {strides = array<i32>} : memref<25632xi32, #tpu.memory_space<vmem>>, vector<16xi32>,
          %swap3A_1020 = vector.shape_cast %swap3A_1019 : vector<16xi32> to vector<16xi32>
          %swap3A_1021 = vector.shape_cast %add3A_1015 : vector<16xi32> to vector<16xi32>
          tpu.vector_store %arg8[%swap3A_1018], %swap3A_1021 {strides = array<i32>} : memref<25632xi32, #tpu.memory_space<vmem>>, vector<16xi32>,
          %add3A_1022 = arith.constant 96 : i32
          %add3A_1023 = arith.addi %add3A_926, %add3A_1022 : i32
          %get3A_1024 = arith.index_cast %add3A_1023 : i32 to index
          %get3A_1025 = tpu.vector_load %arg7[%get3A_1024] {strides = array<i32>} : memref<25632xi32, #tpu.memory_space<vmem>>, vector<16xi32>,
          %get3A_1026 = vector.shape_cast %get3A_1025 : vector<16xi32> to vector<16xi32>
          %mul3A_1027 = arith.constant 128 : i32
          %mul3A_1028 = vector.broadcast %mul3A_1027 : i32 to vector<16xi32>
          %mul3A_1029 = arith.muli %get3A_1026, %mul3A_1028 : vector<16xi32>
          %add3A_1030 = vector.broadcast %min3A : i32 to vector<16xi32>
          %add3A_1031 = arith.addi %mul3A_1029, %add3A_1030 : vector<16xi32>
          %add3A_1032 = arith.constant 96 : i32
          %add3A_1033 = arith.addi %add3A_926, %add3A_1032 : i32
          %swap3A_1034 = arith.index_cast %add3A_1033 : i32 to index
          %swap3A_1035 = tpu.vector_load %arg8[%swap3A_1034] {strides = array<i32>} : memref<25632xi32, #tpu.memory_space<vmem>>, vector<16xi32>,
          %swap3A_1036 = vector.shape_cast %swap3A_1035 : vector<16xi32> to vector<16xi32>
          %swap3A_1037 = vector.shape_cast %add3A_1031 : vector<16xi32> to vector<16xi32>
          tpu.vector_store %arg8[%swap3A_1034], %swap3A_1037 {strides = array<i32>} : memref<25632xi32, #tpu.memory_space<vmem>>, vector<16xi32>,
          %add3A_1038 = arith.constant 112 : i32
          %add3A_1039 = arith.addi %add3A_926, %add3A_1038 : i32
          %get3A_1040 = arith.index_cast %add3A_1039 : i32 to index
          %get3A_1041 = tpu.vector_load %arg7[%get3A_1040] {strides = array<i32>} : memref<25632xi32, #tpu.memory_space<vmem>>, vector<16xi32>,
          %get3A_1042 = vector.shape_cast %get3A_1041 : vector<16xi32> to vector<16xi32>
          %mul3A_1043 = arith.constant 128 : i32
          %mul3A_1044 = vector.broadcast %mul3A_1043 : i32 to vector<16xi32>
          %mul3A_1045 = arith.muli %get3A_1042, %mul3A_1044 : vector<16xi32>
          %add3A_1046 = vector.broadcast %min3A : i32 to vector<16xi32>
          %add3A_1047 = arith.addi %mul3A_1045, %add3A_1046 : vector<16xi32>
          %add3A_1048 = arith.constant 112 : i32
          %add3A_1049 = arith.addi %add3A_926, %add3A_1048 : i32
          %swap3A_1050 = arith.index_cast %add3A_1049 : i32 to index
          %swap3A_1051 = tpu.vector_load %arg8[%swap3A_1050] {strides = array<i32>} : memref<25632xi32, #tpu.memory_space<vmem>>, vector<16xi32>,
          %swap3A_1052 = vector.shape_cast %swap3A_1051 : vector<16xi32> to vector<16xi32>
          %swap3A_1053 = vector.shape_cast %add3A_1047 : vector<16xi32> to vector<16xi32>
          tpu.vector_store %arg8[%swap3A_1050], %swap3A_1053 {strides = array<i32>} : memref<25632xi32, #tpu.memory_space<vmem>>, vector<16xi32>,
          %add3A_1054 = arith.constant 128 : i32
          %add3A_1055 = arith.addi %add3A_926, %add3A_1054 : i32
          %get3A_1056 = arith.index_cast %add3A_1055 : i32 to index
          %get3A_1057 = tpu.vector_load %arg7[%get3A_1056] {strides = array<i32>} : memref<25632xi32, #tpu.memory_space<vmem>>, vector<16xi32>,
          %get3A_1058 = vector.shape_cast %get3A_1057 : vector<16xi32> to vector<16xi32>
          %mul3A_1059 = arith.constant 128 : i32
          %mul3A_1060 = vector.broadcast %mul3A_1059 : i32 to vector<16xi32>
          %mul3A_1061 = arith.muli %get3A_1058, %mul3A_1060 : vector<16xi32>
          %add3A_1062 = vector.broadcast %min3A : i32 to vector<16xi32>
          %add3A_1063 = arith.addi %mul3A_1061, %add3A_1062 : vector<16xi32>
          %add3A_1064 = arith.constant 128 : i32
          %add3A_1065 = arith.addi %add3A_926, %add3A_1064 : i32
          %swap3A_1066 = arith.index_cast %add3A_1065 : i32 to index
          %swap3A_1067 = tpu.vector_load %arg8[%swap3A_1066] {strides = array<i32>} : memref<25632xi32, #tpu.memory_space<vmem>>, vector<16xi32>,
          %swap3A_1068 = vector.shape_cast %swap3A_1067 : vector<16xi32> to vector<16xi32>
          %swap3A_1069 = vector.shape_cast %add3A_1063 : vector<16xi32> to vector<16xi32>
          tpu.vector_store %arg8[%swap3A_1066], %swap3A_1069 {strides = array<i32>} : memref<25632xi32, #tpu.memory_space<vmem>>, vector<16xi32>,
          %add3A_1070 = arith.constant 144 : i32
          %add3A_1071 = arith.addi %add3A_926, %add3A_1070 : i32
          %get3A_1072 = arith.index_cast %add3A_1071 : i32 to index
          %get3A_1073 = tpu.vector_load %arg7[%get3A_1072] {strides = array<i32>} : memref<25632xi32, #tpu.memory_space<vmem>>, vector<16xi32>,
          %get3A_1074 = vector.shape_cast %get3A_1073 : vector<16xi32> to vector<16xi32>
          %mul3A_1075 = arith.constant 128 : i32
          %mul3A_1076 = vector.broadcast %mul3A_1075 : i32 to vector<16xi32>
          %mul3A_1077 = arith.muli %get3A_1074, %mul3A_1076 : vector<16xi32>
          %add3A_1078 = vector.broadcast %min3A : i32 to vector<16xi32>
          %add3A_1079 = arith.addi %mul3A_1077, %add3A_1078 : vector<16xi32>
          %add3A_1080 = arith.constant 144 : i32
          %add3A_1081 = arith.addi %add3A_926, %add3A_1080 : i32
          %swap3A_1082 = arith.index_cast %add3A_1081 : i32 to index
          %swap3A_1083 = tpu.vector_load %arg8[%swap3A_1082] {strides = array<i32>} : memref<25632xi32, #tpu.memory_space<vmem>>, vector<16xi32>,
          %swap3A_1084 = vector.shape_cast %swap3A_1083 : vector<16xi32> to vector<16xi32>
          %swap3A_1085 = vector.shape_cast %add3A_1079 : vector<16xi32> to vector<16xi32>
          tpu.vector_store %arg8[%swap3A_1082], %swap3A_1085 {strides = array<i32>} : memref<25632xi32, #tpu.memory_space<vmem>>, vector<16xi32>,
          %add3A_1086 = arith.constant 160 : i32
          %add3A_1087 = arith.addi %add3A_926, %add3A_1086 : i32
          %get3A_1088 = arith.index_cast %add3A_1087 : i32 to index
          %get3A_1089 = tpu.vector_load %arg7[%get3A_1088] {strides = array<i32>} : memref<25632xi32, #tpu.memory_space<vmem>>, vector<16xi32>,
          %get3A_1090 = vector.shape_cast %get3A_1089 : vector<16xi32> to vector<16xi32>
          %mul3A_1091 = arith.constant 128 : i32
          %mul3A_1092 = vector.broadcast %mul3A_1091 : i32 to vector<16xi32>
          %mul3A_1093 = arith.muli %get3A_1090, %mul3A_1092 : vector<16xi32>
          %add3A_1094 = vector.broadcast %min3A : i32 to vector<16xi32>
          %add3A_1095 = arith.addi %mul3A_1093, %add3A_1094 : vector<16xi32>
          %add3A_1096 = arith.constant 160 : i32
          %add3A_1097 = arith.addi %add3A_926, %add3A_1096 : i32
          %swap3A_1098 = arith.index_cast %add3A_1097 : i32 to index
          %swap3A_1099 = tpu.vector_load %arg8[%swap3A_1098] {strides = array<i32>} : memref<25632xi32, #tpu.memory_space<vmem>>, vector<16xi32>,
          %swap3A_1100 = vector.shape_cast %swap3A_1099 : vector<16xi32> to vector<16xi32>
          %swap3A_1101 = vector.shape_cast %add3A_1095 : vector<16xi32> to vector<16xi32>
          tpu.vector_store %arg8[%swap3A_1098], %swap3A_1101 {strides = array<i32>} : memref<25632xi32, #tpu.memory_space<vmem>>, vector<16xi32>,
          %add3A_1102 = arith.constant 176 : i32
          %add3A_1103 = arith.addi %add3A_926, %add3A_1102 : i32
          %get3A_1104 = arith.index_cast %add3A_1103 : i32 to index
          %get3A_1105 = tpu.vector_load %arg7[%get3A_1104] {strides = array<i32>} : memref<25632xi32, #tpu.memory_space<vmem>>, vector<16xi32>,
          %get3A_1106 = vector.shape_cast %get3A_1105 : vector<16xi32> to vector<16xi32>
          %mul3A_1107 = arith.constant 128 : i32
          %mul3A_1108 = vector.broadcast %mul3A_1107 : i32 to vector<16xi32>
          %mul3A_1109 = arith.muli %get3A_1106, %mul3A_1108 : vector<16xi32>
          %add3A_1110 = vector.broadcast %min3A : i32 to vector<16xi32>
          %add3A_1111 = arith.addi %mul3A_1109, %add3A_1110 : vector<16xi32>
          %add3A_1112 = arith.constant 176 : i32
          %add3A_1113 = arith.addi %add3A_926, %add3A_1112 : i32
          %swap3A_1114 = arith.index_cast %add3A_1113 : i32 to index
          %swap3A_1115 = tpu.vector_load %arg8[%swap3A_1114] {strides = array<i32>} : memref<25632xi32, #tpu.memory_space<vmem>>, vector<16xi32>,
          %swap3A_1116 = vector.shape_cast %swap3A_1115 : vector<16xi32> to vector<16xi32>
          %swap3A_1117 = vector.shape_cast %add3A_1111 : vector<16xi32> to vector<16xi32>
          tpu.vector_store %arg8[%swap3A_1114], %swap3A_1117 {strides = array<i32>} : memref<25632xi32, #tpu.memory_space<vmem>>, vector<16xi32>,
          %add3A_1118 = arith.constant 192 : i32
          %add3A_1119 = arith.addi %add3A_926, %add3A_1118 : i32
          %get3A_1120 = arith.index_cast %add3A_1119 : i32 to index
          %get3A_1121 = tpu.vector_load %arg7[%get3A_1120] {strides = array<i32>} : memref<25632xi32, #tpu.memory_space<vmem>>, vector<16xi32>,
          %get3A_1122 = vector.shape_cast %get3A_1121 : vector<16xi32> to vector<16xi32>
          %mul3A_1123 = arith.constant 128 : i32
          %mul3A_1124 = vector.broadcast %mul3A_1123 : i32 to vector<16xi32>
          %mul3A_1125 = arith.muli %get3A_1122, %mul3A_1124 : vector<16xi32>
          %add3A_1126 = vector.broadcast %min3A : i32 to vector<16xi32>
          %add3A_1127 = arith.addi %mul3A_1125, %add3A_1126 : vector<16xi32>
          %add3A_1128 = arith.constant 192 : i32
          %add3A_1129 = arith.addi %add3A_926, %add3A_1128 : i32
          %swap3A_1130 = arith.index_cast %add3A_1129 : i32 to index
          %swap3A_1131 = tpu.vector_load %arg8[%swap3A_1130] {strides = array<i32>} : memref<25632xi32, #tpu.memory_space<vmem>>, vector<16xi32>,
          %swap3A_1132 = vector.shape_cast %swap3A_1131 : vector<16xi32> to vector<16xi32>
          %swap3A_1133 = vector.shape_cast %add3A_1127 : vector<16xi32> to vector<16xi32>
          tpu.vector_store %arg8[%swap3A_1130], %swap3A_1133 {strides = array<i32>} : memref<25632xi32, #tpu.memory_space<vmem>>, vector<16xi32>,
          %scan3A_1134 = arith.constant 0 : i32
          scf.yield %scan3A_1134 : i32
        }
        %scan3A_913 = arith.constant 64 : i32
      } else {
      }
      %mul3A_604 = arith.constant 12816 : i32
      %mul3A_605 = arith.muli %rem3A_597, %mul3A_604 : i32
      %dma_wait3A_606 = tpu.memref_slice %arg9[%mul3A_605] : memref<25632xf32, #tpu.memory_space<vmem>> -> memref<12800xf32, #tpu.memory_space<vmem>>
      %dma_wait3A_607 = arith.constant 0 : i32
      %dma_wait3A_608 = tpu.memref_slice %arg4[%dma_wait3A_607] : memref<128000000xf32, #tpu.memory_space<hbm>> -> memref<12800xf32, #tpu.memory_space<hbm>>
      %dma_wait3A_609 = tpu.memref_slice %arg9[%mul3A_605] : memref<25632xf32, #tpu.memory_space<vmem>> -> memref<12800xf32, #tpu.memory_space<vmem>>
      %dma_wait3A_610 = arith.constant 0 : i32
      %dma_wait3A_611 = tpu.memref_slice %arg4[%dma_wait3A_610] : memref<128000000xf32, #tpu.memory_space<hbm>> -> memref<12800xf32, #tpu.memory_space<hbm>>
      tpu.wait_dma2 semaphore(%arg11 : memref<!tpu.dma_semaphore, #tpu.memory_space<semaphore_mem>>) src(%dma_wait3A_611 : memref<12800xf32, #tpu.memory_space<hbm>>) dst(%dma_wait3A_609 : memref<12800xf32, #tpu.memory_space<vmem>>)
      %add3A_612 = arith.constant 1 : i32
      %add3A_613 = arith.addi %scan3A_595, %add3A_612 : i32
      %lt3A_614 = arith.constant 8 : i32
      %lt3A_615 = arith.cmpi slt, %add3A_613, %lt3A_614 : i32
      %convert_element_type3A_616 = arith.extui %lt3A_615 : i1 to i32
      %cond3A_617 = arith.constant 0 : i32
      %cond3A_618 = arith.cmpi ne, %convert_element_type3A_616, %cond3A_617 : i32
      scf.if %cond3A_618 {
        %scan3A_897 = arith.constant 0 : i32
        %scan3A_898 = arith.constant 0 : i32
        %scan3A_899 = arith.constant 2 : i32
        %scan3A_900 = arith.addi %scan3A_898, %scan3A_899 : i32
        %scan3A_901 = arith.constant 1 : i32
        %scan3A_902 = scf.for %scan3A_904 = %scan3A_898 to %scan3A_900 step %scan3A_901 iter_args(%scan3A_905 = %scan3A_897) -> (i32)  : i32 {
          %mul3A_906 = arith.constant 12816 : i32
          %mul3A_907 = arith.muli %sub3A_598, %mul3A_906 : i32
          %mul3A_908 = arith.constant 6400 : i32
          %mul3A_909 = arith.muli %scan3A_904, %mul3A_908 : i32
          %add3A_910 = arith.addi %mul3A_907, %mul3A_909 : i32
          %mul3A_911 = arith.constant 12816 : i32
          %mul3A_912 = arith.muli %sub3A_598, %mul3A_911 : i32
          %mul3A_913 = arith.constant 6400 : i32
          %mul3A_914 = arith.muli %scan3A_904, %mul3A_913 : i32
          %add3A_915 = arith.addi %mul3A_912, %mul3A_914 : i32
          %dma_start3A_916 = tpu.memref_slice %arg9[%add3A_915] : memref<25632xf32, #tpu.memory_space<vmem>> -> memref<6400xf32, #tpu.memory_space<vmem>>
          %dma_start3A_917 = tpu.memref_slice %arg8[%add3A_910] : memref<25632xi32, #tpu.memory_space<vmem>> -> memref<6400xi32, #tpu.memory_space<vmem>>
          %dma_start3A_918 = arith.constant 0 : i32
          %dma_start3A_919 = tpu.memref_slice %arg4[%dma_start3A_918] : memref<128000000xf32, #tpu.memory_space<hbm>> -> memref<128000000xf32, #tpu.memory_space<hbm>>
          tpu.enqueue_indirect_dma source(%dma_start3A_919 : memref<128000000xf32, #tpu.memory_space<hbm>>) target(%dma_start3A_916 : memref<6400xf32, #tpu.memory_space<vmem>>) offsets(%dma_start3A_917 : memref<6400xi32, #tpu.memory_space<vmem>>) semaphore(%arg11 : memref<!tpu.dma_semaphore, #tpu.memory_space<semaphore_mem>>)
          %scan3A_920 = arith.constant 0 : i32
          scf.yield %scan3A_920 : i32
        }
        %scan3A_903 = arith.constant 2 : i32
      } else {
      }
      %add3A_619 = arith.constant 2 : i32
      %add3A_620 = arith.addi %scan3A_595, %add3A_619 : i32
      %lt3A_621 = arith.constant 8 : i32
      %lt3A_622 = arith.cmpi slt, %add3A_620, %lt3A_621 : i32
      %convert_element_type3A_623 = arith.extui %lt3A_622 : i1 to i32
      %cond3A_624 = arith.constant 0 : i32
      %cond3A_625 = arith.cmpi ne, %convert_element_type3A_623, %cond3A_624 : i32
      scf.if %cond3A_625 {
        %add3A_897 = arith.constant 2 : i32
        %add3A_898 = arith.addi %scan3A_595, %add3A_897 : i32
        %mul3A_899 = arith.constant 64 : i32
        %mul3A_900 = arith.muli %add3A_898, %mul3A_899 : i32
        %add3A_901 = arith.addi %mul3A_2, %mul3A_900 : i32
        %mul3A_902 = arith.constant 200 : i32
        %mul3A_903 = arith.muli %add3A_901, %mul3A_902 : i32
        %mul3A_904 = arith.constant 12816 : i32
        %mul3A_905 = arith.muli %rem3A_597, %mul3A_904 : i32
        %dma_start3A_906 = tpu.memref_slice %arg7[%mul3A_905] : memref<25632xi32, #tpu.memory_space<vmem>> -> memref<12800xi32, #tpu.memory_space<vmem>>
        %dma_start3A_907 = tpu.memref_slice %arg2[%mul3A_903] : memref<3276800xi32, #tpu.memory_space<hbm>> -> memref<12800xi32, #tpu.memory_space<hbm>>
        %dma_start3A_908 = tpu.memref_slice %arg7[%mul3A_905] : memref<25632xi32, #tpu.memory_space<vmem>> -> memref<12800xi32, #tpu.memory_space<vmem>>
        %dma_start3A_909 = tpu.memref_slice %arg2[%mul3A_903] : memref<3276800xi32, #tpu.memory_space<hbm>> -> memref<12800xi32, #tpu.memory_space<hbm>>
        tpu.enqueue_dma source(%dma_start3A_909 : memref<12800xi32, #tpu.memory_space<hbm>>) target(%dma_start3A_908 : memref<12800xi32, #tpu.memory_space<vmem>>) target_semaphore(%arg12 : memref<!tpu.dma_semaphore, #tpu.memory_space<semaphore_mem>>)
      } else {
      }
      %ge3A = arith.constant 2 : i32
      %ge3A_626 = arith.cmpi sge, %scan3A_595, %ge3A : i32
      %convert_element_type3A_627 = arith.extui %ge3A_626 : i1 to i32
      %cond3A_628 = arith.constant 0 : i32
      %cond3A_629 = arith.cmpi ne, %convert_element_type3A_627, %cond3A_628 : i32
      scf.if %cond3A_629 {
        %dma_wait3A_897 = arith.constant 0 : i32
        %dma_wait3A_898 = arith.constant 0 : i32
        %dma_wait3A_899 = arith.constant 0 : i32
        %dma_wait3A_900 = arith.constant 0 : i32
        %dma_wait3A_901 = tpu.memref_slice %arg10[%rem3A_597, %dma_wait3A_897, %dma_wait3A_898, %dma_wait3A_899, %dma_wait3A_900] : memref<2x8x2x8x128xf32, #tpu.memory_space<vmem>> -> memref<1x1x1x8x128xf32, #tpu.memory_space<vmem>>
        %dma_wait3A_902 = tpu.memref_squeeze %dma_wait3A_901 : memref<1x1x1x8x128xf32, #tpu.memory_space<vmem>> -> memref<8x128xf32, #tpu.memory_space<vmem>>
        %dma_wait3A_903 = arith.constant 0 : i32
        %dma_wait3A_904 = arith.constant 0 : i32
        %dma_wait3A_905 = tpu.memref_slice %arg5[%dma_wait3A_903, %dma_wait3A_904] : memref<16384x256xf32, #tpu.memory_space<hbm>> -> memref<8x128xf32, #tpu.memory_space<hbm>>
        %dma_wait3A_906 = arith.constant 0 : i32
        %dma_wait3A_907 = arith.constant 0 : i32
        %dma_wait3A_908 = tpu.memref_slice %arg5[%dma_wait3A_906, %dma_wait3A_907] : memref<16384x256xf32, #tpu.memory_space<hbm>> -> memref<8x128xf32, #tpu.memory_space<hbm>>
        %dma_wait3A_909 = arith.constant 0 : i32
        %dma_wait3A_910 = arith.constant 0 : i32
        %dma_wait3A_911 = tpu.memref_slice %arg10[%rem3A_597, %dma_wait3A_897, %dma_wait3A_898, %dma_wait3A_909, %dma_wait3A_910] : memref<2x8x2x8x128xf32, #tpu.memory_space<vmem>> -> memref<1x1x1x8x128xf32, #tpu.memory_space<vmem>>
        %dma_wait3A_912 = tpu.memref_squeeze %dma_wait3A_911 : memref<1x1x1x8x128xf32, #tpu.memory_space<vmem>> -> memref<8x128xf32, #tpu.memory_space<vmem>>
        tpu.wait_dma2 semaphore(%arg13 : memref<!tpu.dma_semaphore, #tpu.memory_space<semaphore_mem>>) src(%dma_wait3A_912 : memref<8x128xf32, #tpu.memory_space<vmem>>) dst(%dma_wait3A_908 : memref<8x128xf32, #tpu.memory_space<hbm>>)
        %dma_wait3A_913 = arith.constant 0 : i32
        %dma_wait3A_914 = arith.constant 0 : i32
        %dma_wait3A_915 = arith.constant 0 : i32
        %dma_wait3A_916 = arith.constant 0 : i32
        %dma_wait3A_917 = tpu.memref_slice %arg10[%rem3A_597, %dma_wait3A_913, %dma_wait3A_914, %dma_wait3A_915, %dma_wait3A_916] : memref<2x8x2x8x128xf32, #tpu.memory_space<vmem>> -> memref<1x1x1x8x128xf32, #tpu.memory_space<vmem>>
        %dma_wait3A_918 = tpu.memref_squeeze %dma_wait3A_917 : memref<1x1x1x8x128xf32, #tpu.memory_space<vmem>> -> memref<8x128xf32, #tpu.memory_space<vmem>>
        %dma_wait3A_919 = arith.constant 0 : i32
        %dma_wait3A_920 = arith.constant 0 : i32
        %dma_wait3A_921 = tpu.memref_slice %arg5[%dma_wait3A_919, %dma_wait3A_920] : memref<16384x256xf32, #tpu.memory_space<hbm>> -> memref<8x128xf32, #tpu.memory_space<hbm>>
        %dma_wait3A_922 = arith.constant 0 : i32
        %dma_wait3A_923 = arith.constant 0 : i32
        %dma_wait3A_924 = tpu.memref_slice %arg5[%dma_wait3A_922, %dma_wait3A_923] : memref<16384x256xf32, #tpu.memory_space<hbm>> -> memref<8x128xf32, #tpu.memory_space<hbm>>
        %dma_wait3A_925 = arith.constant 0 : i32
        %dma_wait3A_926 = arith.constant 0 : i32
        %dma_wait3A_927 = tpu.memref_slice %arg10[%rem3A_597, %dma_wait3A_913, %dma_wait3A_914, %dma_wait3A_925, %dma_wait3A_926] : memref<2x8x2x8x128xf32, #tpu.memory_space<vmem>> -> memref<1x1x1x8x128xf32, #tpu.memory_space<vmem>>
        %dma_wait3A_928 = tpu.memref_squeeze %dma_wait3A_927 : memref<1x1x1x8x128xf32, #tpu.memory_space<vmem>> -> memref<8x128xf32, #tpu.memory_space<vmem>>
        tpu.wait_dma2 semaphore(%arg13 : memref<!tpu.dma_semaphore, #tpu.memory_space<semaphore_mem>>) src(%dma_wait3A_928 : memref<8x128xf32, #tpu.memory_space<vmem>>) dst(%dma_wait3A_924 : memref<8x128xf32, #tpu.memory_space<hbm>>)
        %dma_wait3A_929 = arith.constant 0 : i32
        %dma_wait3A_930 = arith.constant 0 : i32
        %dma_wait3A_931 = arith.constant 0 : i32
        %dma_wait3A_932 = arith.constant 0 : i32
        %dma_wait3A_933 = tpu.memref_slice %arg10[%rem3A_597, %dma_wait3A_929, %dma_wait3A_930, %dma_wait3A_931, %dma_wait3A_932] : memref<2x8x2x8x128xf32, #tpu.memory_space<vmem>> -> memref<1x1x1x8x128xf32, #tpu.memory_space<vmem>>
        %dma_wait3A_934 = tpu.memref_squeeze %dma_wait3A_933 : memref<1x1x1x8x128xf32, #tpu.memory_space<vmem>> -> memref<8x128xf32, #tpu.memory_space<vmem>>
        %dma_wait3A_935 = arith.constant 0 : i32
        %dma_wait3A_936 = arith.constant 0 : i32
        %dma_wait3A_937 = tpu.memref_slice %arg5[%dma_wait3A_935, %dma_wait3A_936] : memref<16384x256xf32, #tpu.memory_space<hbm>> -> memref<8x128xf32, #tpu.memory_space<hbm>>
        %dma_wait3A_938 = arith.constant 0 : i32
        %dma_wait3A_939 = arith.constant 0 : i32
        %dma_wait3A_940 = tpu.memref_slice %arg5[%dma_wait3A_938, %dma_wait3A_939] : memref<16384x256xf32, #tpu.memory_space<hbm>> -> memref<8x128xf32, #tpu.memory_space<hbm>>
        %dma_wait3A_941 = arith.constant 0 : i32
        %dma_wait3A_942 = arith.constant 0 : i32
        %dma_wait3A_943 = tpu.memref_slice %arg10[%rem3A_597, %dma_wait3A_929, %dma_wait3A_930, %dma_wait3A_941, %dma_wait3A_942] : memref<2x8x2x8x128xf32, #tpu.memory_space<vmem>> -> memref<1x1x1x8x128xf32, #tpu.memory_space<vmem>>
        %dma_wait3A_944 = tpu.memref_squeeze %dma_wait3A_943 : memref<1x1x1x8x128xf32, #tpu.memory_space<vmem>> -> memref<8x128xf32, #tpu.memory_space<vmem>>
        tpu.wait_dma2 semaphore(%arg13 : memref<!tpu.dma_semaphore, #tpu.memory_space<semaphore_mem>>) src(%dma_wait3A_944 : memref<8x128xf32, #tpu.memory_space<vmem>>) dst(%dma_wait3A_940 : memref<8x128xf32, #tpu.memory_space<hbm>>)
        %dma_wait3A_945 = arith.constant 0 : i32
        %dma_wait3A_946 = arith.constant 0 : i32
        %dma_wait3A_947 = arith.constant 0 : i32
        %dma_wait3A_948 = arith.constant 0 : i32
        %dma_wait3A_949 = tpu.memref_slice %arg10[%rem3A_597, %dma_wait3A_945, %dma_wait3A_946, %dma_wait3A_947, %dma_wait3A_948] : memref<2x8x2x8x128xf32, #tpu.memory_space<vmem>> -> memref<1x1x1x8x128xf32, #tpu.memory_space<vmem>>
        %dma_wait3A_950 = tpu.memref_squeeze %dma_wait3A_949 : memref<1x1x1x8x128xf32, #tpu.memory_space<vmem>> -> memref<8x128xf32, #tpu.memory_space<vmem>>
        %dma_wait3A_951 = arith.constant 0 : i32
        %dma_wait3A_952 = arith.constant 0 : i32
        %dma_wait3A_953 = tpu.memref_slice %arg5[%dma_wait3A_951, %dma_wait3A_952] : memref<16384x256xf32, #tpu.memory_space<hbm>> -> memref<8x128xf32, #tpu.memory_space<hbm>>
        %dma_wait3A_954 = arith.constant 0 : i32
        %dma_wait3A_955 = arith.constant 0 : i32
        %dma_wait3A_956 = tpu.memref_slice %arg5[%dma_wait3A_954, %dma_wait3A_955] : memref<16384x256xf32, #tpu.memory_space<hbm>> -> memref<8x128xf32, #tpu.memory_space<hbm>>
        %dma_wait3A_957 = arith.constant 0 : i32
        %dma_wait3A_958 = arith.constant 0 : i32
        %dma_wait3A_959 = tpu.memref_slice %arg10[%rem3A_597, %dma_wait3A_945, %dma_wait3A_946, %dma_wait3A_957, %dma_wait3A_958] : memref<2x8x2x8x128xf32, #tpu.memory_space<vmem>> -> memref<1x1x1x8x128xf32, #tpu.memory_space<vmem>>
        %dma_wait3A_960 = tpu.memref_squeeze %dma_wait3A_959 : memref<1x1x1x8x128xf32, #tpu.memory_space<vmem>> -> memref<8x128xf32, #tpu.memory_space<vmem>>
        tpu.wait_dma2 semaphore(%arg13 : memref<!tpu.dma_semaphore, #tpu.memory_space<semaphore_mem>>) src(%dma_wait3A_960 : memref<8x128xf32, #tpu.memory_space<vmem>>) dst(%dma_wait3A_956 : memref<8x128xf32, #tpu.memory_space<hbm>>)
        %dma_wait3A_961 = arith.constant 0 : i32
        %dma_wait3A_962 = arith.constant 0 : i32
        %dma_wait3A_963 = arith.constant 0 : i32
        %dma_wait3A_964 = arith.constant 0 : i32
        %dma_wait3A_965 = tpu.memref_slice %arg10[%rem3A_597, %dma_wait3A_961, %dma_wait3A_962, %dma_wait3A_963, %dma_wait3A_964] : memref<2x8x2x8x128xf32, #tpu.memory_space<vmem>> -> memref<1x1x1x8x128xf32, #tpu.memory_space<vmem>>
        %dma_wait3A_966 = tpu.memref_squeeze %dma_wait3A_965 : memref<1x1x1x8x128xf32, #tpu.memory_space<vmem>> -> memref<8x128xf32, #tpu.memory_space<vmem>>
        %dma_wait3A_967 = arith.constant 0 : i32
        %dma_wait3A_968 = arith.constant 0 : i32
        %dma_wait3A_969 = tpu.memref_slice %arg5[%dma_wait3A_967, %dma_wait3A_968] : memref<16384x256xf32, #tpu.memory_space<hbm>> -> memref<8x128xf32, #tpu.memory_space<hbm>>
        %dma_wait3A_970 = arith.constant 0 : i32
        %dma_wait3A_971 = arith.constant 0 : i32
        %dma_wait3A_972 = tpu.memref_slice %arg5[%dma_wait3A_970, %dma_wait3A_971] : memref<16384x256xf32, #tpu.memory_space<hbm>> -> memref<8x128xf32, #tpu.memory_space<hbm>>
        %dma_wait3A_973 = arith.constant 0 : i32
        %dma_wait3A_974 = arith.constant 0 : i32
        %dma_wait3A_975 = tpu.memref_slice %arg10[%rem3A_597, %dma_wait3A_961, %dma_wait3A_962, %dma_wait3A_973, %dma_wait3A_974] : memref<2x8x2x8x128xf32, #tpu.memory_space<vmem>> -> memref<1x1x1x8x128xf32, #tpu.memory_space<vmem>>
        %dma_wait3A_976 = tpu.memref_squeeze %dma_wait3A_975 : memref<1x1x1x8x128xf32, #tpu.memory_space<vmem>> -> memref<8x128xf32, #tpu.memory_space<vmem>>
        tpu.wait_dma2 semaphore(%arg13 : memref<!tpu.dma_semaphore, #tpu.memory_space<semaphore_mem>>) src(%dma_wait3A_976 : memref<8x128xf32, #tpu.memory_space<vmem>>) dst(%dma_wait3A_972 : memref<8x128xf32, #tpu.memory_space<hbm>>)
        %dma_wait3A_977 = arith.constant 0 : i32
        %dma_wait3A_978 = arith.constant 0 : i32
        %dma_wait3A_979 = arith.constant 0 : i32
        %dma_wait3A_980 = arith.constant 0 : i32
        %dma_wait3A_981 = tpu.memref_slice %arg10[%rem3A_597, %dma_wait3A_977, %dma_wait3A_978, %dma_wait3A_979, %dma_wait3A_980] : memref<2x8x2x8x128xf32, #tpu.memory_space<vmem>> -> memref<1x1x1x8x128xf32, #tpu.memory_space<vmem>>
        %dma_wait3A_982 = tpu.memref_squeeze %dma_wait3A_981 : memref<1x1x1x8x128xf32, #tpu.memory_space<vmem>> -> memref<8x128xf32, #tpu.memory_space<vmem>>
        %dma_wait3A_983 = arith.constant 0 : i32
        %dma_wait3A_984 = arith.constant 0 : i32
        %dma_wait3A_985 = tpu.memref_slice %arg5[%dma_wait3A_983, %dma_wait3A_984] : memref<16384x256xf32, #tpu.memory_space<hbm>> -> memref<8x128xf32, #tpu.memory_space<hbm>>
        %dma_wait3A_986 = arith.constant 0 : i32
        %dma_wait3A_987 = arith.constant 0 : i32
        %dma_wait3A_988 = tpu.memref_slice %arg5[%dma_wait3A_986, %dma_wait3A_987] : memref<16384x256xf32, #tpu.memory_space<hbm>> -> memref<8x128xf32, #tpu.memory_space<hbm>>
        %dma_wait3A_989 = arith.constant 0 : i32
        %dma_wait3A_990 = arith.constant 0 : i32
        %dma_wait3A_991 = tpu.memref_slice %arg10[%rem3A_597, %dma_wait3A_977, %dma_wait3A_978, %dma_wait3A_989, %dma_wait3A_990] : memref<2x8x2x8x128xf32, #tpu.memory_space<vmem>> -> memref<1x1x1x8x128xf32, #tpu.memory_space<vmem>>
        %dma_wait3A_992 = tpu.memref_squeeze %dma_wait3A_991 : memref<1x1x1x8x128xf32, #tpu.memory_space<vmem>> -> memref<8x128xf32, #tpu.memory_space<vmem>>
        tpu.wait_dma2 semaphore(%arg13 : memref<!tpu.dma_semaphore, #tpu.memory_space<semaphore_mem>>) src(%dma_wait3A_992 : memref<8x128xf32, #tpu.memory_space<vmem>>) dst(%dma_wait3A_988 : memref<8x128xf32, #tpu.memory_space<hbm>>)
        %dma_wait3A_993 = arith.constant 0 : i32
        %dma_wait3A_994 = arith.constant 0 : i32
        %dma_wait3A_995 = arith.constant 0 : i32
        %dma_wait3A_996 = arith.constant 0 : i32
        %dma_wait3A_997 = tpu.memref_slice %arg10[%rem3A_597, %dma_wait3A_993, %dma_wait3A_994, %dma_wait3A_995, %dma_wait3A_996] : memref<2x8x2x8x128xf32, #tpu.memory_space<vmem>> -> memref<1x1x1x8x128xf32, #tpu.memory_space<vmem>>
        %dma_wait3A_998 = tpu.memref_squeeze %dma_wait3A_997 : memref<1x1x1x8x128xf32, #tpu.memory_space<vmem>> -> memref<8x128xf32, #tpu.memory_space<vmem>>
        %dma_wait3A_999 = arith.constant 0 : i32
        %dma_wait3A_1000 = arith.constant 0 : i32
        %dma_wait3A_1001 = tpu.memref_slice %arg5[%dma_wait3A_999, %dma_wait3A_1000] : memref<16384x256xf32, #tpu.memory_space<hbm>> -> memref<8x128xf32, #tpu.memory_space<hbm>>
        %dma_wait3A_1002 = arith.constant 0 : i32
        %dma_wait3A_1003 = arith.constant 0 : i32
        %dma_wait3A_1004 = tpu.memref_slice %arg5[%dma_wait3A_1002, %dma_wait3A_1003] : memref<16384x256xf32, #tpu.memory_space<hbm>> -> memref<8x128xf32, #tpu.memory_space<hbm>>
        %dma_wait3A_1005 = arith.constant 0 : i32
        %dma_wait3A_1006 = arith.constant 0 : i32
        %dma_wait3A_1007 = tpu.memref_slice %arg10[%rem3A_597, %dma_wait3A_993, %dma_wait3A_994, %dma_wait3A_1005, %dma_wait3A_1006] : memref<2x8x2x8x128xf32, #tpu.memory_space<vmem>> -> memref<1x1x1x8x128xf32, #tpu.memory_space<vmem>>
        %dma_wait3A_1008 = tpu.memref_squeeze %dma_wait3A_1007 : memref<1x1x1x8x128xf32, #tpu.memory_space<vmem>> -> memref<8x128xf32, #tpu.memory_space<vmem>>
        tpu.wait_dma2 semaphore(%arg13 : memref<!tpu.dma_semaphore, #tpu.memory_space<semaphore_mem>>) src(%dma_wait3A_1008 : memref<8x128xf32, #tpu.memory_space<vmem>>) dst(%dma_wait3A_1004 : memref<8x128xf32, #tpu.memory_space<hbm>>)
        %dma_wait3A_1009 = arith.constant 0 : i32
        %dma_wait3A_1010 = arith.constant 0 : i32
        %dma_wait3A_1011 = arith.constant 0 : i32
        %dma_wait3A_1012 = arith.constant 0 : i32
        %dma_wait3A_1013 = tpu.memref_slice %arg10[%rem3A_597, %dma_wait3A_1009, %dma_wait3A_1010, %dma_wait3A_1011, %dma_wait3A_1012] : memref<2x8x2x8x128xf32, #tpu.memory_space<vmem>> -> memref<1x1x1x8x128xf32, #tpu.memory_space<vmem>>
        %dma_wait3A_1014 = tpu.memref_squeeze %dma_wait3A_1013 : memref<1x1x1x8x128xf32, #tpu.memory_space<vmem>> -> memref<8x128xf32, #tpu.memory_space<vmem>>
        %dma_wait3A_1015 = arith.constant 0 : i32
        %dma_wait3A_1016 = arith.constant 0 : i32
        %dma_wait3A_1017 = tpu.memref_slice %arg5[%dma_wait3A_1015, %dma_wait3A_1016] : memref<16384x256xf32, #tpu.memory_space<hbm>> -> memref<8x128xf32, #tpu.memory_space<hbm>>
        %dma_wait3A_1018 = arith.constant 0 : i32
        %dma_wait3A_1019 = arith.constant 0 : i32
        %dma_wait3A_1020 = tpu.memref_slice %arg5[%dma_wait3A_1018, %dma_wait3A_1019] : memref<16384x256xf32, #tpu.memory_space<hbm>> -> memref<8x128xf32, #tpu.memory_space<hbm>>
        %dma_wait3A_1021 = arith.constant 0 : i32
        %dma_wait3A_1022 = arith.constant 0 : i32
        %dma_wait3A_1023 = tpu.memref_slice %arg10[%rem3A_597, %dma_wait3A_1009, %dma_wait3A_1010, %dma_wait3A_1021, %dma_wait3A_1022] : memref<2x8x2x8x128xf32, #tpu.memory_space<vmem>> -> memref<1x1x1x8x128xf32, #tpu.memory_space<vmem>>
        %dma_wait3A_1024 = tpu.memref_squeeze %dma_wait3A_1023 : memref<1x1x1x8x128xf32, #tpu.memory_space<vmem>> -> memref<8x128xf32, #tpu.memory_space<vmem>>
        tpu.wait_dma2 semaphore(%arg13 : memref<!tpu.dma_semaphore, #tpu.memory_space<semaphore_mem>>) src(%dma_wait3A_1024 : memref<8x128xf32, #tpu.memory_space<vmem>>) dst(%dma_wait3A_1020 : memref<8x128xf32, #tpu.memory_space<hbm>>)
        %dma_wait3A_1025 = arith.constant 0 : i32
        %dma_wait3A_1026 = arith.constant 0 : i32
        %dma_wait3A_1027 = arith.constant 0 : i32
        %dma_wait3A_1028 = arith.constant 0 : i32
        %dma_wait3A_1029 = tpu.memref_slice %arg10[%rem3A_597, %dma_wait3A_1025, %dma_wait3A_1026, %dma_wait3A_1027, %dma_wait3A_1028] : memref<2x8x2x8x128xf32, #tpu.memory_space<vmem>> -> memref<1x1x1x8x128xf32, #tpu.memory_space<vmem>>
        %dma_wait3A_1030 = tpu.memref_squeeze %dma_wait3A_1029 : memref<1x1x1x8x128xf32, #tpu.memory_space<vmem>> -> memref<8x128xf32, #tpu.memory_space<vmem>>
        %dma_wait3A_1031 = arith.constant 0 : i32
        %dma_wait3A_1032 = arith.constant 0 : i32
        %dma_wait3A_1033 = tpu.memref_slice %arg5[%dma_wait3A_1031, %dma_wait3A_1032] : memref<16384x256xf32, #tpu.memory_space<hbm>> -> memref<8x128xf32, #tpu.memory_space<hbm>>
        %dma_wait3A_1034 = arith.constant 0 : i32
        %dma_wait3A_1035 = arith.constant 0 : i32
        %dma_wait3A_1036 = tpu.memref_slice %arg5[%dma_wait3A_1034, %dma_wait3A_1035] : memref<16384x256xf32, #tpu.memory_space<hbm>> -> memref<8x128xf32, #tpu.memory_space<hbm>>
        %dma_wait3A_1037 = arith.constant 0 : i32
        %dma_wait3A_1038 = arith.constant 0 : i32
        %dma_wait3A_1039 = tpu.memref_slice %arg10[%rem3A_597, %dma_wait3A_1025, %dma_wait3A_1026, %dma_wait3A_1037, %dma_wait3A_1038] : memref<2x8x2x8x128xf32, #tpu.memory_space<vmem>> -> memref<1x1x1x8x128xf32, #tpu.memory_space<vmem>>
        %dma_wait3A_1040 = tpu.memref_squeeze %dma_wait3A_1039 : memref<1x1x1x8x128xf32, #tpu.memory_space<vmem>> -> memref<8x128xf32, #tpu.memory_space<vmem>>
        tpu.wait_dma2 semaphore(%arg13 : memref<!tpu.dma_semaphore, #tpu.memory_space<semaphore_mem>>) src(%dma_wait3A_1040 : memref<8x128xf32, #tpu.memory_space<vmem>>) dst(%dma_wait3A_1036 : memref<8x128xf32, #tpu.memory_space<hbm>>)
        %dma_wait3A_1041 = arith.constant 0 : i32
        %dma_wait3A_1042 = arith.constant 0 : i32
        %dma_wait3A_1043 = arith.constant 0 : i32
        %dma_wait3A_1044 = arith.constant 0 : i32
        %dma_wait3A_1045 = tpu.memref_slice %arg10[%rem3A_597, %dma_wait3A_1041, %dma_wait3A_1042, %dma_wait3A_1043, %dma_wait3A_1044] : memref<2x8x2x8x128xf32, #tpu.memory_space<vmem>> -> memref<1x1x1x8x128xf32, #tpu.memory_space<vmem>>
        %dma_wait3A_1046 = tpu.memref_squeeze %dma_wait3A_1045 : memref<1x1x1x8x128xf32, #tpu.memory_space<vmem>> -> memref<8x128xf32, #tpu.memory_space<vmem>>
        %dma_wait3A_1047 = arith.constant 0 : i32
        %dma_wait3A_1048 = arith.constant 0 : i32
        %dma_wait3A_1049 = tpu.memref_slice %arg5[%dma_wait3A_1047, %dma_wait3A_1048] : memref<16384x256xf32, #tpu.memory_space<hbm>> -> memref<8x128xf32, #tpu.memory_space<hbm>>
        %dma_wait3A_1050 = arith.constant 0 : i32
        %dma_wait3A_1051 = arith.constant 0 : i32
        %dma_wait3A_1052 = tpu.memref_slice %arg5[%dma_wait3A_1050, %dma_wait3A_1051] : memref<16384x256xf32, #tpu.memory_space<hbm>> -> memref<8x128xf32, #tpu.memory_space<hbm>>
        %dma_wait3A_1053 = arith.constant 0 : i32
        %dma_wait3A_1054 = arith.constant 0 : i32
        %dma_wait3A_1055 = tpu.memref_slice %arg10[%rem3A_597, %dma_wait3A_1041, %dma_wait3A_1042, %dma_wait3A_1053, %dma_wait3A_1054] : memref<2x8x2x8x128xf32, #tpu.memory_space<vmem>> -> memref<1x1x1x8x128xf32, #tpu.memory_space<vmem>>
        %dma_wait3A_1056 = tpu.memref_squeeze %dma_wait3A_1055 : memref<1x1x1x8x128xf32, #tpu.memory_space<vmem>> -> memref<8x128xf32, #tpu.memory_space<vmem>>
        tpu.wait_dma2 semaphore(%arg13 : memref<!tpu.dma_semaphore, #tpu.memory_space<semaphore_mem>>) src(%dma_wait3A_1056 : memref<8x128xf32, #tpu.memory_space<vmem>>) dst(%dma_wait3A_1052 : memref<8x128xf32, #tpu.memory_space<hbm>>)
        %dma_wait3A_1057 = arith.constant 0 : i32
        %dma_wait3A_1058 = arith.constant 0 : i32
        %dma_wait3A_1059 = arith.constant 0 : i32
        %dma_wait3A_1060 = arith.constant 0 : i32
        %dma_wait3A_1061 = tpu.memref_slice %arg10[%rem3A_597, %dma_wait3A_1057, %dma_wait3A_1058, %dma_wait3A_1059, %dma_wait3A_1060] : memref<2x8x2x8x128xf32, #tpu.memory_space<vmem>> -> memref<1x1x1x8x128xf32, #tpu.memory_space<vmem>>
        %dma_wait3A_1062 = tpu.memref_squeeze %dma_wait3A_1061 : memref<1x1x1x8x128xf32, #tpu.memory_space<vmem>> -> memref<8x128xf32, #tpu.memory_space<vmem>>
        %dma_wait3A_1063 = arith.constant 0 : i32
        %dma_wait3A_1064 = arith.constant 0 : i32
        %dma_wait3A_1065 = tpu.memref_slice %arg5[%dma_wait3A_1063, %dma_wait3A_1064] : memref<16384x256xf32, #tpu.memory_space<hbm>> -> memref<8x128xf32, #tpu.memory_space<hbm>>
        %dma_wait3A_1066 = arith.constant 0 : i32
        %dma_wait3A_1067 = arith.constant 0 : i32
        %dma_wait3A_1068 = tpu.memref_slice %arg5[%dma_wait3A_1066, %dma_wait3A_1067] : memref<16384x256xf32, #tpu.memory_space<hbm>> -> memref<8x128xf32, #tpu.memory_space<hbm>>
        %dma_wait3A_1069 = arith.constant 0 : i32
        %dma_wait3A_1070 = arith.constant 0 : i32
        %dma_wait3A_1071 = tpu.memref_slice %arg10[%rem3A_597, %dma_wait3A_1057, %dma_wait3A_1058, %dma_wait3A_1069, %dma_wait3A_1070] : memref<2x8x2x8x128xf32, #tpu.memory_space<vmem>> -> memref<1x1x1x8x128xf32, #tpu.memory_space<vmem>>
        %dma_wait3A_1072 = tpu.memref_squeeze %dma_wait3A_1071 : memref<1x1x1x8x128xf32, #tpu.memory_space<vmem>> -> memref<8x128xf32, #tpu.memory_space<vmem>>
        tpu.wait_dma2 semaphore(%arg13 : memref<!tpu.dma_semaphore, #tpu.memory_space<semaphore_mem>>) src(%dma_wait3A_1072 : memref<8x128xf32, #tpu.memory_space<vmem>>) dst(%dma_wait3A_1068 : memref<8x128xf32, #tpu.memory_space<hbm>>)
        %dma_wait3A_1073 = arith.constant 0 : i32
        %dma_wait3A_1074 = arith.constant 0 : i32
        %dma_wait3A_1075 = arith.constant 0 : i32
        %dma_wait3A_1076 = arith.constant 0 : i32
        %dma_wait3A_1077 = tpu.memref_slice %arg10[%rem3A_597, %dma_wait3A_1073, %dma_wait3A_1074, %dma_wait3A_1075, %dma_wait3A_1076] : memref<2x8x2x8x128xf32, #tpu.memory_space<vmem>> -> memref<1x1x1x8x128xf32, #tpu.memory_space<vmem>>
        %dma_wait3A_1078 = tpu.memref_squeeze %dma_wait3A_1077 : memref<1x1x1x8x128xf32, #tpu.memory_space<vmem>> -> memref<8x128xf32, #tpu.memory_space<vmem>>
        %dma_wait3A_1079 = arith.constant 0 : i32
        %dma_wait3A_1080 = arith.constant 0 : i32
        %dma_wait3A_1081 = tpu.memref_slice %arg5[%dma_wait3A_1079, %dma_wait3A_1080] : memref<16384x256xf32, #tpu.memory_space<hbm>> -> memref<8x128xf32, #tpu.memory_space<hbm>>
        %dma_wait3A_1082 = arith.constant 0 : i32
        %dma_wait3A_1083 = arith.constant 0 : i32
        %dma_wait3A_1084 = tpu.memref_slice %arg5[%dma_wait3A_1082, %dma_wait3A_1083] : memref<16384x256xf32, #tpu.memory_space<hbm>> -> memref<8x128xf32, #tpu.memory_space<hbm>>
        %dma_wait3A_1085 = arith.constant 0 : i32
        %dma_wait3A_1086 = arith.constant 0 : i32
        %dma_wait3A_1087 = tpu.memref_slice %arg10[%rem3A_597, %dma_wait3A_1073, %dma_wait3A_1074, %dma_wait3A_1085, %dma_wait3A_1086] : memref<2x8x2x8x128xf32, #tpu.memory_space<vmem>> -> memref<1x1x1x8x128xf32, #tpu.memory_space<vmem>>
        %dma_wait3A_1088 = tpu.memref_squeeze %dma_wait3A_1087 : memref<1x1x1x8x128xf32, #tpu.memory_space<vmem>> -> memref<8x128xf32, #tpu.memory_space<vmem>>
        tpu.wait_dma2 semaphore(%arg13 : memref<!tpu.dma_semaphore, #tpu.memory_space<semaphore_mem>>) src(%dma_wait3A_1088 : memref<8x128xf32, #tpu.memory_space<vmem>>) dst(%dma_wait3A_1084 : memref<8x128xf32, #tpu.memory_space<hbm>>)
        %dma_wait3A_1089 = arith.constant 0 : i32
        %dma_wait3A_1090 = arith.constant 0 : i32
        %dma_wait3A_1091 = arith.constant 0 : i32
        %dma_wait3A_1092 = arith.constant 0 : i32
        %dma_wait3A_1093 = tpu.memref_slice %arg10[%rem3A_597, %dma_wait3A_1089, %dma_wait3A_1090, %dma_wait3A_1091, %dma_wait3A_1092] : memref<2x8x2x8x128xf32, #tpu.memory_space<vmem>> -> memref<1x1x1x8x128xf32, #tpu.memory_space<vmem>>
        %dma_wait3A_1094 = tpu.memref_squeeze %dma_wait3A_1093 : memref<1x1x1x8x128xf32, #tpu.memory_space<vmem>> -> memref<8x128xf32, #tpu.memory_space<vmem>>
        %dma_wait3A_1095 = arith.constant 0 : i32
        %dma_wait3A_1096 = arith.constant 0 : i32
        %dma_wait3A_1097 = tpu.memref_slice %arg5[%dma_wait3A_1095, %dma_wait3A_1096] : memref<16384x256xf32, #tpu.memory_space<hbm>> -> memref<8x128xf32, #tpu.memory_space<hbm>>
        %dma_wait3A_1098 = arith.constant 0 : i32
        %dma_wait3A_1099 = arith.constant 0 : i32
        %dma_wait3A_1100 = tpu.memref_slice %arg5[%dma_wait3A_1098, %dma_wait3A_1099] : memref<16384x256xf32, #tpu.memory_space<hbm>> -> memref<8x128xf32, #tpu.memory_space<hbm>>
        %dma_wait3A_1101 = arith.constant 0 : i32
        %dma_wait3A_1102 = arith.constant 0 : i32
        %dma_wait3A_1103 = tpu.memref_slice %arg10[%rem3A_597, %dma_wait3A_1089, %dma_wait3A_1090, %dma_wait3A_1101, %dma_wait3A_1102] : memref<2x8x2x8x128xf32, #tpu.memory_space<vmem>> -> memref<1x1x1x8x128xf32, #tpu.memory_space<vmem>>
        %dma_wait3A_1104 = tpu.memref_squeeze %dma_wait3A_1103 : memref<1x1x1x8x128xf32, #tpu.memory_space<vmem>> -> memref<8x128xf32, #tpu.memory_space<vmem>>
        tpu.wait_dma2 semaphore(%arg13 : memref<!tpu.dma_semaphore, #tpu.memory_space<semaphore_mem>>) src(%dma_wait3A_1104 : memref<8x128xf32, #tpu.memory_space<vmem>>) dst(%dma_wait3A_1100 : memref<8x128xf32, #tpu.memory_space<hbm>>)
        %dma_wait3A_1105 = arith.constant 0 : i32
        %dma_wait3A_1106 = arith.constant 0 : i32
        %dma_wait3A_1107 = arith.constant 0 : i32
        %dma_wait3A_1108 = arith.constant 0 : i32
        %dma_wait3A_1109 = tpu.memref_slice %arg10[%rem3A_597, %dma_wait3A_1105, %dma_wait3A_1106, %dma_wait3A_1107, %dma_wait3A_1108] : memref<2x8x2x8x128xf32, #tpu.memory_space<vmem>> -> memref<1x1x1x8x128xf32, #tpu.memory_space<vmem>>
        %dma_wait3A_1110 = tpu.memref_squeeze %dma_wait3A_1109 : memref<1x1x1x8x128xf32, #tpu.memory_space<vmem>> -> memref<8x128xf32, #tpu.memory_space<vmem>>
        %dma_wait3A_1111 = arith.constant 0 : i32
        %dma_wait3A_1112 = arith.constant 0 : i32
        %dma_wait3A_1113 = tpu.memref_slice %arg5[%dma_wait3A_1111, %dma_wait3A_1112] : memref<16384x256xf32, #tpu.memory_space<hbm>> -> memref<8x128xf32, #tpu.memory_space<hbm>>
        %dma_wait3A_1114 = arith.constant 0 : i32
        %dma_wait3A_1115 = arith.constant 0 : i32
        %dma_wait3A_1116 = tpu.memref_slice %arg5[%dma_wait3A_1114, %dma_wait3A_1115] : memref<16384x256xf32, #tpu.memory_space<hbm>> -> memref<8x128xf32, #tpu.memory_space<hbm>>
        %dma_wait3A_1117 = arith.constant 0 : i32
        %dma_wait3A_1118 = arith.constant 0 : i32
        %dma_wait3A_1119 = tpu.memref_slice %arg10[%rem3A_597, %dma_wait3A_1105, %dma_wait3A_1106, %dma_wait3A_1117, %dma_wait3A_1118] : memref<2x8x2x8x128xf32, #tpu.memory_space<vmem>> -> memref<1x1x1x8x128xf32, #tpu.memory_space<vmem>>
        %dma_wait3A_1120 = tpu.memref_squeeze %dma_wait3A_1119 : memref<1x1x1x8x128xf32, #tpu.memory_space<vmem>> -> memref<8x128xf32, #tpu.memory_space<vmem>>
        tpu.wait_dma2 semaphore(%arg13 : memref<!tpu.dma_semaphore, #tpu.memory_space<semaphore_mem>>) src(%dma_wait3A_1120 : memref<8x128xf32, #tpu.memory_space<vmem>>) dst(%dma_wait3A_1116 : memref<8x128xf32, #tpu.memory_space<hbm>>)
        %dma_wait3A_1121 = arith.constant 0 : i32
        %dma_wait3A_1122 = arith.constant 0 : i32
        %dma_wait3A_1123 = arith.constant 0 : i32
        %dma_wait3A_1124 = arith.constant 0 : i32
        %dma_wait3A_1125 = tpu.memref_slice %arg10[%rem3A_597, %dma_wait3A_1121, %dma_wait3A_1122, %dma_wait3A_1123, %dma_wait3A_1124] : memref<2x8x2x8x128xf32, #tpu.memory_space<vmem>> -> memref<1x1x1x8x128xf32, #tpu.memory_space<vmem>>
        %dma_wait3A_1126 = tpu.memref_squeeze %dma_wait3A_1125 : memref<1x1x1x8x128xf32, #tpu.memory_space<vmem>> -> memref<8x128xf32, #tpu.memory_space<vmem>>
        %dma_wait3A_1127 = arith.constant 0 : i32
        %dma_wait3A_1128 = arith.constant 0 : i32
        %dma_wait3A_1129 = tpu.memref_slice %arg5[%dma_wait3A_1127, %dma_wait3A_1128] : memref<16384x256xf32, #tpu.memory_space<hbm>> -> memref<8x128xf32, #tpu.memory_space<hbm>>
        %dma_wait3A_1130 = arith.constant 0 : i32
        %dma_wait3A_1131 = arith.constant 0 : i32
        %dma_wait3A_1132 = tpu.memref_slice %arg5[%dma_wait3A_1130, %dma_wait3A_1131] : memref<16384x256xf32, #tpu.memory_space<hbm>> -> memref<8x128xf32, #tpu.memory_space<hbm>>
        %dma_wait3A_1133 = arith.constant 0 : i32
        %dma_wait3A_1134 = arith.constant 0 : i32
        %dma_wait3A_1135 = tpu.memref_slice %arg10[%rem3A_597, %dma_wait3A_1121, %dma_wait3A_1122, %dma_wait3A_1133, %dma_wait3A_1134] : memref<2x8x2x8x128xf32, #tpu.memory_space<vmem>> -> memref<1x1x1x8x128xf32, #tpu.memory_space<vmem>>
        %dma_wait3A_1136 = tpu.memref_squeeze %dma_wait3A_1135 : memref<1x1x1x8x128xf32, #tpu.memory_space<vmem>> -> memref<8x128xf32, #tpu.memory_space<vmem>>
        tpu.wait_dma2 semaphore(%arg13 : memref<!tpu.dma_semaphore, #tpu.memory_space<semaphore_mem>>) src(%dma_wait3A_1136 : memref<8x128xf32, #tpu.memory_space<vmem>>) dst(%dma_wait3A_1132 : memref<8x128xf32, #tpu.memory_space<hbm>>)
        %dma_wait3A_1137 = arith.constant 0 : i32
        %dma_wait3A_1138 = arith.constant 0 : i32
        %dma_wait3A_1139 = arith.constant 0 : i32
        %dma_wait3A_1140 = arith.constant 0 : i32
        %dma_wait3A_1141 = tpu.memref_slice %arg10[%rem3A_597, %dma_wait3A_1137, %dma_wait3A_1138, %dma_wait3A_1139, %dma_wait3A_1140] : memref<2x8x2x8x128xf32, #tpu.memory_space<vmem>> -> memref<1x1x1x8x128xf32, #tpu.memory_space<vmem>>
        %dma_wait3A_1142 = tpu.memref_squeeze %dma_wait3A_1141 : memref<1x1x1x8x128xf32, #tpu.memory_space<vmem>> -> memref<8x128xf32, #tpu.memory_space<vmem>>
        %dma_wait3A_1143 = arith.constant 0 : i32
        %dma_wait3A_1144 = arith.constant 0 : i32
        %dma_wait3A_1145 = tpu.memref_slice %arg5[%dma_wait3A_1143, %dma_wait3A_1144] : memref<16384x256xf32, #tpu.memory_space<hbm>> -> memref<8x128xf32, #tpu.memory_space<hbm>>
        %dma_wait3A_1146 = arith.constant 0 : i32
        %dma_wait3A_1147 = arith.constant 0 : i32
        %dma_wait3A_1148 = tpu.memref_slice %arg5[%dma_wait3A_1146, %dma_wait3A_1147] : memref<16384x256xf32, #tpu.memory_space<hbm>> -> memref<8x128xf32, #tpu.memory_space<hbm>>
        %dma_wait3A_1149 = arith.constant 0 : i32
        %dma_wait3A_1150 = arith.constant 0 : i32
        %dma_wait3A_1151 = tpu.memref_slice %arg10[%rem3A_597, %dma_wait3A_1137, %dma_wait3A_1138, %dma_wait3A_1149, %dma_wait3A_1150] : memref<2x8x2x8x128xf32, #tpu.memory_space<vmem>> -> memref<1x1x1x8x128xf32, #tpu.memory_space<vmem>>
        %dma_wait3A_1152 = tpu.memref_squeeze %dma_wait3A_1151 : memref<1x1x1x8x128xf32, #tpu.memory_space<vmem>> -> memref<8x128xf32, #tpu.memory_space<vmem>>
        tpu.wait_dma2 semaphore(%arg13 : memref<!tpu.dma_semaphore, #tpu.memory_space<semaphore_mem>>) src(%dma_wait3A_1152 : memref<8x128xf32, #tpu.memory_space<vmem>>) dst(%dma_wait3A_1148 : memref<8x128xf32, #tpu.memory_space<hbm>>)
      } else {
      }
      %scan3A_630 = arith.constant 0 : i32
      %scan3A_631 = arith.constant 0 : i32
      %scan3A_632 = arith.constant 64 : i32
      %scan3A_633 = arith.addi %scan3A_631, %scan3A_632 : i32
      %scan3A_634 = arith.constant 1 : i32
      %scan3A_635 = scf.for %scan3A_897 = %scan3A_631 to %scan3A_633 step %scan3A_634 iter_args(%scan3A_898 = %scan3A_630) -> (i32)  : i32 {
        %mul3A_899 = arith.constant 12816 : i32
        %mul3A_900 = arith.muli %rem3A_597, %mul3A_899 : i32
        %mul3A_901 = arith.constant 200 : i32
        %mul3A_902 = arith.muli %scan3A_897, %mul3A_901 : i32
        %add3A_903 = arith.addi %mul3A_900, %mul3A_902 : i32
        %broadcast_in_dim3A = arith.constant 0.000000e+00 : f32
        %broadcast_in_dim3A_904 = vector.broadcast %broadcast_in_dim3A : f32 to vector<16xf32>
        %add3A_905 = arith.constant 0 : i32
        %add3A_906 = arith.addi %add3A_903, %add3A_905 : i32
        %get3A = arith.index_cast %add3A_906 : i32 to index
        %get3A_907 = tpu.vector_load %arg9[%get3A] {strides = array<i32>} : memref<25632xf32, #tpu.memory_space<vmem>>, vector<16xf32>,
        %get3A_908 = vector.shape_cast %get3A_907 : vector<16xf32> to vector<16xf32>
        %exp3A = math.exp %get3A_908 : vector<16xf32>
        %add3A_909 = arith.addf %broadcast_in_dim3A_904, %exp3A : vector<16xf32>
        %add3A_910 = arith.constant 16 : i32
        %add3A_911 = arith.addi %add3A_903, %add3A_910 : i32
        %get3A_912 = arith.index_cast %add3A_911 : i32 to index
        %get3A_913 = tpu.vector_load %arg9[%get3A_912] {strides = array<i32>} : memref<25632xf32, #tpu.memory_space<vmem>>, vector<16xf32>,
        %get3A_914 = vector.shape_cast %get3A_913 : vector<16xf32> to vector<16xf32>
        %exp3A_915 = math.exp %get3A_914 : vector<16xf32>
        %add3A_916 = arith.addf %add3A_909, %exp3A_915 : vector<16xf32>
        %add3A_917 = arith.constant 32 : i32
        %add3A_918 = arith.addi %add3A_903, %add3A_917 : i32
        %get3A_919 = arith.index_cast %add3A_918 : i32 to index
        %get3A_920 = tpu.vector_load %arg9[%get3A_919] {strides = array<i32>} : memref<25632xf32, #tpu.memory_space<vmem>>, vector<16xf32>,
        %get3A_921 = vector.shape_cast %get3A_920 : vector<16xf32> to vector<16xf32>
        %exp3A_922 = math.exp %get3A_921 : vector<16xf32>
        %add3A_923 = arith.addf %add3A_916, %exp3A_922 : vector<16xf32>
        %add3A_924 = arith.constant 48 : i32
        %add3A_925 = arith.addi %add3A_903, %add3A_924 : i32
        %get3A_926 = arith.index_cast %add3A_925 : i32 to index
        %get3A_927 = tpu.vector_load %arg9[%get3A_926] {strides = array<i32>} : memref<25632xf32, #tpu.memory_space<vmem>>, vector<16xf32>,
        %get3A_928 = vector.shape_cast %get3A_927 : vector<16xf32> to vector<16xf32>
        %exp3A_929 = math.exp %get3A_928 : vector<16xf32>
        %add3A_930 = arith.addf %add3A_923, %exp3A_929 : vector<16xf32>
        %add3A_931 = arith.constant 64 : i32
        %add3A_932 = arith.addi %add3A_903, %add3A_931 : i32
        %get3A_933 = arith.index_cast %add3A_932 : i32 to index
        %get3A_934 = tpu.vector_load %arg9[%get3A_933] {strides = array<i32>} : memref<25632xf32, #tpu.memory_space<vmem>>, vector<16xf32>,
        %get3A_935 = vector.shape_cast %get3A_934 : vector<16xf32> to vector<16xf32>
        %exp3A_936 = math.exp %get3A_935 : vector<16xf32>
        %add3A_937 = arith.addf %add3A_930, %exp3A_936 : vector<16xf32>
        %add3A_938 = arith.constant 80 : i32
        %add3A_939 = arith.addi %add3A_903, %add3A_938 : i32
        %get3A_940 = arith.index_cast %add3A_939 : i32 to index
        %get3A_941 = tpu.vector_load %arg9[%get3A_940] {strides = array<i32>} : memref<25632xf32, #tpu.memory_space<vmem>>, vector<16xf32>,
        %get3A_942 = vector.shape_cast %get3A_941 : vector<16xf32> to vector<16xf32>
        %exp3A_943 = math.exp %get3A_942 : vector<16xf32>
        %add3A_944 = arith.addf %add3A_937, %exp3A_943 : vector<16xf32>
        %add3A_945 = arith.constant 96 : i32
        %add3A_946 = arith.addi %add3A_903, %add3A_945 : i32
        %get3A_947 = arith.index_cast %add3A_946 : i32 to index
        %get3A_948 = tpu.vector_load %arg9[%get3A_947] {strides = array<i32>} : memref<25632xf32, #tpu.memory_space<vmem>>, vector<16xf32>,
        %get3A_949 = vector.shape_cast %get3A_948 : vector<16xf32> to vector<16xf32>
        %exp3A_950 = math.exp %get3A_949 : vector<16xf32>
        %add3A_951 = arith.addf %add3A_944, %exp3A_950 : vector<16xf32>
        %add3A_952 = arith.constant 112 : i32
        %add3A_953 = arith.addi %add3A_903, %add3A_952 : i32
        %get3A_954 = arith.index_cast %add3A_953 : i32 to index
        %get3A_955 = tpu.vector_load %arg9[%get3A_954] {strides = array<i32>} : memref<25632xf32, #tpu.memory_space<vmem>>, vector<16xf32>,
        %get3A_956 = vector.shape_cast %get3A_955 : vector<16xf32> to vector<16xf32>
        %exp3A_957 = math.exp %get3A_956 : vector<16xf32>
        %add3A_958 = arith.addf %add3A_951, %exp3A_957 : vector<16xf32>
        %add3A_959 = arith.constant 128 : i32
        %add3A_960 = arith.addi %add3A_903, %add3A_959 : i32
        %get3A_961 = arith.index_cast %add3A_960 : i32 to index
        %get3A_962 = tpu.vector_load %arg9[%get3A_961] {strides = array<i32>} : memref<25632xf32, #tpu.memory_space<vmem>>, vector<16xf32>,
        %get3A_963 = vector.shape_cast %get3A_962 : vector<16xf32> to vector<16xf32>
        %exp3A_964 = math.exp %get3A_963 : vector<16xf32>
        %add3A_965 = arith.addf %add3A_958, %exp3A_964 : vector<16xf32>
        %add3A_966 = arith.constant 144 : i32
        %add3A_967 = arith.addi %add3A_903, %add3A_966 : i32
        %get3A_968 = arith.index_cast %add3A_967 : i32 to index
        %get3A_969 = tpu.vector_load %arg9[%get3A_968] {strides = array<i32>} : memref<25632xf32, #tpu.memory_space<vmem>>, vector<16xf32>,
        %get3A_970 = vector.shape_cast %get3A_969 : vector<16xf32> to vector<16xf32>
        %exp3A_971 = math.exp %get3A_970 : vector<16xf32>
        %add3A_972 = arith.addf %add3A_965, %exp3A_971 : vector<16xf32>
        %add3A_973 = arith.constant 160 : i32
        %add3A_974 = arith.addi %add3A_903, %add3A_973 : i32
        %get3A_975 = arith.index_cast %add3A_974 : i32 to index
        %get3A_976 = tpu.vector_load %arg9[%get3A_975] {strides = array<i32>} : memref<25632xf32, #tpu.memory_space<vmem>>, vector<16xf32>,
        %get3A_977 = vector.shape_cast %get3A_976 : vector<16xf32> to vector<16xf32>
        %exp3A_978 = math.exp %get3A_977 : vector<16xf32>
        %add3A_979 = arith.addf %add3A_972, %exp3A_978 : vector<16xf32>
        %add3A_980 = arith.constant 176 : i32
        %add3A_981 = arith.addi %add3A_903, %add3A_980 : i32
        %get3A_982 = arith.index_cast %add3A_981 : i32 to index
        %get3A_983 = tpu.vector_load %arg9[%get3A_982] {strides = array<i32>} : memref<25632xf32, #tpu.memory_space<vmem>>, vector<16xf32>,
        %get3A_984 = vector.shape_cast %get3A_983 : vector<16xf32> to vector<16xf32>
        %exp3A_985 = math.exp %get3A_984 : vector<16xf32>
        %add3A_986 = arith.addf %add3A_979, %exp3A_985 : vector<16xf32>
        %add3A_987 = arith.constant 192 : i32
        %add3A_988 = arith.addi %add3A_903, %add3A_987 : i32
        %get3A_989 = arith.index_cast %add3A_988 : i32 to index
        %get3A_990 = tpu.vector_load %arg9[%get3A_989] {strides = array<i32>} : memref<25632xf32, #tpu.memory_space<vmem>>, vector<16xf32>,
        %get3A_991 = vector.shape_cast %get3A_990 : vector<16xf32> to vector<16xf32>
        %exp3A_992 = math.exp %get3A_991 : vector<16xf32>
        %jit3A = arith.constant 0.000000e+00 : f32
        %broadcast_in_dim3A_993 = vector.broadcast %jit3A : f32 to vector<16xf32>
        %select_n3A = arith.select %lt3A_4, %exp3A_992, %broadcast_in_dim3A_993 : vector<16xi1>, vector<16xf32>
        %add3A_994 = arith.addf %add3A_986, %select_n3A : vector<16xf32>
        %rev3A = arith.constant 15 : i32
        %rev3A_995 = vector.broadcast %rev3A : i32 to vector<16xi32>
        %rev3A_996 = tpu.iota {dimensions = array<i32: 0>} : vector<16xi32>
        %rev3A_997 = arith.subi %rev3A_995, %rev3A_996 : vector<16xi32>
        %rev3A_998 = tpu.dynamic_gather %add3A_994[%rev3A_997] in [0] : vector<16xf32>, vector<16xi32> -> vector<16xf32>
        %add3A_999 = arith.addf %add3A_994, %rev3A_998 : vector<16xf32>
        %slice3A = vector.extract_strided_slice %add3A_999 {offsets = [0], sizes = [1], strides = [1]} : vector<16xf32> to vector<1xf32>
        %squeeze3A = vector.extract %slice3A[0] : f32 from vector<1xf32>
        %slice3A_1000 = vector.extract_strided_slice %add3A_999 {offsets = [1], sizes = [1], strides = [1]} : vector<16xf32> to vector<1xf32>
        %squeeze3A_1001 = vector.extract %slice3A_1000[0] : f32 from vector<1xf32>
        %add3A_1002 = arith.addf %squeeze3A, %squeeze3A_1001 : f32
        %slice3A_1003 = vector.extract_strided_slice %add3A_999 {offsets = [2], sizes = [1], strides = [1]} : vector<16xf32> to vector<1xf32>
        %squeeze3A_1004 = vector.extract %slice3A_1003[0] : f32 from vector<1xf32>
        %add3A_1005 = arith.addf %add3A_1002, %squeeze3A_1004 : f32
        %slice3A_1006 = vector.extract_strided_slice %add3A_999 {offsets = [3], sizes = [1], strides = [1]} : vector<16xf32> to vector<1xf32>
        %squeeze3A_1007 = vector.extract %slice3A_1006[0] : f32 from vector<1xf32>
        %add3A_1008 = arith.addf %add3A_1005, %squeeze3A_1007 : f32
        %slice3A_1009 = vector.extract_strided_slice %add3A_999 {offsets = [4], sizes = [1], strides = [1]} : vector<16xf32> to vector<1xf32>
        %squeeze3A_1010 = vector.extract %slice3A_1009[0] : f32 from vector<1xf32>
        %add3A_1011 = arith.addf %add3A_1008, %squeeze3A_1010 : f32
        %slice3A_1012 = vector.extract_strided_slice %add3A_999 {offsets = [5], sizes = [1], strides = [1]} : vector<16xf32> to vector<1xf32>
        %squeeze3A_1013 = vector.extract %slice3A_1012[0] : f32 from vector<1xf32>
        %add3A_1014 = arith.addf %add3A_1011, %squeeze3A_1013 : f32
        %slice3A_1015 = vector.extract_strided_slice %add3A_999 {offsets = [6], sizes = [1], strides = [1]} : vector<16xf32> to vector<1xf32>
        %squeeze3A_1016 = vector.extract %slice3A_1015[0] : f32 from vector<1xf32>
        %add3A_1017 = arith.addf %add3A_1014, %squeeze3A_1016 : f32
        %slice3A_1018 = vector.extract_strided_slice %add3A_999 {offsets = [7], sizes = [1], strides = [1]} : vector<16xf32> to vector<1xf32>
        %squeeze3A_1019 = vector.extract %slice3A_1018[0] : f32 from vector<1xf32>
        %add3A_1020 = arith.addf %add3A_1017, %squeeze3A_1019 : f32
        %broadcast_in_dim3A_1021 = vector.broadcast %add3A_1020 : f32 to vector<16xf32>
        %bitcast_convert_type3A = tpu.bitcast %broadcast_in_dim3A_1021 : vector<16xf32> -> vector<16xi32>
        %convert_element_type3A_1022 = arith.sitofp %bitcast_convert_type3A : vector<16xi32> to vector<16xf32>
        %mul3A_1023 = arith.constant 1.1920929E-7 : f32
        %mul3A_1024 = vector.broadcast %mul3A_1023 : f32 to vector<16xf32>
        %mul3A_1025 = arith.mulf %convert_element_type3A_1022, %mul3A_1024 : vector<16xf32>
        %sub3A_1026 = arith.constant 1.270000e+02 : f32
        %sub3A_1027 = vector.broadcast %sub3A_1026 : f32 to vector<16xf32>
        %sub3A_1028 = arith.subf %mul3A_1025, %sub3A_1027 : vector<16xf32>
        %mul3A_1029 = arith.constant 0.693147182 : f32
        %mul3A_1030 = vector.broadcast %mul3A_1029 : f32 to vector<16xf32>
        %mul3A_1031 = arith.mulf %sub3A_1028, %mul3A_1030 : vector<16xf32>
        %sub3A_1032 = arith.constant 1.000000e+00 : f32
        %sub3A_1033 = vector.broadcast %sub3A_1032 : f32 to vector<16xf32>
        %sub3A_1034 = arith.subf %mul3A_1031, %sub3A_1033 : vector<16xf32>
        %neg3A = arith.constant 0.000000e+00 : f32
        %neg3A_1035 = vector.broadcast %neg3A : f32 to vector<16xf32>
        %neg3A_1036 = arith.subf %neg3A_1035, %mul3A_1031 : vector<16xf32>
        %exp3A_1037 = math.exp %neg3A_1036 : vector<16xf32>
        %mul3A_1038 = arith.mulf %broadcast_in_dim3A_1021, %exp3A_1037 : vector<16xf32>
        %add3A_1039 = arith.addf %sub3A_1034, %mul3A_1038 : vector<16xf32>
        %jit3A_1040 = arith.constant 8 : i32
        %div3A = arith.divsi %scan3A_897, %jit3A_1040 : i32
        %sign3A = arith.constant 0 : i32
        %sign3A_1041 = arith.cmpi sgt, %scan3A_897, %sign3A : i32
        %sign3A_1042 = arith.extui %sign3A_1041 : i1 to i32
        %sign3A_1043 = arith.constant 0 : i32
        %sign3A_1044 = arith.cmpi slt, %scan3A_897, %sign3A_1043 : i32
        %sign3A_1045 = arith.extui %sign3A_1044 : i1 to i32
        %sign3A_1046 = arith.subi %sign3A_1042, %sign3A_1045 : i32
        %sign3A_1047 = arith.constant 0 : i32
        %sign3A_1048 = arith.cmpi sgt, %jit3A_1040, %sign3A_1047 : i32
        %sign3A_1049 = arith.extui %sign3A_1048 : i1 to i32
        %sign3A_1050 = arith.constant 0 : i32
        %sign3A_1051 = arith.cmpi slt, %jit3A_1040, %sign3A_1050 : i32
        %sign3A_1052 = arith.extui %sign3A_1051 : i1 to i32
        %sign3A_1053 = arith.subi %sign3A_1049, %sign3A_1052 : i32
        %ne3A = arith.cmpi ne, %sign3A_1046, %sign3A_1053 : i32
        %rem3A_1054 = arith.remsi %scan3A_897, %jit3A_1040 : i32
        %ne3A_1055 = arith.constant 0 : i32
        %ne3A_1056 = arith.cmpi ne, %rem3A_1054, %ne3A_1055 : i32
        %and3A = arith.andi %ne3A, %ne3A_1056 : i1
        %sub3A_1057 = arith.constant 1 : i32
        %sub3A_1058 = arith.subi %div3A, %sub3A_1057 : i32
        %select_n3A_1059 = arith.select %and3A, %sub3A_1058, %div3A : i32
        %mul3A_1060 = arith.constant 8 : i32
        %mul3A_1061 = arith.muli %select_n3A_1059, %mul3A_1060 : i32
        %sub3A_1062 = arith.subi %scan3A_897, %mul3A_1061 : i32
        %sub3A_1063 = arith.subf %get3A_908, %add3A_1039 : vector<16xf32>
        %swap3A = arith.constant 0 : i32
        %swap3A_1064 = arith.index_cast %rem3A_597 : i32 to index
        %swap3A_1065 = arith.index_cast %select_n3A_1059 : i32 to index
        %swap3A_1066 = arith.index_cast %swap3A : i32 to index
        %swap3A_1067 = arith.index_cast %sub3A_1062 : i32 to index
        %swap3A_1068 = arith.constant 0 : index
        %swap3A_1069 = tpu.vector_load %arg10[%swap3A_1064, %swap3A_1065, %swap3A_1066, %swap3A_1067, %swap3A_1068] {strides = array<i32>} : memref<2x8x2x8x128xf32, #tpu.memory_space<vmem>>, vector<1x1x1x1x16xf32>,
        %swap3A_1070 = vector.shape_cast %swap3A_1069 : vector<1x1x1x1x16xf32> to vector<16xf32>
        %swap3A_1071 = vector.shape_cast %sub3A_1063 : vector<16xf32> to vector<1x1x1x1x16xf32>
        tpu.vector_store %arg10[%swap3A_1064, %swap3A_1065, %swap3A_1066, %swap3A_1067, %swap3A_1068], %swap3A_1071 {strides = array<i32>} : memref<2x8x2x8x128xf32, #tpu.memory_space<vmem>>, vector<1x1x1x1x16xf32>,
        %sub3A_1072 = arith.subf %get3A_914, %add3A_1039 : vector<16xf32>
        %swap3A_1073 = arith.constant 0 : i32
        %swap3A_1074 = arith.index_cast %rem3A_597 : i32 to index
        %swap3A_1075 = arith.index_cast %select_n3A_1059 : i32 to index
        %swap3A_1076 = arith.index_cast %swap3A_1073 : i32 to index
        %swap3A_1077 = arith.index_cast %sub3A_1062 : i32 to index
        %swap3A_1078 = arith.constant 16 : index
        %swap3A_1079 = tpu.vector_load %arg10[%swap3A_1074, %swap3A_1075, %swap3A_1076, %swap3A_1077, %swap3A_1078] {strides = array<i32>} : memref<2x8x2x8x128xf32, #tpu.memory_space<vmem>>, vector<1x1x1x1x16xf32>,
        %swap3A_1080 = vector.shape_cast %swap3A_1079 : vector<1x1x1x1x16xf32> to vector<16xf32>
        %swap3A_1081 = vector.shape_cast %sub3A_1072 : vector<16xf32> to vector<1x1x1x1x16xf32>
        tpu.vector_store %arg10[%swap3A_1074, %swap3A_1075, %swap3A_1076, %swap3A_1077, %swap3A_1078], %swap3A_1081 {strides = array<i32>} : memref<2x8x2x8x128xf32, #tpu.memory_space<vmem>>, vector<1x1x1x1x16xf32>,
        %sub3A_1082 = arith.subf %get3A_921, %add3A_1039 : vector<16xf32>
        %swap3A_1083 = arith.constant 0 : i32
        %swap3A_1084 = arith.index_cast %rem3A_597 : i32 to index
        %swap3A_1085 = arith.index_cast %select_n3A_1059 : i32 to index
        %swap3A_1086 = arith.index_cast %swap3A_1083 : i32 to index
        %swap3A_1087 = arith.index_cast %sub3A_1062 : i32 to index
        %swap3A_1088 = arith.constant 32 : index
        %swap3A_1089 = tpu.vector_load %arg10[%swap3A_1084, %swap3A_1085, %swap3A_1086, %swap3A_1087, %swap3A_1088] {strides = array<i32>} : memref<2x8x2x8x128xf32, #tpu.memory_space<vmem>>, vector<1x1x1x1x16xf32>,
        %swap3A_1090 = vector.shape_cast %swap3A_1089 : vector<1x1x1x1x16xf32> to vector<16xf32>
        %swap3A_1091 = vector.shape_cast %sub3A_1082 : vector<16xf32> to vector<1x1x1x1x16xf32>
        tpu.vector_store %arg10[%swap3A_1084, %swap3A_1085, %swap3A_1086, %swap3A_1087, %swap3A_1088], %swap3A_1091 {strides = array<i32>} : memref<2x8x2x8x128xf32, #tpu.memory_space<vmem>>, vector<1x1x1x1x16xf32>,
        %sub3A_1092 = arith.subf %get3A_928, %add3A_1039 : vector<16xf32>
        %swap3A_1093 = arith.constant 0 : i32
        %swap3A_1094 = arith.index_cast %rem3A_597 : i32 to index
        %swap3A_1095 = arith.index_cast %select_n3A_1059 : i32 to index
        %swap3A_1096 = arith.index_cast %swap3A_1093 : i32 to index
        %swap3A_1097 = arith.index_cast %sub3A_1062 : i32 to index
        %swap3A_1098 = arith.constant 48 : index
        %swap3A_1099 = tpu.vector_load %arg10[%swap3A_1094, %swap3A_1095, %swap3A_1096, %swap3A_1097, %swap3A_1098] {strides = array<i32>} : memref<2x8x2x8x128xf32, #tpu.memory_space<vmem>>, vector<1x1x1x1x16xf32>,
        %swap3A_1100 = vector.shape_cast %swap3A_1099 : vector<1x1x1x1x16xf32> to vector<16xf32>
        %swap3A_1101 = vector.shape_cast %sub3A_1092 : vector<16xf32> to vector<1x1x1x1x16xf32>
        tpu.vector_store %arg10[%swap3A_1094, %swap3A_1095, %swap3A_1096, %swap3A_1097, %swap3A_1098], %swap3A_1101 {strides = array<i32>} : memref<2x8x2x8x128xf32, #tpu.memory_space<vmem>>, vector<1x1x1x1x16xf32>,
        %sub3A_1102 = arith.subf %get3A_935, %add3A_1039 : vector<16xf32>
        %swap3A_1103 = arith.constant 0 : i32
        %swap3A_1104 = arith.index_cast %rem3A_597 : i32 to index
        %swap3A_1105 = arith.index_cast %select_n3A_1059 : i32 to index
        %swap3A_1106 = arith.index_cast %swap3A_1103 : i32 to index
        %swap3A_1107 = arith.index_cast %sub3A_1062 : i32 to index
        %swap3A_1108 = arith.constant 64 : index
        %swap3A_1109 = tpu.vector_load %arg10[%swap3A_1104, %swap3A_1105, %swap3A_1106, %swap3A_1107, %swap3A_1108] {strides = array<i32>} : memref<2x8x2x8x128xf32, #tpu.memory_space<vmem>>, vector<1x1x1x1x16xf32>,
        %swap3A_1110 = vector.shape_cast %swap3A_1109 : vector<1x1x1x1x16xf32> to vector<16xf32>
        %swap3A_1111 = vector.shape_cast %sub3A_1102 : vector<16xf32> to vector<1x1x1x1x16xf32>
        tpu.vector_store %arg10[%swap3A_1104, %swap3A_1105, %swap3A_1106, %swap3A_1107, %swap3A_1108], %swap3A_1111 {strides = array<i32>} : memref<2x8x2x8x128xf32, #tpu.memory_space<vmem>>, vector<1x1x1x1x16xf32>,
        %sub3A_1112 = arith.subf %get3A_942, %add3A_1039 : vector<16xf32>
        %swap3A_1113 = arith.constant 0 : i32
        %swap3A_1114 = arith.index_cast %rem3A_597 : i32 to index
        %swap3A_1115 = arith.index_cast %select_n3A_1059 : i32 to index
        %swap3A_1116 = arith.index_cast %swap3A_1113 : i32 to index
        %swap3A_1117 = arith.index_cast %sub3A_1062 : i32 to index
        %swap3A_1118 = arith.constant 80 : index
        %swap3A_1119 = tpu.vector_load %arg10[%swap3A_1114, %swap3A_1115, %swap3A_1116, %swap3A_1117, %swap3A_1118] {strides = array<i32>} : memref<2x8x2x8x128xf32, #tpu.memory_space<vmem>>, vector<1x1x1x1x16xf32>,
        %swap3A_1120 = vector.shape_cast %swap3A_1119 : vector<1x1x1x1x16xf32> to vector<16xf32>
        %swap3A_1121 = vector.shape_cast %sub3A_1112 : vector<16xf32> to vector<1x1x1x1x16xf32>
        tpu.vector_store %arg10[%swap3A_1114, %swap3A_1115, %swap3A_1116, %swap3A_1117, %swap3A_1118], %swap3A_1121 {strides = array<i32>} : memref<2x8x2x8x128xf32, #tpu.memory_space<vmem>>, vector<1x1x1x1x16xf32>,
        %sub3A_1122 = arith.subf %get3A_949, %add3A_1039 : vector<16xf32>
        %swap3A_1123 = arith.constant 0 : i32
        %swap3A_1124 = arith.index_cast %rem3A_597 : i32 to index
        %swap3A_1125 = arith.index_cast %select_n3A_1059 : i32 to index
        %swap3A_1126 = arith.index_cast %swap3A_1123 : i32 to index
        %swap3A_1127 = arith.index_cast %sub3A_1062 : i32 to index
        %swap3A_1128 = arith.constant 96 : index
        %swap3A_1129 = tpu.vector_load %arg10[%swap3A_1124, %swap3A_1125, %swap3A_1126, %swap3A_1127, %swap3A_1128] {strides = array<i32>} : memref<2x8x2x8x128xf32, #tpu.memory_space<vmem>>, vector<1x1x1x1x16xf32>,
        %swap3A_1130 = vector.shape_cast %swap3A_1129 : vector<1x1x1x1x16xf32> to vector<16xf32>
        %swap3A_1131 = vector.shape_cast %sub3A_1122 : vector<16xf32> to vector<1x1x1x1x16xf32>
        tpu.vector_store %arg10[%swap3A_1124, %swap3A_1125, %swap3A_1126, %swap3A_1127, %swap3A_1128], %swap3A_1131 {strides = array<i32>} : memref<2x8x2x8x128xf32, #tpu.memory_space<vmem>>, vector<1x1x1x1x16xf32>,
        %sub3A_1132 = arith.subf %get3A_956, %add3A_1039 : vector<16xf32>
        %swap3A_1133 = arith.constant 0 : i32
        %swap3A_1134 = arith.index_cast %rem3A_597 : i32 to index
        %swap3A_1135 = arith.index_cast %select_n3A_1059 : i32 to index
        %swap3A_1136 = arith.index_cast %swap3A_1133 : i32 to index
        %swap3A_1137 = arith.index_cast %sub3A_1062 : i32 to index
        %swap3A_1138 = arith.constant 112 : index
        %swap3A_1139 = tpu.vector_load %arg10[%swap3A_1134, %swap3A_1135, %swap3A_1136, %swap3A_1137, %swap3A_1138] {strides = array<i32>} : memref<2x8x2x8x128xf32, #tpu.memory_space<vmem>>, vector<1x1x1x1x16xf32>,
        %swap3A_1140 = vector.shape_cast %swap3A_1139 : vector<1x1x1x1x16xf32> to vector<16xf32>
        %swap3A_1141 = vector.shape_cast %sub3A_1132 : vector<16xf32> to vector<1x1x1x1x16xf32>
        tpu.vector_store %arg10[%swap3A_1134, %swap3A_1135, %swap3A_1136, %swap3A_1137, %swap3A_1138], %swap3A_1141 {strides = array<i32>} : memref<2x8x2x8x128xf32, #tpu.memory_space<vmem>>, vector<1x1x1x1x16xf32>,
        %sub3A_1142 = arith.subf %get3A_963, %add3A_1039 : vector<16xf32>
        %swap3A_1143 = arith.constant 1 : i32
        %swap3A_1144 = arith.index_cast %rem3A_597 : i32 to index
        %swap3A_1145 = arith.index_cast %select_n3A_1059 : i32 to index
        %swap3A_1146 = arith.index_cast %swap3A_1143 : i32 to index
        %swap3A_1147 = arith.index_cast %sub3A_1062 : i32 to index
        %swap3A_1148 = arith.constant 0 : index
        %swap3A_1149 = tpu.vector_load %arg10[%swap3A_1144, %swap3A_1145, %swap3A_1146, %swap3A_1147, %swap3A_1148] {strides = array<i32>} : memref<2x8x2x8x128xf32, #tpu.memory_space<vmem>>, vector<1x1x1x1x16xf32>,
        %swap3A_1150 = vector.shape_cast %swap3A_1149 : vector<1x1x1x1x16xf32> to vector<16xf32>
        %swap3A_1151 = vector.shape_cast %sub3A_1142 : vector<16xf32> to vector<1x1x1x1x16xf32>
        tpu.vector_store %arg10[%swap3A_1144, %swap3A_1145, %swap3A_1146, %swap3A_1147, %swap3A_1148], %swap3A_1151 {strides = array<i32>} : memref<2x8x2x8x128xf32, #tpu.memory_space<vmem>>, vector<1x1x1x1x16xf32>,
        %sub3A_1152 = arith.subf %get3A_970, %add3A_1039 : vector<16xf32>
        %swap3A_1153 = arith.constant 1 : i32
        %swap3A_1154 = arith.index_cast %rem3A_597 : i32 to index
        %swap3A_1155 = arith.index_cast %select_n3A_1059 : i32 to index
        %swap3A_1156 = arith.index_cast %swap3A_1153 : i32 to index
        %swap3A_1157 = arith.index_cast %sub3A_1062 : i32 to index
        %swap3A_1158 = arith.constant 16 : index
        %swap3A_1159 = tpu.vector_load %arg10[%swap3A_1154, %swap3A_1155, %swap3A_1156, %swap3A_1157, %swap3A_1158] {strides = array<i32>} : memref<2x8x2x8x128xf32, #tpu.memory_space<vmem>>, vector<1x1x1x1x16xf32>,
        %swap3A_1160 = vector.shape_cast %swap3A_1159 : vector<1x1x1x1x16xf32> to vector<16xf32>
        %swap3A_1161 = vector.shape_cast %sub3A_1152 : vector<16xf32> to vector<1x1x1x1x16xf32>
        tpu.vector_store %arg10[%swap3A_1154, %swap3A_1155, %swap3A_1156, %swap3A_1157, %swap3A_1158], %swap3A_1161 {strides = array<i32>} : memref<2x8x2x8x128xf32, #tpu.memory_space<vmem>>, vector<1x1x1x1x16xf32>,
        %sub3A_1162 = arith.subf %get3A_977, %add3A_1039 : vector<16xf32>
        %swap3A_1163 = arith.constant 1 : i32
        %swap3A_1164 = arith.index_cast %rem3A_597 : i32 to index
        %swap3A_1165 = arith.index_cast %select_n3A_1059 : i32 to index
        %swap3A_1166 = arith.index_cast %swap3A_1163 : i32 to index
        %swap3A_1167 = arith.index_cast %sub3A_1062 : i32 to index
        %swap3A_1168 = arith.constant 32 : index
        %swap3A_1169 = tpu.vector_load %arg10[%swap3A_1164, %swap3A_1165, %swap3A_1166, %swap3A_1167, %swap3A_1168] {strides = array<i32>} : memref<2x8x2x8x128xf32, #tpu.memory_space<vmem>>, vector<1x1x1x1x16xf32>,
        %swap3A_1170 = vector.shape_cast %swap3A_1169 : vector<1x1x1x1x16xf32> to vector<16xf32>
        %swap3A_1171 = vector.shape_cast %sub3A_1162 : vector<16xf32> to vector<1x1x1x1x16xf32>
        tpu.vector_store %arg10[%swap3A_1164, %swap3A_1165, %swap3A_1166, %swap3A_1167, %swap3A_1168], %swap3A_1171 {strides = array<i32>} : memref<2x8x2x8x128xf32, #tpu.memory_space<vmem>>, vector<1x1x1x1x16xf32>,
        %sub3A_1172 = arith.subf %get3A_984, %add3A_1039 : vector<16xf32>
        %swap3A_1173 = arith.constant 1 : i32
        %swap3A_1174 = arith.index_cast %rem3A_597 : i32 to index
        %swap3A_1175 = arith.index_cast %select_n3A_1059 : i32 to index
        %swap3A_1176 = arith.index_cast %swap3A_1173 : i32 to index
        %swap3A_1177 = arith.index_cast %sub3A_1062 : i32 to index
        %swap3A_1178 = arith.constant 48 : index
        %swap3A_1179 = tpu.vector_load %arg10[%swap3A_1174, %swap3A_1175, %swap3A_1176, %swap3A_1177, %swap3A_1178] {strides = array<i32>} : memref<2x8x2x8x128xf32, #tpu.memory_space<vmem>>, vector<1x1x1x1x16xf32>,
        %swap3A_1180 = vector.shape_cast %swap3A_1179 : vector<1x1x1x1x16xf32> to vector<16xf32>
        %swap3A_1181 = vector.shape_cast %sub3A_1172 : vector<16xf32> to vector<1x1x1x1x16xf32>
        tpu.vector_store %arg10[%swap3A_1174, %swap3A_1175, %swap3A_1176, %swap3A_1177, %swap3A_1178], %swap3A_1181 {strides = array<i32>} : memref<2x8x2x8x128xf32, #tpu.memory_space<vmem>>, vector<1x1x1x1x16xf32>,
        %sub3A_1182 = arith.subf %get3A_991, %add3A_1039 : vector<16xf32>
        %swap3A_1183 = arith.constant 1 : i32
        %swap3A_1184 = arith.index_cast %rem3A_597 : i32 to index
        %swap3A_1185 = arith.index_cast %select_n3A_1059 : i32 to index
        %swap3A_1186 = arith.index_cast %swap3A_1183 : i32 to index
        %swap3A_1187 = arith.index_cast %sub3A_1062 : i32 to index
        %swap3A_1188 = arith.constant 64 : index
        %swap3A_1189 = tpu.vector_load %arg10[%swap3A_1184, %swap3A_1185, %swap3A_1186, %swap3A_1187, %swap3A_1188] {strides = array<i32>} : memref<2x8x2x8x128xf32, #tpu.memory_space<vmem>>, vector<1x1x1x1x16xf32>,
        %swap3A_1190 = vector.shape_cast %swap3A_1189 : vector<1x1x1x1x16xf32> to vector<16xf32>
        %swap3A_1191 = vector.shape_cast %sub3A_1182 : vector<16xf32> to vector<1x1x1x1x16xf32>
        tpu.vector_store %arg10[%swap3A_1184, %swap3A_1185, %swap3A_1186, %swap3A_1187, %swap3A_1188], %swap3A_1191 {strides = array<i32>} : memref<2x8x2x8x128xf32, #tpu.memory_space<vmem>>, vector<1x1x1x1x16xf32>,
        %scan3A_1192 = arith.constant 0 : i32
        scf.yield %scan3A_1192 : i32
      }
      %scan3A_636 = arith.constant 64 : i32
      %mul3A_637 = arith.constant 64 : i32
      %mul3A_638 = arith.muli %scan3A_595, %mul3A_637 : i32
      %add3A_639 = arith.addi %mul3A_2, %mul3A_638 : i32
      %add3A_640 = arith.constant 0 : i32
      %add3A_641 = arith.addi %add3A_639, %add3A_640 : i32
      %dma_start3A_642 = arith.constant 0 : i32
      %dma_start3A_643 = arith.constant 0 : i32
      %dma_start3A_644 = arith.constant 0 : i32
      %dma_start3A_645 = arith.constant 0 : i32
      %dma_start3A_646 = tpu.memref_slice %arg10[%rem3A_597, %dma_start3A_642, %dma_start3A_643, %dma_start3A_644, %dma_start3A_645] : memref<2x8x2x8x128xf32, #tpu.memory_space<vmem>> -> memref<1x1x1x8x128xf32, #tpu.memory_space<vmem>>
      %dma_start3A_647 = tpu.memref_squeeze %dma_start3A_646 : memref<1x1x1x8x128xf32, #tpu.memory_space<vmem>> -> memref<8x128xf32, #tpu.memory_space<vmem>>
      %dma_start3A_648 = arith.constant 0 : i32
      %dma_start3A_649 = tpu.memref_slice %arg5[%add3A_641, %dma_start3A_648] : memref<16384x256xf32, #tpu.memory_space<hbm>> -> memref<8x128xf32, #tpu.memory_space<hbm>>
      %dma_start3A_650 = arith.constant 0 : i32
      %dma_start3A_651 = tpu.memref_slice %arg5[%add3A_641, %dma_start3A_650] : memref<16384x256xf32, #tpu.memory_space<hbm>> -> memref<8x128xf32, #tpu.memory_space<hbm>>
      %dma_start3A_652 = arith.constant 0 : i32
      %dma_start3A_653 = arith.constant 0 : i32
      %dma_start3A_654 = tpu.memref_slice %arg10[%rem3A_597, %dma_start3A_642, %dma_start3A_643, %dma_start3A_652, %dma_start3A_653] : memref<2x8x2x8x128xf32, #tpu.memory_space<vmem>> -> memref<1x1x1x8x128xf32, #tpu.memory_space<vmem>>
      %dma_start3A_655 = tpu.memref_squeeze %dma_start3A_654 : memref<1x1x1x8x128xf32, #tpu.memory_space<vmem>> -> memref<8x128xf32, #tpu.memory_space<vmem>>
      tpu.enqueue_dma source(%dma_start3A_655 : memref<8x128xf32, #tpu.memory_space<vmem>>) target(%dma_start3A_651 : memref<8x128xf32, #tpu.memory_space<hbm>>) target_semaphore(%arg13 : memref<!tpu.dma_semaphore, #tpu.memory_space<semaphore_mem>>)
      %add3A_656 = arith.constant 0 : i32
      %add3A_657 = arith.addi %add3A_639, %add3A_656 : i32
      %dma_start3A_658 = arith.constant 0 : i32
      %dma_start3A_659 = arith.constant 1 : i32
      %dma_start3A_660 = arith.constant 0 : i32
      %dma_start3A_661 = arith.constant 0 : i32
      %dma_start3A_662 = tpu.memref_slice %arg10[%rem3A_597, %dma_start3A_658, %dma_start3A_659, %dma_start3A_660, %dma_start3A_661] : memref<2x8x2x8x128xf32, #tpu.memory_space<vmem>> -> memref<1x1x1x8x128xf32, #tpu.memory_space<vmem>>
      %dma_start3A_663 = tpu.memref_squeeze %dma_start3A_662 : memref<1x1x1x8x128xf32, #tpu.memory_space<vmem>> -> memref<8x128xf32, #tpu.memory_space<vmem>>
      %dma_start3A_664 = arith.constant 128 : i32
      %dma_start3A_665 = tpu.memref_slice %arg5[%add3A_657, %dma_start3A_664] : memref<16384x256xf32, #tpu.memory_space<hbm>> -> memref<8x128xf32, #tpu.memory_space<hbm>>
      %dma_start3A_666 = arith.constant 128 : i32
      %dma_start3A_667 = tpu.memref_slice %arg5[%add3A_657, %dma_start3A_666] : memref<16384x256xf32, #tpu.memory_space<hbm>> -> memref<8x128xf32, #tpu.memory_space<hbm>>
      %dma_start3A_668 = arith.constant 0 : i32
      %dma_start3A_669 = arith.constant 0 : i32
      %dma_start3A_670 = tpu.memref_slice %arg10[%rem3A_597, %dma_start3A_658, %dma_start3A_659, %dma_start3A_668, %dma_start3A_669] : memref<2x8x2x8x128xf32, #tpu.memory_space<vmem>> -> memref<1x1x1x8x128xf32, #tpu.memory_space<vmem>>
      %dma_start3A_671 = tpu.memref_squeeze %dma_start3A_670 : memref<1x1x1x8x128xf32, #tpu.memory_space<vmem>> -> memref<8x128xf32, #tpu.memory_space<vmem>>
      tpu.enqueue_dma source(%dma_start3A_671 : memref<8x128xf32, #tpu.memory_space<vmem>>) target(%dma_start3A_667 : memref<8x128xf32, #tpu.memory_space<hbm>>) target_semaphore(%arg13 : memref<!tpu.dma_semaphore, #tpu.memory_space<semaphore_mem>>)
      %add3A_672 = arith.constant 8 : i32
      %add3A_673 = arith.addi %add3A_639, %add3A_672 : i32
      %dma_start3A_674 = arith.constant 1 : i32
      %dma_start3A_675 = arith.constant 0 : i32
      %dma_start3A_676 = arith.constant 0 : i32
      %dma_start3A_677 = arith.constant 0 : i32
      %dma_start3A_678 = tpu.memref_slice %arg10[%rem3A_597, %dma_start3A_674, %dma_start3A_675, %dma_start3A_676, %dma_start3A_677] : memref<2x8x2x8x128xf32, #tpu.memory_space<vmem>> -> memref<1x1x1x8x128xf32, #tpu.memory_space<vmem>>
      %dma_start3A_679 = tpu.memref_squeeze %dma_start3A_678 : memref<1x1x1x8x128xf32, #tpu.memory_space<vmem>> -> memref<8x128xf32, #tpu.memory_space<vmem>>
      %dma_start3A_680 = arith.constant 0 : i32
      %dma_start3A_681 = tpu.memref_slice %arg5[%add3A_673, %dma_start3A_680] : memref<16384x256xf32, #tpu.memory_space<hbm>> -> memref<8x128xf32, #tpu.memory_space<hbm>>
      %dma_start3A_682 = arith.constant 0 : i32
      %dma_start3A_683 = tpu.memref_slice %arg5[%add3A_673, %dma_start3A_682] : memref<16384x256xf32, #tpu.memory_space<hbm>> -> memref<8x128xf32, #tpu.memory_space<hbm>>
      %dma_start3A_684 = arith.constant 0 : i32
      %dma_start3A_685 = arith.constant 0 : i32
      %dma_start3A_686 = tpu.memref_slice %arg10[%rem3A_597, %dma_start3A_674, %dma_start3A_675, %dma_start3A_684, %dma_start3A_685] : memref<2x8x2x8x128xf32, #tpu.memory_space<vmem>> -> memref<1x1x1x8x128xf32, #tpu.memory_space<vmem>>
      %dma_start3A_687 = tpu.memref_squeeze %dma_start3A_686 : memref<1x1x1x8x128xf32, #tpu.memory_space<vmem>> -> memref<8x128xf32, #tpu.memory_space<vmem>>
      tpu.enqueue_dma source(%dma_start3A_687 : memref<8x128xf32, #tpu.memory_space<vmem>>) target(%dma_start3A_683 : memref<8x128xf32, #tpu.memory_space<hbm>>) target_semaphore(%arg13 : memref<!tpu.dma_semaphore, #tpu.memory_space<semaphore_mem>>)
      %add3A_688 = arith.constant 8 : i32
      %add3A_689 = arith.addi %add3A_639, %add3A_688 : i32
      %dma_start3A_690 = arith.constant 1 : i32
      %dma_start3A_691 = arith.constant 1 : i32
      %dma_start3A_692 = arith.constant 0 : i32
      %dma_start3A_693 = arith.constant 0 : i32
      %dma_start3A_694 = tpu.memref_slice %arg10[%rem3A_597, %dma_start3A_690, %dma_start3A_691, %dma_start3A_692, %dma_start3A_693] : memref<2x8x2x8x128xf32, #tpu.memory_space<vmem>> -> memref<1x1x1x8x128xf32, #tpu.memory_space<vmem>>
      %dma_start3A_695 = tpu.memref_squeeze %dma_start3A_694 : memref<1x1x1x8x128xf32, #tpu.memory_space<vmem>> -> memref<8x128xf32, #tpu.memory_space<vmem>>
      %dma_start3A_696 = arith.constant 128 : i32
      %dma_start3A_697 = tpu.memref_slice %arg5[%add3A_689, %dma_start3A_696] : memref<16384x256xf32, #tpu.memory_space<hbm>> -> memref<8x128xf32, #tpu.memory_space<hbm>>
      %dma_start3A_698 = arith.constant 128 : i32
      %dma_start3A_699 = tpu.memref_slice %arg5[%add3A_689, %dma_start3A_698] : memref<16384x256xf32, #tpu.memory_space<hbm>> -> memref<8x128xf32, #tpu.memory_space<hbm>>
      %dma_start3A_700 = arith.constant 0 : i32
      %dma_start3A_701 = arith.constant 0 : i32
      %dma_start3A_702 = tpu.memref_slice %arg10[%rem3A_597, %dma_start3A_690, %dma_start3A_691, %dma_start3A_700, %dma_start3A_701] : memref<2x8x2x8x128xf32, #tpu.memory_space<vmem>> -> memref<1x1x1x8x128xf32, #tpu.memory_space<vmem>>
      %dma_start3A_703 = tpu.memref_squeeze %dma_start3A_702 : memref<1x1x1x8x128xf32, #tpu.memory_space<vmem>> -> memref<8x128xf32, #tpu.memory_space<vmem>>
      tpu.enqueue_dma source(%dma_start3A_703 : memref<8x128xf32, #tpu.memory_space<vmem>>) target(%dma_start3A_699 : memref<8x128xf32, #tpu.memory_space<hbm>>) target_semaphore(%arg13 : memref<!tpu.dma_semaphore, #tpu.memory_space<semaphore_mem>>)
      %add3A_704 = arith.constant 16 : i32
      %add3A_705 = arith.addi %add3A_639, %add3A_704 : i32
      %dma_start3A_706 = arith.constant 2 : i32
      %dma_start3A_707 = arith.constant 0 : i32
      %dma_start3A_708 = arith.constant 0 : i32
      %dma_start3A_709 = arith.constant 0 : i32
      %dma_start3A_710 = tpu.memref_slice %arg10[%rem3A_597, %dma_start3A_706, %dma_start3A_707, %dma_start3A_708, %dma_start3A_709] : memref<2x8x2x8x128xf32, #tpu.memory_space<vmem>> -> memref<1x1x1x8x128xf32, #tpu.memory_space<vmem>>
      %dma_start3A_711 = tpu.memref_squeeze %dma_start3A_710 : memref<1x1x1x8x128xf32, #tpu.memory_space<vmem>> -> memref<8x128xf32, #tpu.memory_space<vmem>>
      %dma_start3A_712 = arith.constant 0 : i32
      %dma_start3A_713 = tpu.memref_slice %arg5[%add3A_705, %dma_start3A_712] : memref<16384x256xf32, #tpu.memory_space<hbm>> -> memref<8x128xf32, #tpu.memory_space<hbm>>
      %dma_start3A_714 = arith.constant 0 : i32
      %dma_start3A_715 = tpu.memref_slice %arg5[%add3A_705, %dma_start3A_714] : memref<16384x256xf32, #tpu.memory_space<hbm>> -> memref<8x128xf32, #tpu.memory_space<hbm>>
      %dma_start3A_716 = arith.constant 0 : i32
      %dma_start3A_717 = arith.constant 0 : i32
      %dma_start3A_718 = tpu.memref_slice %arg10[%rem3A_597, %dma_start3A_706, %dma_start3A_707, %dma_start3A_716, %dma_start3A_717] : memref<2x8x2x8x128xf32, #tpu.memory_space<vmem>> -> memref<1x1x1x8x128xf32, #tpu.memory_space<vmem>>
      %dma_start3A_719 = tpu.memref_squeeze %dma_start3A_718 : memref<1x1x1x8x128xf32, #tpu.memory_space<vmem>> -> memref<8x128xf32, #tpu.memory_space<vmem>>
      tpu.enqueue_dma source(%dma_start3A_719 : memref<8x128xf32, #tpu.memory_space<vmem>>) target(%dma_start3A_715 : memref<8x128xf32, #tpu.memory_space<hbm>>) target_semaphore(%arg13 : memref<!tpu.dma_semaphore, #tpu.memory_space<semaphore_mem>>)
      %add3A_720 = arith.constant 16 : i32
      %add3A_721 = arith.addi %add3A_639, %add3A_720 : i32
      %dma_start3A_722 = arith.constant 2 : i32
      %dma_start3A_723 = arith.constant 1 : i32
      %dma_start3A_724 = arith.constant 0 : i32
      %dma_start3A_725 = arith.constant 0 : i32
      %dma_start3A_726 = tpu.memref_slice %arg10[%rem3A_597, %dma_start3A_722, %dma_start3A_723, %dma_start3A_724, %dma_start3A_725] : memref<2x8x2x8x128xf32, #tpu.memory_space<vmem>> -> memref<1x1x1x8x128xf32, #tpu.memory_space<vmem>>
      %dma_start3A_727 = tpu.memref_squeeze %dma_start3A_726 : memref<1x1x1x8x128xf32, #tpu.memory_space<vmem>> -> memref<8x128xf32, #tpu.memory_space<vmem>>
      %dma_start3A_728 = arith.constant 128 : i32
      %dma_start3A_729 = tpu.memref_slice %arg5[%add3A_721, %dma_start3A_728] : memref<16384x256xf32, #tpu.memory_space<hbm>> -> memref<8x128xf32, #tpu.memory_space<hbm>>
      %dma_start3A_730 = arith.constant 128 : i32
      %dma_start3A_731 = tpu.memref_slice %arg5[%add3A_721, %dma_start3A_730] : memref<16384x256xf32, #tpu.memory_space<hbm>> -> memref<8x128xf32, #tpu.memory_space<hbm>>
      %dma_start3A_732 = arith.constant 0 : i32
      %dma_start3A_733 = arith.constant 0 : i32
      %dma_start3A_734 = tpu.memref_slice %arg10[%rem3A_597, %dma_start3A_722, %dma_start3A_723, %dma_start3A_732, %dma_start3A_733] : memref<2x8x2x8x128xf32, #tpu.memory_space<vmem>> -> memref<1x1x1x8x128xf32, #tpu.memory_space<vmem>>
      %dma_start3A_735 = tpu.memref_squeeze %dma_start3A_734 : memref<1x1x1x8x128xf32, #tpu.memory_space<vmem>> -> memref<8x128xf32, #tpu.memory_space<vmem>>
      tpu.enqueue_dma source(%dma_start3A_735 : memref<8x128xf32, #tpu.memory_space<vmem>>) target(%dma_start3A_731 : memref<8x128xf32, #tpu.memory_space<hbm>>) target_semaphore(%arg13 : memref<!tpu.dma_semaphore, #tpu.memory_space<semaphore_mem>>)
      %add3A_736 = arith.constant 24 : i32
      %add3A_737 = arith.addi %add3A_639, %add3A_736 : i32
      %dma_start3A_738 = arith.constant 3 : i32
      %dma_start3A_739 = arith.constant 0 : i32
      %dma_start3A_740 = arith.constant 0 : i32
      %dma_start3A_741 = arith.constant 0 : i32
      %dma_start3A_742 = tpu.memref_slice %arg10[%rem3A_597, %dma_start3A_738, %dma_start3A_739, %dma_start3A_740, %dma_start3A_741] : memref<2x8x2x8x128xf32, #tpu.memory_space<vmem>> -> memref<1x1x1x8x128xf32, #tpu.memory_space<vmem>>
      %dma_start3A_743 = tpu.memref_squeeze %dma_start3A_742 : memref<1x1x1x8x128xf32, #tpu.memory_space<vmem>> -> memref<8x128xf32, #tpu.memory_space<vmem>>
      %dma_start3A_744 = arith.constant 0 : i32
      %dma_start3A_745 = tpu.memref_slice %arg5[%add3A_737, %dma_start3A_744] : memref<16384x256xf32, #tpu.memory_space<hbm>> -> memref<8x128xf32, #tpu.memory_space<hbm>>
      %dma_start3A_746 = arith.constant 0 : i32
      %dma_start3A_747 = tpu.memref_slice %arg5[%add3A_737, %dma_start3A_746] : memref<16384x256xf32, #tpu.memory_space<hbm>> -> memref<8x128xf32, #tpu.memory_space<hbm>>
      %dma_start3A_748 = arith.constant 0 : i32
      %dma_start3A_749 = arith.constant 0 : i32
      %dma_start3A_750 = tpu.memref_slice %arg10[%rem3A_597, %dma_start3A_738, %dma_start3A_739, %dma_start3A_748, %dma_start3A_749] : memref<2x8x2x8x128xf32, #tpu.memory_space<vmem>> -> memref<1x1x1x8x128xf32, #tpu.memory_space<vmem>>
      %dma_start3A_751 = tpu.memref_squeeze %dma_start3A_750 : memref<1x1x1x8x128xf32, #tpu.memory_space<vmem>> -> memref<8x128xf32, #tpu.memory_space<vmem>>
      tpu.enqueue_dma source(%dma_start3A_751 : memref<8x128xf32, #tpu.memory_space<vmem>>) target(%dma_start3A_747 : memref<8x128xf32, #tpu.memory_space<hbm>>) target_semaphore(%arg13 : memref<!tpu.dma_semaphore, #tpu.memory_space<semaphore_mem>>)
      %add3A_752 = arith.constant 24 : i32
      %add3A_753 = arith.addi %add3A_639, %add3A_752 : i32
      %dma_start3A_754 = arith.constant 3 : i32
      %dma_start3A_755 = arith.constant 1 : i32
      %dma_start3A_756 = arith.constant 0 : i32
      %dma_start3A_757 = arith.constant 0 : i32
      %dma_start3A_758 = tpu.memref_slice %arg10[%rem3A_597, %dma_start3A_754, %dma_start3A_755, %dma_start3A_756, %dma_start3A_757] : memref<2x8x2x8x128xf32, #tpu.memory_space<vmem>> -> memref<1x1x1x8x128xf32, #tpu.memory_space<vmem>>
      %dma_start3A_759 = tpu.memref_squeeze %dma_start3A_758 : memref<1x1x1x8x128xf32, #tpu.memory_space<vmem>> -> memref<8x128xf32, #tpu.memory_space<vmem>>
      %dma_start3A_760 = arith.constant 128 : i32
      %dma_start3A_761 = tpu.memref_slice %arg5[%add3A_753, %dma_start3A_760] : memref<16384x256xf32, #tpu.memory_space<hbm>> -> memref<8x128xf32, #tpu.memory_space<hbm>>
      %dma_start3A_762 = arith.constant 128 : i32
      %dma_start3A_763 = tpu.memref_slice %arg5[%add3A_753, %dma_start3A_762] : memref<16384x256xf32, #tpu.memory_space<hbm>> -> memref<8x128xf32, #tpu.memory_space<hbm>>
      %dma_start3A_764 = arith.constant 0 : i32
      %dma_start3A_765 = arith.constant 0 : i32
      %dma_start3A_766 = tpu.memref_slice %arg10[%rem3A_597, %dma_start3A_754, %dma_start3A_755, %dma_start3A_764, %dma_start3A_765] : memref<2x8x2x8x128xf32, #tpu.memory_space<vmem>> -> memref<1x1x1x8x128xf32, #tpu.memory_space<vmem>>
      %dma_start3A_767 = tpu.memref_squeeze %dma_start3A_766 : memref<1x1x1x8x128xf32, #tpu.memory_space<vmem>> -> memref<8x128xf32, #tpu.memory_space<vmem>>
      tpu.enqueue_dma source(%dma_start3A_767 : memref<8x128xf32, #tpu.memory_space<vmem>>) target(%dma_start3A_763 : memref<8x128xf32, #tpu.memory_space<hbm>>) target_semaphore(%arg13 : memref<!tpu.dma_semaphore, #tpu.memory_space<semaphore_mem>>)
      %add3A_768 = arith.constant 32 : i32
      %add3A_769 = arith.addi %add3A_639, %add3A_768 : i32
      %dma_start3A_770 = arith.constant 4 : i32
      %dma_start3A_771 = arith.constant 0 : i32
      %dma_start3A_772 = arith.constant 0 : i32
      %dma_start3A_773 = arith.constant 0 : i32
      %dma_start3A_774 = tpu.memref_slice %arg10[%rem3A_597, %dma_start3A_770, %dma_start3A_771, %dma_start3A_772, %dma_start3A_773] : memref<2x8x2x8x128xf32, #tpu.memory_space<vmem>> -> memref<1x1x1x8x128xf32, #tpu.memory_space<vmem>>
      %dma_start3A_775 = tpu.memref_squeeze %dma_start3A_774 : memref<1x1x1x8x128xf32, #tpu.memory_space<vmem>> -> memref<8x128xf32, #tpu.memory_space<vmem>>
      %dma_start3A_776 = arith.constant 0 : i32
      %dma_start3A_777 = tpu.memref_slice %arg5[%add3A_769, %dma_start3A_776] : memref<16384x256xf32, #tpu.memory_space<hbm>> -> memref<8x128xf32, #tpu.memory_space<hbm>>
      %dma_start3A_778 = arith.constant 0 : i32
      %dma_start3A_779 = tpu.memref_slice %arg5[%add3A_769, %dma_start3A_778] : memref<16384x256xf32, #tpu.memory_space<hbm>> -> memref<8x128xf32, #tpu.memory_space<hbm>>
      %dma_start3A_780 = arith.constant 0 : i32
      %dma_start3A_781 = arith.constant 0 : i32
      %dma_start3A_782 = tpu.memref_slice %arg10[%rem3A_597, %dma_start3A_770, %dma_start3A_771, %dma_start3A_780, %dma_start3A_781] : memref<2x8x2x8x128xf32, #tpu.memory_space<vmem>> -> memref<1x1x1x8x128xf32, #tpu.memory_space<vmem>>
      %dma_start3A_783 = tpu.memref_squeeze %dma_start3A_782 : memref<1x1x1x8x128xf32, #tpu.memory_space<vmem>> -> memref<8x128xf32, #tpu.memory_space<vmem>>
      tpu.enqueue_dma source(%dma_start3A_783 : memref<8x128xf32, #tpu.memory_space<vmem>>) target(%dma_start3A_779 : memref<8x128xf32, #tpu.memory_space<hbm>>) target_semaphore(%arg13 : memref<!tpu.dma_semaphore, #tpu.memory_space<semaphore_mem>>)
      %add3A_784 = arith.constant 32 : i32
      %add3A_785 = arith.addi %add3A_639, %add3A_784 : i32
      %dma_start3A_786 = arith.constant 4 : i32
      %dma_start3A_787 = arith.constant 1 : i32
      %dma_start3A_788 = arith.constant 0 : i32
      %dma_start3A_789 = arith.constant 0 : i32
      %dma_start3A_790 = tpu.memref_slice %arg10[%rem3A_597, %dma_start3A_786, %dma_start3A_787, %dma_start3A_788, %dma_start3A_789] : memref<2x8x2x8x128xf32, #tpu.memory_space<vmem>> -> memref<1x1x1x8x128xf32, #tpu.memory_space<vmem>>
      %dma_start3A_791 = tpu.memref_squeeze %dma_start3A_790 : memref<1x1x1x8x128xf32, #tpu.memory_space<vmem>> -> memref<8x128xf32, #tpu.memory_space<vmem>>
      %dma_start3A_792 = arith.constant 128 : i32
      %dma_start3A_793 = tpu.memref_slice %arg5[%add3A_785, %dma_start3A_792] : memref<16384x256xf32, #tpu.memory_space<hbm>> -> memref<8x128xf32, #tpu.memory_space<hbm>>
      %dma_start3A_794 = arith.constant 128 : i32
      %dma_start3A_795 = tpu.memref_slice %arg5[%add3A_785, %dma_start3A_794] : memref<16384x256xf32, #tpu.memory_space<hbm>> -> memref<8x128xf32, #tpu.memory_space<hbm>>
      %dma_start3A_796 = arith.constant 0 : i32
      %dma_start3A_797 = arith.constant 0 : i32
      %dma_start3A_798 = tpu.memref_slice %arg10[%rem3A_597, %dma_start3A_786, %dma_start3A_787, %dma_start3A_796, %dma_start3A_797] : memref<2x8x2x8x128xf32, #tpu.memory_space<vmem>> -> memref<1x1x1x8x128xf32, #tpu.memory_space<vmem>>
      %dma_start3A_799 = tpu.memref_squeeze %dma_start3A_798 : memref<1x1x1x8x128xf32, #tpu.memory_space<vmem>> -> memref<8x128xf32, #tpu.memory_space<vmem>>
      tpu.enqueue_dma source(%dma_start3A_799 : memref<8x128xf32, #tpu.memory_space<vmem>>) target(%dma_start3A_795 : memref<8x128xf32, #tpu.memory_space<hbm>>) target_semaphore(%arg13 : memref<!tpu.dma_semaphore, #tpu.memory_space<semaphore_mem>>)
      %add3A_800 = arith.constant 40 : i32
      %add3A_801 = arith.addi %add3A_639, %add3A_800 : i32
      %dma_start3A_802 = arith.constant 5 : i32
      %dma_start3A_803 = arith.constant 0 : i32
      %dma_start3A_804 = arith.constant 0 : i32
      %dma_start3A_805 = arith.constant 0 : i32
      %dma_start3A_806 = tpu.memref_slice %arg10[%rem3A_597, %dma_start3A_802, %dma_start3A_803, %dma_start3A_804, %dma_start3A_805] : memref<2x8x2x8x128xf32, #tpu.memory_space<vmem>> -> memref<1x1x1x8x128xf32, #tpu.memory_space<vmem>>
      %dma_start3A_807 = tpu.memref_squeeze %dma_start3A_806 : memref<1x1x1x8x128xf32, #tpu.memory_space<vmem>> -> memref<8x128xf32, #tpu.memory_space<vmem>>
      %dma_start3A_808 = arith.constant 0 : i32
      %dma_start3A_809 = tpu.memref_slice %arg5[%add3A_801, %dma_start3A_808] : memref<16384x256xf32, #tpu.memory_space<hbm>> -> memref<8x128xf32, #tpu.memory_space<hbm>>
      %dma_start3A_810 = arith.constant 0 : i32
      %dma_start3A_811 = tpu.memref_slice %arg5[%add3A_801, %dma_start3A_810] : memref<16384x256xf32, #tpu.memory_space<hbm>> -> memref<8x128xf32, #tpu.memory_space<hbm>>
      %dma_start3A_812 = arith.constant 0 : i32
      %dma_start3A_813 = arith.constant 0 : i32
      %dma_start3A_814 = tpu.memref_slice %arg10[%rem3A_597, %dma_start3A_802, %dma_start3A_803, %dma_start3A_812, %dma_start3A_813] : memref<2x8x2x8x128xf32, #tpu.memory_space<vmem>> -> memref<1x1x1x8x128xf32, #tpu.memory_space<vmem>>
      %dma_start3A_815 = tpu.memref_squeeze %dma_start3A_814 : memref<1x1x1x8x128xf32, #tpu.memory_space<vmem>> -> memref<8x128xf32, #tpu.memory_space<vmem>>
      tpu.enqueue_dma source(%dma_start3A_815 : memref<8x128xf32, #tpu.memory_space<vmem>>) target(%dma_start3A_811 : memref<8x128xf32, #tpu.memory_space<hbm>>) target_semaphore(%arg13 : memref<!tpu.dma_semaphore, #tpu.memory_space<semaphore_mem>>)
      %add3A_816 = arith.constant 40 : i32
      %add3A_817 = arith.addi %add3A_639, %add3A_816 : i32
      %dma_start3A_818 = arith.constant 5 : i32
      %dma_start3A_819 = arith.constant 1 : i32
      %dma_start3A_820 = arith.constant 0 : i32
      %dma_start3A_821 = arith.constant 0 : i32
      %dma_start3A_822 = tpu.memref_slice %arg10[%rem3A_597, %dma_start3A_818, %dma_start3A_819, %dma_start3A_820, %dma_start3A_821] : memref<2x8x2x8x128xf32, #tpu.memory_space<vmem>> -> memref<1x1x1x8x128xf32, #tpu.memory_space<vmem>>
      %dma_start3A_823 = tpu.memref_squeeze %dma_start3A_822 : memref<1x1x1x8x128xf32, #tpu.memory_space<vmem>> -> memref<8x128xf32, #tpu.memory_space<vmem>>
      %dma_start3A_824 = arith.constant 128 : i32
      %dma_start3A_825 = tpu.memref_slice %arg5[%add3A_817, %dma_start3A_824] : memref<16384x256xf32, #tpu.memory_space<hbm>> -> memref<8x128xf32, #tpu.memory_space<hbm>>
      %dma_start3A_826 = arith.constant 128 : i32
      %dma_start3A_827 = tpu.memref_slice %arg5[%add3A_817, %dma_start3A_826] : memref<16384x256xf32, #tpu.memory_space<hbm>> -> memref<8x128xf32, #tpu.memory_space<hbm>>
      %dma_start3A_828 = arith.constant 0 : i32
      %dma_start3A_829 = arith.constant 0 : i32
      %dma_start3A_830 = tpu.memref_slice %arg10[%rem3A_597, %dma_start3A_818, %dma_start3A_819, %dma_start3A_828, %dma_start3A_829] : memref<2x8x2x8x128xf32, #tpu.memory_space<vmem>> -> memref<1x1x1x8x128xf32, #tpu.memory_space<vmem>>
      %dma_start3A_831 = tpu.memref_squeeze %dma_start3A_830 : memref<1x1x1x8x128xf32, #tpu.memory_space<vmem>> -> memref<8x128xf32, #tpu.memory_space<vmem>>
      tpu.enqueue_dma source(%dma_start3A_831 : memref<8x128xf32, #tpu.memory_space<vmem>>) target(%dma_start3A_827 : memref<8x128xf32, #tpu.memory_space<hbm>>) target_semaphore(%arg13 : memref<!tpu.dma_semaphore, #tpu.memory_space<semaphore_mem>>)
      %add3A_832 = arith.constant 48 : i32
      %add3A_833 = arith.addi %add3A_639, %add3A_832 : i32
      %dma_start3A_834 = arith.constant 6 : i32
      %dma_start3A_835 = arith.constant 0 : i32
      %dma_start3A_836 = arith.constant 0 : i32
      %dma_start3A_837 = arith.constant 0 : i32
      %dma_start3A_838 = tpu.memref_slice %arg10[%rem3A_597, %dma_start3A_834, %dma_start3A_835, %dma_start3A_836, %dma_start3A_837] : memref<2x8x2x8x128xf32, #tpu.memory_space<vmem>> -> memref<1x1x1x8x128xf32, #tpu.memory_space<vmem>>
      %dma_start3A_839 = tpu.memref_squeeze %dma_start3A_838 : memref<1x1x1x8x128xf32, #tpu.memory_space<vmem>> -> memref<8x128xf32, #tpu.memory_space<vmem>>
      %dma_start3A_840 = arith.constant 0 : i32
      %dma_start3A_841 = tpu.memref_slice %arg5[%add3A_833, %dma_start3A_840] : memref<16384x256xf32, #tpu.memory_space<hbm>> -> memref<8x128xf32, #tpu.memory_space<hbm>>
      %dma_start3A_842 = arith.constant 0 : i32
      %dma_start3A_843 = tpu.memref_slice %arg5[%add3A_833, %dma_start3A_842] : memref<16384x256xf32, #tpu.memory_space<hbm>> -> memref<8x128xf32, #tpu.memory_space<hbm>>
      %dma_start3A_844 = arith.constant 0 : i32
      %dma_start3A_845 = arith.constant 0 : i32
      %dma_start3A_846 = tpu.memref_slice %arg10[%rem3A_597, %dma_start3A_834, %dma_start3A_835, %dma_start3A_844, %dma_start3A_845] : memref<2x8x2x8x128xf32, #tpu.memory_space<vmem>> -> memref<1x1x1x8x128xf32, #tpu.memory_space<vmem>>
      %dma_start3A_847 = tpu.memref_squeeze %dma_start3A_846 : memref<1x1x1x8x128xf32, #tpu.memory_space<vmem>> -> memref<8x128xf32, #tpu.memory_space<vmem>>
      tpu.enqueue_dma source(%dma_start3A_847 : memref<8x128xf32, #tpu.memory_space<vmem>>) target(%dma_start3A_843 : memref<8x128xf32, #tpu.memory_space<hbm>>) target_semaphore(%arg13 : memref<!tpu.dma_semaphore, #tpu.memory_space<semaphore_mem>>)
      %add3A_848 = arith.constant 48 : i32
      %add3A_849 = arith.addi %add3A_639, %add3A_848 : i32
      %dma_start3A_850 = arith.constant 6 : i32
      %dma_start3A_851 = arith.constant 1 : i32
      %dma_start3A_852 = arith.constant 0 : i32
      %dma_start3A_853 = arith.constant 0 : i32
      %dma_start3A_854 = tpu.memref_slice %arg10[%rem3A_597, %dma_start3A_850, %dma_start3A_851, %dma_start3A_852, %dma_start3A_853] : memref<2x8x2x8x128xf32, #tpu.memory_space<vmem>> -> memref<1x1x1x8x128xf32, #tpu.memory_space<vmem>>
      %dma_start3A_855 = tpu.memref_squeeze %dma_start3A_854 : memref<1x1x1x8x128xf32, #tpu.memory_space<vmem>> -> memref<8x128xf32, #tpu.memory_space<vmem>>
      %dma_start3A_856 = arith.constant 128 : i32
      %dma_start3A_857 = tpu.memref_slice %arg5[%add3A_849, %dma_start3A_856] : memref<16384x256xf32, #tpu.memory_space<hbm>> -> memref<8x128xf32, #tpu.memory_space<hbm>>
      %dma_start3A_858 = arith.constant 128 : i32
      %dma_start3A_859 = tpu.memref_slice %arg5[%add3A_849, %dma_start3A_858] : memref<16384x256xf32, #tpu.memory_space<hbm>> -> memref<8x128xf32, #tpu.memory_space<hbm>>
      %dma_start3A_860 = arith.constant 0 : i32
      %dma_start3A_861 = arith.constant 0 : i32
      %dma_start3A_862 = tpu.memref_slice %arg10[%rem3A_597, %dma_start3A_850, %dma_start3A_851, %dma_start3A_860, %dma_start3A_861] : memref<2x8x2x8x128xf32, #tpu.memory_space<vmem>> -> memref<1x1x1x8x128xf32, #tpu.memory_space<vmem>>
      %dma_start3A_863 = tpu.memref_squeeze %dma_start3A_862 : memref<1x1x1x8x128xf32, #tpu.memory_space<vmem>> -> memref<8x128xf32, #tpu.memory_space<vmem>>
      tpu.enqueue_dma source(%dma_start3A_863 : memref<8x128xf32, #tpu.memory_space<vmem>>) target(%dma_start3A_859 : memref<8x128xf32, #tpu.memory_space<hbm>>) target_semaphore(%arg13 : memref<!tpu.dma_semaphore, #tpu.memory_space<semaphore_mem>>)
      %add3A_864 = arith.constant 56 : i32
      %add3A_865 = arith.addi %add3A_639, %add3A_864 : i32
      %dma_start3A_866 = arith.constant 7 : i32
      %dma_start3A_867 = arith.constant 0 : i32
      %dma_start3A_868 = arith.constant 0 : i32
      %dma_start3A_869 = arith.constant 0 : i32
      %dma_start3A_870 = tpu.memref_slice %arg10[%rem3A_597, %dma_start3A_866, %dma_start3A_867, %dma_start3A_868, %dma_start3A_869] : memref<2x8x2x8x128xf32, #tpu.memory_space<vmem>> -> memref<1x1x1x8x128xf32, #tpu.memory_space<vmem>>
      %dma_start3A_871 = tpu.memref_squeeze %dma_start3A_870 : memref<1x1x1x8x128xf32, #tpu.memory_space<vmem>> -> memref<8x128xf32, #tpu.memory_space<vmem>>
      %dma_start3A_872 = arith.constant 0 : i32
      %dma_start3A_873 = tpu.memref_slice %arg5[%add3A_865, %dma_start3A_872] : memref<16384x256xf32, #tpu.memory_space<hbm>> -> memref<8x128xf32, #tpu.memory_space<hbm>>
      %dma_start3A_874 = arith.constant 0 : i32
      %dma_start3A_875 = tpu.memref_slice %arg5[%add3A_865, %dma_start3A_874] : memref<16384x256xf32, #tpu.memory_space<hbm>> -> memref<8x128xf32, #tpu.memory_space<hbm>>
      %dma_start3A_876 = arith.constant 0 : i32
      %dma_start3A_877 = arith.constant 0 : i32
      %dma_start3A_878 = tpu.memref_slice %arg10[%rem3A_597, %dma_start3A_866, %dma_start3A_867, %dma_start3A_876, %dma_start3A_877] : memref<2x8x2x8x128xf32, #tpu.memory_space<vmem>> -> memref<1x1x1x8x128xf32, #tpu.memory_space<vmem>>
      %dma_start3A_879 = tpu.memref_squeeze %dma_start3A_878 : memref<1x1x1x8x128xf32, #tpu.memory_space<vmem>> -> memref<8x128xf32, #tpu.memory_space<vmem>>
      tpu.enqueue_dma source(%dma_start3A_879 : memref<8x128xf32, #tpu.memory_space<vmem>>) target(%dma_start3A_875 : memref<8x128xf32, #tpu.memory_space<hbm>>) target_semaphore(%arg13 : memref<!tpu.dma_semaphore, #tpu.memory_space<semaphore_mem>>)
      %add3A_880 = arith.constant 56 : i32
      %add3A_881 = arith.addi %add3A_639, %add3A_880 : i32
      %dma_start3A_882 = arith.constant 7 : i32
      %dma_start3A_883 = arith.constant 1 : i32
      %dma_start3A_884 = arith.constant 0 : i32
      %dma_start3A_885 = arith.constant 0 : i32
      %dma_start3A_886 = tpu.memref_slice %arg10[%rem3A_597, %dma_start3A_882, %dma_start3A_883, %dma_start3A_884, %dma_start3A_885] : memref<2x8x2x8x128xf32, #tpu.memory_space<vmem>> -> memref<1x1x1x8x128xf32, #tpu.memory_space<vmem>>
      %dma_start3A_887 = tpu.memref_squeeze %dma_start3A_886 : memref<1x1x1x8x128xf32, #tpu.memory_space<vmem>> -> memref<8x128xf32, #tpu.memory_space<vmem>>
      %dma_start3A_888 = arith.constant 128 : i32
      %dma_start3A_889 = tpu.memref_slice %arg5[%add3A_881, %dma_start3A_888] : memref<16384x256xf32, #tpu.memory_space<hbm>> -> memref<8x128xf32, #tpu.memory_space<hbm>>
      %dma_start3A_890 = arith.constant 128 : i32
      %dma_start3A_891 = tpu.memref_slice %arg5[%add3A_881, %dma_start3A_890] : memref<16384x256xf32, #tpu.memory_space<hbm>> -> memref<8x128xf32, #tpu.memory_space<hbm>>
      %dma_start3A_892 = arith.constant 0 : i32
      %dma_start3A_893 = arith.constant 0 : i32
      %dma_start3A_894 = tpu.memref_slice %arg10[%rem3A_597, %dma_start3A_882, %dma_start3A_883, %dma_start3A_892, %dma_start3A_893] : memref<2x8x2x8x128xf32, #tpu.memory_space<vmem>> -> memref<1x1x1x8x128xf32, #tpu.memory_space<vmem>>
      %dma_start3A_895 = tpu.memref_squeeze %dma_start3A_894 : memref<1x1x1x8x128xf32, #tpu.memory_space<vmem>> -> memref<8x128xf32, #tpu.memory_space<vmem>>
      tpu.enqueue_dma source(%dma_start3A_895 : memref<8x128xf32, #tpu.memory_space<vmem>>) target(%dma_start3A_891 : memref<8x128xf32, #tpu.memory_space<hbm>>) target_semaphore(%arg13 : memref<!tpu.dma_semaphore, #tpu.memory_space<semaphore_mem>>)
      %scan3A_896 = arith.constant 0 : i32
      scf.yield %scan3A_896 : i32
    }
    %scan3A_50 = arith.constant 8 : i32
    %dma_wait3A_51 = arith.constant 0 : i32
    %dma_wait3A_52 = arith.constant 0 : i32
    %dma_wait3A_53 = arith.constant 0 : i32
    %dma_wait3A_54 = arith.constant 0 : i32
    %dma_wait3A_55 = arith.constant 0 : i32
    %dma_wait3A_56 = tpu.memref_slice %arg10[%dma_wait3A_51, %dma_wait3A_52, %dma_wait3A_53, %dma_wait3A_54, %dma_wait3A_55] : memref<2x8x2x8x128xf32, #tpu.memory_space<vmem>> -> memref<1x1x1x8x128xf32, #tpu.memory_space<vmem>>
    %dma_wait3A_57 = tpu.memref_squeeze %dma_wait3A_56 : memref<1x1x1x8x128xf32, #tpu.memory_space<vmem>> -> memref<8x128xf32, #tpu.memory_space<vmem>>
    %dma_wait3A_58 = arith.constant 0 : i32
    %dma_wait3A_59 = arith.constant 0 : i32
    %dma_wait3A_60 = tpu.memref_slice %arg5[%dma_wait3A_58, %dma_wait3A_59] : memref<16384x256xf32, #tpu.memory_space<hbm>> -> memref<8x128xf32, #tpu.memory_space<hbm>>
    %dma_wait3A_61 = arith.constant 0 : i32
    %dma_wait3A_62 = arith.constant 0 : i32
    %dma_wait3A_63 = tpu.memref_slice %arg5[%dma_wait3A_61, %dma_wait3A_62] : memref<16384x256xf32, #tpu.memory_space<hbm>> -> memref<8x128xf32, #tpu.memory_space<hbm>>
    %dma_wait3A_64 = arith.constant 0 : i32
    %dma_wait3A_65 = arith.constant 0 : i32
    %dma_wait3A_66 = tpu.memref_slice %arg10[%dma_wait3A_51, %dma_wait3A_52, %dma_wait3A_53, %dma_wait3A_64, %dma_wait3A_65] : memref<2x8x2x8x128xf32, #tpu.memory_space<vmem>> -> memref<1x1x1x8x128xf32, #tpu.memory_space<vmem>>
    %dma_wait3A_67 = tpu.memref_squeeze %dma_wait3A_66 : memref<1x1x1x8x128xf32, #tpu.memory_space<vmem>> -> memref<8x128xf32, #tpu.memory_space<vmem>>
    tpu.wait_dma2 semaphore(%arg13 : memref<!tpu.dma_semaphore, #tpu.memory_space<semaphore_mem>>) src(%dma_wait3A_67 : memref<8x128xf32, #tpu.memory_space<vmem>>) dst(%dma_wait3A_63 : memref<8x128xf32, #tpu.memory_space<hbm>>)
    %dma_wait3A_68 = arith.constant 0 : i32
    %dma_wait3A_69 = arith.constant 0 : i32
    %dma_wait3A_70 = arith.constant 0 : i32
    %dma_wait3A_71 = arith.constant 0 : i32
    %dma_wait3A_72 = arith.constant 0 : i32
    %dma_wait3A_73 = tpu.memref_slice %arg10[%dma_wait3A_68, %dma_wait3A_69, %dma_wait3A_70, %dma_wait3A_71, %dma_wait3A_72] : memref<2x8x2x8x128xf32, #tpu.memory_space<vmem>> -> memref<1x1x1x8x128xf32, #tpu.memory_space<vmem>>
    %dma_wait3A_74 = tpu.memref_squeeze %dma_wait3A_73 : memref<1x1x1x8x128xf32, #tpu.memory_space<vmem>> -> memref<8x128xf32, #tpu.memory_space<vmem>>
    %dma_wait3A_75 = arith.constant 0 : i32
    %dma_wait3A_76 = arith.constant 0 : i32
    %dma_wait3A_77 = tpu.memref_slice %arg5[%dma_wait3A_75, %dma_wait3A_76] : memref<16384x256xf32, #tpu.memory_space<hbm>> -> memref<8x128xf32, #tpu.memory_space<hbm>>
    %dma_wait3A_78 = arith.constant 0 : i32
    %dma_wait3A_79 = arith.constant 0 : i32
    %dma_wait3A_80 = tpu.memref_slice %arg5[%dma_wait3A_78, %dma_wait3A_79] : memref<16384x256xf32, #tpu.memory_space<hbm>> -> memref<8x128xf32, #tpu.memory_space<hbm>>
    %dma_wait3A_81 = arith.constant 0 : i32
    %dma_wait3A_82 = arith.constant 0 : i32
    %dma_wait3A_83 = tpu.memref_slice %arg10[%dma_wait3A_68, %dma_wait3A_69, %dma_wait3A_70, %dma_wait3A_81, %dma_wait3A_82] : memref<2x8x2x8x128xf32, #tpu.memory_space<vmem>> -> memref<1x1x1x8x128xf32, #tpu.memory_space<vmem>>
    %dma_wait3A_84 = tpu.memref_squeeze %dma_wait3A_83 : memref<1x1x1x8x128xf32, #tpu.memory_space<vmem>> -> memref<8x128xf32, #tpu.memory_space<vmem>>
    tpu.wait_dma2 semaphore(%arg13 : memref<!tpu.dma_semaphore, #tpu.memory_space<semaphore_mem>>) src(%dma_wait3A_84 : memref<8x128xf32, #tpu.memory_space<vmem>>) dst(%dma_wait3A_80 : memref<8x128xf32, #tpu.memory_space<hbm>>)
    %dma_wait3A_85 = arith.constant 0 : i32
    %dma_wait3A_86 = arith.constant 0 : i32
    %dma_wait3A_87 = arith.constant 0 : i32
    %dma_wait3A_88 = arith.constant 0 : i32
    %dma_wait3A_89 = arith.constant 0 : i32
    %dma_wait3A_90 = tpu.memref_slice %arg10[%dma_wait3A_85, %dma_wait3A_86, %dma_wait3A_87, %dma_wait3A_88, %dma_wait3A_89] : memref<2x8x2x8x128xf32, #tpu.memory_space<vmem>> -> memref<1x1x1x8x128xf32, #tpu.memory_space<vmem>>
    %dma_wait3A_91 = tpu.memref_squeeze %dma_wait3A_90 : memref<1x1x1x8x128xf32, #tpu.memory_space<vmem>> -> memref<8x128xf32, #tpu.memory_space<vmem>>
    %dma_wait3A_92 = arith.constant 0 : i32
    %dma_wait3A_93 = arith.constant 0 : i32
    %dma_wait3A_94 = tpu.memref_slice %arg5[%dma_wait3A_92, %dma_wait3A_93] : memref<16384x256xf32, #tpu.memory_space<hbm>> -> memref<8x128xf32, #tpu.memory_space<hbm>>
    %dma_wait3A_95 = arith.constant 0 : i32
    %dma_wait3A_96 = arith.constant 0 : i32
    %dma_wait3A_97 = tpu.memref_slice %arg5[%dma_wait3A_95, %dma_wait3A_96] : memref<16384x256xf32, #tpu.memory_space<hbm>> -> memref<8x128xf32, #tpu.memory_space<hbm>>
    %dma_wait3A_98 = arith.constant 0 : i32
    %dma_wait3A_99 = arith.constant 0 : i32
    %dma_wait3A_100 = tpu.memref_slice %arg10[%dma_wait3A_85, %dma_wait3A_86, %dma_wait3A_87, %dma_wait3A_98, %dma_wait3A_99] : memref<2x8x2x8x128xf32, #tpu.memory_space<vmem>> -> memref<1x1x1x8x128xf32, #tpu.memory_space<vmem>>
    %dma_wait3A_101 = tpu.memref_squeeze %dma_wait3A_100 : memref<1x1x1x8x128xf32, #tpu.memory_space<vmem>> -> memref<8x128xf32, #tpu.memory_space<vmem>>
    tpu.wait_dma2 semaphore(%arg13 : memref<!tpu.dma_semaphore, #tpu.memory_space<semaphore_mem>>) src(%dma_wait3A_101 : memref<8x128xf32, #tpu.memory_space<vmem>>) dst(%dma_wait3A_97 : memref<8x128xf32, #tpu.memory_space<hbm>>)
    %dma_wait3A_102 = arith.constant 0 : i32
    %dma_wait3A_103 = arith.constant 0 : i32
    %dma_wait3A_104 = arith.constant 0 : i32
    %dma_wait3A_105 = arith.constant 0 : i32
    %dma_wait3A_106 = arith.constant 0 : i32
    %dma_wait3A_107 = tpu.memref_slice %arg10[%dma_wait3A_102, %dma_wait3A_103, %dma_wait3A_104, %dma_wait3A_105, %dma_wait3A_106] : memref<2x8x2x8x128xf32, #tpu.memory_space<vmem>> -> memref<1x1x1x8x128xf32, #tpu.memory_space<vmem>>
    %dma_wait3A_108 = tpu.memref_squeeze %dma_wait3A_107 : memref<1x1x1x8x128xf32, #tpu.memory_space<vmem>> -> memref<8x128xf32, #tpu.memory_space<vmem>>
    %dma_wait3A_109 = arith.constant 0 : i32
    %dma_wait3A_110 = arith.constant 0 : i32
    %dma_wait3A_111 = tpu.memref_slice %arg5[%dma_wait3A_109, %dma_wait3A_110] : memref<16384x256xf32, #tpu.memory_space<hbm>> -> memref<8x128xf32, #tpu.memory_space<hbm>>
    %dma_wait3A_112 = arith.constant 0 : i32
    %dma_wait3A_113 = arith.constant 0 : i32
    %dma_wait3A_114 = tpu.memref_slice %arg5[%dma_wait3A_112, %dma_wait3A_113] : memref<16384x256xf32, #tpu.memory_space<hbm>> -> memref<8x128xf32, #tpu.memory_space<hbm>>
    %dma_wait3A_115 = arith.constant 0 : i32
    %dma_wait3A_116 = arith.constant 0 : i32
    %dma_wait3A_117 = tpu.memref_slice %arg10[%dma_wait3A_102, %dma_wait3A_103, %dma_wait3A_104, %dma_wait3A_115, %dma_wait3A_116] : memref<2x8x2x8x128xf32, #tpu.memory_space<vmem>> -> memref<1x1x1x8x128xf32, #tpu.memory_space<vmem>>
    %dma_wait3A_118 = tpu.memref_squeeze %dma_wait3A_117 : memref<1x1x1x8x128xf32, #tpu.memory_space<vmem>> -> memref<8x128xf32, #tpu.memory_space<vmem>>
    tpu.wait_dma2 semaphore(%arg13 : memref<!tpu.dma_semaphore, #tpu.memory_space<semaphore_mem>>) src(%dma_wait3A_118 : memref<8x128xf32, #tpu.memory_space<vmem>>) dst(%dma_wait3A_114 : memref<8x128xf32, #tpu.memory_space<hbm>>)
    %dma_wait3A_119 = arith.constant 0 : i32
    %dma_wait3A_120 = arith.constant 0 : i32
    %dma_wait3A_121 = arith.constant 0 : i32
    %dma_wait3A_122 = arith.constant 0 : i32
    %dma_wait3A_123 = arith.constant 0 : i32
    %dma_wait3A_124 = tpu.memref_slice %arg10[%dma_wait3A_119, %dma_wait3A_120, %dma_wait3A_121, %dma_wait3A_122, %dma_wait3A_123] : memref<2x8x2x8x128xf32, #tpu.memory_space<vmem>> -> memref<1x1x1x8x128xf32, #tpu.memory_space<vmem>>
    %dma_wait3A_125 = tpu.memref_squeeze %dma_wait3A_124 : memref<1x1x1x8x128xf32, #tpu.memory_space<vmem>> -> memref<8x128xf32, #tpu.memory_space<vmem>>
    %dma_wait3A_126 = arith.constant 0 : i32
    %dma_wait3A_127 = arith.constant 0 : i32
    %dma_wait3A_128 = tpu.memref_slice %arg5[%dma_wait3A_126, %dma_wait3A_127] : memref<16384x256xf32, #tpu.memory_space<hbm>> -> memref<8x128xf32, #tpu.memory_space<hbm>>
    %dma_wait3A_129 = arith.constant 0 : i32
    %dma_wait3A_130 = arith.constant 0 : i32
    %dma_wait3A_131 = tpu.memref_slice %arg5[%dma_wait3A_129, %dma_wait3A_130] : memref<16384x256xf32, #tpu.memory_space<hbm>> -> memref<8x128xf32, #tpu.memory_space<hbm>>
    %dma_wait3A_132 = arith.constant 0 : i32
    %dma_wait3A_133 = arith.constant 0 : i32
    %dma_wait3A_134 = tpu.memref_slice %arg10[%dma_wait3A_119, %dma_wait3A_120, %dma_wait3A_121, %dma_wait3A_132, %dma_wait3A_133] : memref<2x8x2x8x128xf32, #tpu.memory_space<vmem>> -> memref<1x1x1x8x128xf32, #tpu.memory_space<vmem>>
    %dma_wait3A_135 = tpu.memref_squeeze %dma_wait3A_134 : memref<1x1x1x8x128xf32, #tpu.memory_space<vmem>> -> memref<8x128xf32, #tpu.memory_space<vmem>>
    tpu.wait_dma2 semaphore(%arg13 : memref<!tpu.dma_semaphore, #tpu.memory_space<semaphore_mem>>) src(%dma_wait3A_135 : memref<8x128xf32, #tpu.memory_space<vmem>>) dst(%dma_wait3A_131 : memref<8x128xf32, #tpu.memory_space<hbm>>)
    %dma_wait3A_136 = arith.constant 0 : i32
    %dma_wait3A_137 = arith.constant 0 : i32
    %dma_wait3A_138 = arith.constant 0 : i32
    %dma_wait3A_139 = arith.constant 0 : i32
    %dma_wait3A_140 = arith.constant 0 : i32
    %dma_wait3A_141 = tpu.memref_slice %arg10[%dma_wait3A_136, %dma_wait3A_137, %dma_wait3A_138, %dma_wait3A_139, %dma_wait3A_140] : memref<2x8x2x8x128xf32, #tpu.memory_space<vmem>> -> memref<1x1x1x8x128xf32, #tpu.memory_space<vmem>>
    %dma_wait3A_142 = tpu.memref_squeeze %dma_wait3A_141 : memref<1x1x1x8x128xf32, #tpu.memory_space<vmem>> -> memref<8x128xf32, #tpu.memory_space<vmem>>
    %dma_wait3A_143 = arith.constant 0 : i32
    %dma_wait3A_144 = arith.constant 0 : i32
    %dma_wait3A_145 = tpu.memref_slice %arg5[%dma_wait3A_143, %dma_wait3A_144] : memref<16384x256xf32, #tpu.memory_space<hbm>> -> memref<8x128xf32, #tpu.memory_space<hbm>>
    %dma_wait3A_146 = arith.constant 0 : i32
    %dma_wait3A_147 = arith.constant 0 : i32
    %dma_wait3A_148 = tpu.memref_slice %arg5[%dma_wait3A_146, %dma_wait3A_147] : memref<16384x256xf32, #tpu.memory_space<hbm>> -> memref<8x128xf32, #tpu.memory_space<hbm>>
    %dma_wait3A_149 = arith.constant 0 : i32
    %dma_wait3A_150 = arith.constant 0 : i32
    %dma_wait3A_151 = tpu.memref_slice %arg10[%dma_wait3A_136, %dma_wait3A_137, %dma_wait3A_138, %dma_wait3A_149, %dma_wait3A_150] : memref<2x8x2x8x128xf32, #tpu.memory_space<vmem>> -> memref<1x1x1x8x128xf32, #tpu.memory_space<vmem>>
    %dma_wait3A_152 = tpu.memref_squeeze %dma_wait3A_151 : memref<1x1x1x8x128xf32, #tpu.memory_space<vmem>> -> memref<8x128xf32, #tpu.memory_space<vmem>>
    tpu.wait_dma2 semaphore(%arg13 : memref<!tpu.dma_semaphore, #tpu.memory_space<semaphore_mem>>) src(%dma_wait3A_152 : memref<8x128xf32, #tpu.memory_space<vmem>>) dst(%dma_wait3A_148 : memref<8x128xf32, #tpu.memory_space<hbm>>)
    %dma_wait3A_153 = arith.constant 0 : i32
    %dma_wait3A_154 = arith.constant 0 : i32
    %dma_wait3A_155 = arith.constant 0 : i32
    %dma_wait3A_156 = arith.constant 0 : i32
    %dma_wait3A_157 = arith.constant 0 : i32
    %dma_wait3A_158 = tpu.memref_slice %arg10[%dma_wait3A_153, %dma_wait3A_154, %dma_wait3A_155, %dma_wait3A_156, %dma_wait3A_157] : memref<2x8x2x8x128xf32, #tpu.memory_space<vmem>> -> memref<1x1x1x8x128xf32, #tpu.memory_space<vmem>>
    %dma_wait3A_159 = tpu.memref_squeeze %dma_wait3A_158 : memref<1x1x1x8x128xf32, #tpu.memory_space<vmem>> -> memref<8x128xf32, #tpu.memory_space<vmem>>
    %dma_wait3A_160 = arith.constant 0 : i32
    %dma_wait3A_161 = arith.constant 0 : i32
    %dma_wait3A_162 = tpu.memref_slice %arg5[%dma_wait3A_160, %dma_wait3A_161] : memref<16384x256xf32, #tpu.memory_space<hbm>> -> memref<8x128xf32, #tpu.memory_space<hbm>>
    %dma_wait3A_163 = arith.constant 0 : i32
    %dma_wait3A_164 = arith.constant 0 : i32
    %dma_wait3A_165 = tpu.memref_slice %arg5[%dma_wait3A_163, %dma_wait3A_164] : memref<16384x256xf32, #tpu.memory_space<hbm>> -> memref<8x128xf32, #tpu.memory_space<hbm>>
    %dma_wait3A_166 = arith.constant 0 : i32
    %dma_wait3A_167 = arith.constant 0 : i32
    %dma_wait3A_168 = tpu.memref_slice %arg10[%dma_wait3A_153, %dma_wait3A_154, %dma_wait3A_155, %dma_wait3A_166, %dma_wait3A_167] : memref<2x8x2x8x128xf32, #tpu.memory_space<vmem>> -> memref<1x1x1x8x128xf32, #tpu.memory_space<vmem>>
    %dma_wait3A_169 = tpu.memref_squeeze %dma_wait3A_168 : memref<1x1x1x8x128xf32, #tpu.memory_space<vmem>> -> memref<8x128xf32, #tpu.memory_space<vmem>>
    tpu.wait_dma2 semaphore(%arg13 : memref<!tpu.dma_semaphore, #tpu.memory_space<semaphore_mem>>) src(%dma_wait3A_169 : memref<8x128xf32, #tpu.memory_space<vmem>>) dst(%dma_wait3A_165 : memref<8x128xf32, #tpu.memory_space<hbm>>)
    %dma_wait3A_170 = arith.constant 0 : i32
    %dma_wait3A_171 = arith.constant 0 : i32
    %dma_wait3A_172 = arith.constant 0 : i32
    %dma_wait3A_173 = arith.constant 0 : i32
    %dma_wait3A_174 = arith.constant 0 : i32
    %dma_wait3A_175 = tpu.memref_slice %arg10[%dma_wait3A_170, %dma_wait3A_171, %dma_wait3A_172, %dma_wait3A_173, %dma_wait3A_174] : memref<2x8x2x8x128xf32, #tpu.memory_space<vmem>> -> memref<1x1x1x8x128xf32, #tpu.memory_space<vmem>>
    %dma_wait3A_176 = tpu.memref_squeeze %dma_wait3A_175 : memref<1x1x1x8x128xf32, #tpu.memory_space<vmem>> -> memref<8x128xf32, #tpu.memory_space<vmem>>
    %dma_wait3A_177 = arith.constant 0 : i32
    %dma_wait3A_178 = arith.constant 0 : i32
    %dma_wait3A_179 = tpu.memref_slice %arg5[%dma_wait3A_177, %dma_wait3A_178] : memref<16384x256xf32, #tpu.memory_space<hbm>> -> memref<8x128xf32, #tpu.memory_space<hbm>>
    %dma_wait3A_180 = arith.constant 0 : i32
    %dma_wait3A_181 = arith.constant 0 : i32
    %dma_wait3A_182 = tpu.memref_slice %arg5[%dma_wait3A_180, %dma_wait3A_181] : memref<16384x256xf32, #tpu.memory_space<hbm>> -> memref<8x128xf32, #tpu.memory_space<hbm>>
    %dma_wait3A_183 = arith.constant 0 : i32
    %dma_wait3A_184 = arith.constant 0 : i32
    %dma_wait3A_185 = tpu.memref_slice %arg10[%dma_wait3A_170, %dma_wait3A_171, %dma_wait3A_172, %dma_wait3A_183, %dma_wait3A_184] : memref<2x8x2x8x128xf32, #tpu.memory_space<vmem>> -> memref<1x1x1x8x128xf32, #tpu.memory_space<vmem>>
    %dma_wait3A_186 = tpu.memref_squeeze %dma_wait3A_185 : memref<1x1x1x8x128xf32, #tpu.memory_space<vmem>> -> memref<8x128xf32, #tpu.memory_space<vmem>>
    tpu.wait_dma2 semaphore(%arg13 : memref<!tpu.dma_semaphore, #tpu.memory_space<semaphore_mem>>) src(%dma_wait3A_186 : memref<8x128xf32, #tpu.memory_space<vmem>>) dst(%dma_wait3A_182 : memref<8x128xf32, #tpu.memory_space<hbm>>)
    %dma_wait3A_187 = arith.constant 0 : i32
    %dma_wait3A_188 = arith.constant 0 : i32
    %dma_wait3A_189 = arith.constant 0 : i32
    %dma_wait3A_190 = arith.constant 0 : i32
    %dma_wait3A_191 = arith.constant 0 : i32
    %dma_wait3A_192 = tpu.memref_slice %arg10[%dma_wait3A_187, %dma_wait3A_188, %dma_wait3A_189, %dma_wait3A_190, %dma_wait3A_191] : memref<2x8x2x8x128xf32, #tpu.memory_space<vmem>> -> memref<1x1x1x8x128xf32, #tpu.memory_space<vmem>>
    %dma_wait3A_193 = tpu.memref_squeeze %dma_wait3A_192 : memref<1x1x1x8x128xf32, #tpu.memory_space<vmem>> -> memref<8x128xf32, #tpu.memory_space<vmem>>
    %dma_wait3A_194 = arith.constant 0 : i32
    %dma_wait3A_195 = arith.constant 0 : i32
    %dma_wait3A_196 = tpu.memref_slice %arg5[%dma_wait3A_194, %dma_wait3A_195] : memref<16384x256xf32, #tpu.memory_space<hbm>> -> memref<8x128xf32, #tpu.memory_space<hbm>>
    %dma_wait3A_197 = arith.constant 0 : i32
    %dma_wait3A_198 = arith.constant 0 : i32
    %dma_wait3A_199 = tpu.memref_slice %arg5[%dma_wait3A_197, %dma_wait3A_198] : memref<16384x256xf32, #tpu.memory_space<hbm>> -> memref<8x128xf32, #tpu.memory_space<hbm>>
    %dma_wait3A_200 = arith.constant 0 : i32
    %dma_wait3A_201 = arith.constant 0 : i32
    %dma_wait3A_202 = tpu.memref_slice %arg10[%dma_wait3A_187, %dma_wait3A_188, %dma_wait3A_189, %dma_wait3A_200, %dma_wait3A_201] : memref<2x8x2x8x128xf32, #tpu.memory_space<vmem>> -> memref<1x1x1x8x128xf32, #tpu.memory_space<vmem>>
    %dma_wait3A_203 = tpu.memref_squeeze %dma_wait3A_202 : memref<1x1x1x8x128xf32, #tpu.memory_space<vmem>> -> memref<8x128xf32, #tpu.memory_space<vmem>>
    tpu.wait_dma2 semaphore(%arg13 : memref<!tpu.dma_semaphore, #tpu.memory_space<semaphore_mem>>) src(%dma_wait3A_203 : memref<8x128xf32, #tpu.memory_space<vmem>>) dst(%dma_wait3A_199 : memref<8x128xf32, #tpu.memory_space<hbm>>)
    %dma_wait3A_204 = arith.constant 0 : i32
    %dma_wait3A_205 = arith.constant 0 : i32
    %dma_wait3A_206 = arith.constant 0 : i32
    %dma_wait3A_207 = arith.constant 0 : i32
    %dma_wait3A_208 = arith.constant 0 : i32
    %dma_wait3A_209 = tpu.memref_slice %arg10[%dma_wait3A_204, %dma_wait3A_205, %dma_wait3A_206, %dma_wait3A_207, %dma_wait3A_208] : memref<2x8x2x8x128xf32, #tpu.memory_space<vmem>> -> memref<1x1x1x8x128xf32, #tpu.memory_space<vmem>>
    %dma_wait3A_210 = tpu.memref_squeeze %dma_wait3A_209 : memref<1x1x1x8x128xf32, #tpu.memory_space<vmem>> -> memref<8x128xf32, #tpu.memory_space<vmem>>
    %dma_wait3A_211 = arith.constant 0 : i32
    %dma_wait3A_212 = arith.constant 0 : i32
    %dma_wait3A_213 = tpu.memref_slice %arg5[%dma_wait3A_211, %dma_wait3A_212] : memref<16384x256xf32, #tpu.memory_space<hbm>> -> memref<8x128xf32, #tpu.memory_space<hbm>>
    %dma_wait3A_214 = arith.constant 0 : i32
    %dma_wait3A_215 = arith.constant 0 : i32
    %dma_wait3A_216 = tpu.memref_slice %arg5[%dma_wait3A_214, %dma_wait3A_215] : memref<16384x256xf32, #tpu.memory_space<hbm>> -> memref<8x128xf32, #tpu.memory_space<hbm>>
    %dma_wait3A_217 = arith.constant 0 : i32
    %dma_wait3A_218 = arith.constant 0 : i32
    %dma_wait3A_219 = tpu.memref_slice %arg10[%dma_wait3A_204, %dma_wait3A_205, %dma_wait3A_206, %dma_wait3A_217, %dma_wait3A_218] : memref<2x8x2x8x128xf32, #tpu.memory_space<vmem>> -> memref<1x1x1x8x128xf32, #tpu.memory_space<vmem>>
    %dma_wait3A_220 = tpu.memref_squeeze %dma_wait3A_219 : memref<1x1x1x8x128xf32, #tpu.memory_space<vmem>> -> memref<8x128xf32, #tpu.memory_space<vmem>>
    tpu.wait_dma2 semaphore(%arg13 : memref<!tpu.dma_semaphore, #tpu.memory_space<semaphore_mem>>) src(%dma_wait3A_220 : memref<8x128xf32, #tpu.memory_space<vmem>>) dst(%dma_wait3A_216 : memref<8x128xf32, #tpu.memory_space<hbm>>)
    %dma_wait3A_221 = arith.constant 0 : i32
    %dma_wait3A_222 = arith.constant 0 : i32
    %dma_wait3A_223 = arith.constant 0 : i32
    %dma_wait3A_224 = arith.constant 0 : i32
    %dma_wait3A_225 = arith.constant 0 : i32
    %dma_wait3A_226 = tpu.memref_slice %arg10[%dma_wait3A_221, %dma_wait3A_222, %dma_wait3A_223, %dma_wait3A_224, %dma_wait3A_225] : memref<2x8x2x8x128xf32, #tpu.memory_space<vmem>> -> memref<1x1x1x8x128xf32, #tpu.memory_space<vmem>>
    %dma_wait3A_227 = tpu.memref_squeeze %dma_wait3A_226 : memref<1x1x1x8x128xf32, #tpu.memory_space<vmem>> -> memref<8x128xf32, #tpu.memory_space<vmem>>
    %dma_wait3A_228 = arith.constant 0 : i32
    %dma_wait3A_229 = arith.constant 0 : i32
    %dma_wait3A_230 = tpu.memref_slice %arg5[%dma_wait3A_228, %dma_wait3A_229] : memref<16384x256xf32, #tpu.memory_space<hbm>> -> memref<8x128xf32, #tpu.memory_space<hbm>>
    %dma_wait3A_231 = arith.constant 0 : i32
    %dma_wait3A_232 = arith.constant 0 : i32
    %dma_wait3A_233 = tpu.memref_slice %arg5[%dma_wait3A_231, %dma_wait3A_232] : memref<16384x256xf32, #tpu.memory_space<hbm>> -> memref<8x128xf32, #tpu.memory_space<hbm>>
    %dma_wait3A_234 = arith.constant 0 : i32
    %dma_wait3A_235 = arith.constant 0 : i32
    %dma_wait3A_236 = tpu.memref_slice %arg10[%dma_wait3A_221, %dma_wait3A_222, %dma_wait3A_223, %dma_wait3A_234, %dma_wait3A_235] : memref<2x8x2x8x128xf32, #tpu.memory_space<vmem>> -> memref<1x1x1x8x128xf32, #tpu.memory_space<vmem>>
    %dma_wait3A_237 = tpu.memref_squeeze %dma_wait3A_236 : memref<1x1x1x8x128xf32, #tpu.memory_space<vmem>> -> memref<8x128xf32, #tpu.memory_space<vmem>>
    tpu.wait_dma2 semaphore(%arg13 : memref<!tpu.dma_semaphore, #tpu.memory_space<semaphore_mem>>) src(%dma_wait3A_237 : memref<8x128xf32, #tpu.memory_space<vmem>>) dst(%dma_wait3A_233 : memref<8x128xf32, #tpu.memory_space<hbm>>)
    %dma_wait3A_238 = arith.constant 0 : i32
    %dma_wait3A_239 = arith.constant 0 : i32
    %dma_wait3A_240 = arith.constant 0 : i32
    %dma_wait3A_241 = arith.constant 0 : i32
    %dma_wait3A_242 = arith.constant 0 : i32
    %dma_wait3A_243 = tpu.memref_slice %arg10[%dma_wait3A_238, %dma_wait3A_239, %dma_wait3A_240, %dma_wait3A_241, %dma_wait3A_242] : memref<2x8x2x8x128xf32, #tpu.memory_space<vmem>> -> memref<1x1x1x8x128xf32, #tpu.memory_space<vmem>>
    %dma_wait3A_244 = tpu.memref_squeeze %dma_wait3A_243 : memref<1x1x1x8x128xf32, #tpu.memory_space<vmem>> -> memref<8x128xf32, #tpu.memory_space<vmem>>
    %dma_wait3A_245 = arith.constant 0 : i32
    %dma_wait3A_246 = arith.constant 0 : i32
    %dma_wait3A_247 = tpu.memref_slice %arg5[%dma_wait3A_245, %dma_wait3A_246] : memref<16384x256xf32, #tpu.memory_space<hbm>> -> memref<8x128xf32, #tpu.memory_space<hbm>>
    %dma_wait3A_248 = arith.constant 0 : i32
    %dma_wait3A_249 = arith.constant 0 : i32
    %dma_wait3A_250 = tpu.memref_slice %arg5[%dma_wait3A_248, %dma_wait3A_249] : memref<16384x256xf32, #tpu.memory_space<hbm>> -> memref<8x128xf32, #tpu.memory_space<hbm>>
    %dma_wait3A_251 = arith.constant 0 : i32
    %dma_wait3A_252 = arith.constant 0 : i32
    %dma_wait3A_253 = tpu.memref_slice %arg10[%dma_wait3A_238, %dma_wait3A_239, %dma_wait3A_240, %dma_wait3A_251, %dma_wait3A_252] : memref<2x8x2x8x128xf32, #tpu.memory_space<vmem>> -> memref<1x1x1x8x128xf32, #tpu.memory_space<vmem>>
    %dma_wait3A_254 = tpu.memref_squeeze %dma_wait3A_253 : memref<1x1x1x8x128xf32, #tpu.memory_space<vmem>> -> memref<8x128xf32, #tpu.memory_space<vmem>>
    tpu.wait_dma2 semaphore(%arg13 : memref<!tpu.dma_semaphore, #tpu.memory_space<semaphore_mem>>) src(%dma_wait3A_254 : memref<8x128xf32, #tpu.memory_space<vmem>>) dst(%dma_wait3A_250 : memref<8x128xf32, #tpu.memory_space<hbm>>)
    %dma_wait3A_255 = arith.constant 0 : i32
    %dma_wait3A_256 = arith.constant 0 : i32
    %dma_wait3A_257 = arith.constant 0 : i32
    %dma_wait3A_258 = arith.constant 0 : i32
    %dma_wait3A_259 = arith.constant 0 : i32
    %dma_wait3A_260 = tpu.memref_slice %arg10[%dma_wait3A_255, %dma_wait3A_256, %dma_wait3A_257, %dma_wait3A_258, %dma_wait3A_259] : memref<2x8x2x8x128xf32, #tpu.memory_space<vmem>> -> memref<1x1x1x8x128xf32, #tpu.memory_space<vmem>>
    %dma_wait3A_261 = tpu.memref_squeeze %dma_wait3A_260 : memref<1x1x1x8x128xf32, #tpu.memory_space<vmem>> -> memref<8x128xf32, #tpu.memory_space<vmem>>
    %dma_wait3A_262 = arith.constant 0 : i32
    %dma_wait3A_263 = arith.constant 0 : i32
    %dma_wait3A_264 = tpu.memref_slice %arg5[%dma_wait3A_262, %dma_wait3A_263] : memref<16384x256xf32, #tpu.memory_space<hbm>> -> memref<8x128xf32, #tpu.memory_space<hbm>>
    %dma_wait3A_265 = arith.constant 0 : i32
    %dma_wait3A_266 = arith.constant 0 : i32
    %dma_wait3A_267 = tpu.memref_slice %arg5[%dma_wait3A_265, %dma_wait3A_266] : memref<16384x256xf32, #tpu.memory_space<hbm>> -> memref<8x128xf32, #tpu.memory_space<hbm>>
    %dma_wait3A_268 = arith.constant 0 : i32
    %dma_wait3A_269 = arith.constant 0 : i32
    %dma_wait3A_270 = tpu.memref_slice %arg10[%dma_wait3A_255, %dma_wait3A_256, %dma_wait3A_257, %dma_wait3A_268, %dma_wait3A_269] : memref<2x8x2x8x128xf32, #tpu.memory_space<vmem>> -> memref<1x1x1x8x128xf32, #tpu.memory_space<vmem>>
    %dma_wait3A_271 = tpu.memref_squeeze %dma_wait3A_270 : memref<1x1x1x8x128xf32, #tpu.memory_space<vmem>> -> memref<8x128xf32, #tpu.memory_space<vmem>>
    tpu.wait_dma2 semaphore(%arg13 : memref<!tpu.dma_semaphore, #tpu.memory_space<semaphore_mem>>) src(%dma_wait3A_271 : memref<8x128xf32, #tpu.memory_space<vmem>>) dst(%dma_wait3A_267 : memref<8x128xf32, #tpu.memory_space<hbm>>)
    %dma_wait3A_272 = arith.constant 0 : i32
    %dma_wait3A_273 = arith.constant 0 : i32
    %dma_wait3A_274 = arith.constant 0 : i32
    %dma_wait3A_275 = arith.constant 0 : i32
    %dma_wait3A_276 = arith.constant 0 : i32
    %dma_wait3A_277 = tpu.memref_slice %arg10[%dma_wait3A_272, %dma_wait3A_273, %dma_wait3A_274, %dma_wait3A_275, %dma_wait3A_276] : memref<2x8x2x8x128xf32, #tpu.memory_space<vmem>> -> memref<1x1x1x8x128xf32, #tpu.memory_space<vmem>>
    %dma_wait3A_278 = tpu.memref_squeeze %dma_wait3A_277 : memref<1x1x1x8x128xf32, #tpu.memory_space<vmem>> -> memref<8x128xf32, #tpu.memory_space<vmem>>
    %dma_wait3A_279 = arith.constant 0 : i32
    %dma_wait3A_280 = arith.constant 0 : i32
    %dma_wait3A_281 = tpu.memref_slice %arg5[%dma_wait3A_279, %dma_wait3A_280] : memref<16384x256xf32, #tpu.memory_space<hbm>> -> memref<8x128xf32, #tpu.memory_space<hbm>>
    %dma_wait3A_282 = arith.constant 0 : i32
    %dma_wait3A_283 = arith.constant 0 : i32
    %dma_wait3A_284 = tpu.memref_slice %arg5[%dma_wait3A_282, %dma_wait3A_283] : memref<16384x256xf32, #tpu.memory_space<hbm>> -> memref<8x128xf32, #tpu.memory_space<hbm>>
    %dma_wait3A_285 = arith.constant 0 : i32
    %dma_wait3A_286 = arith.constant 0 : i32
    %dma_wait3A_287 = tpu.memref_slice %arg10[%dma_wait3A_272, %dma_wait3A_273, %dma_wait3A_274, %dma_wait3A_285, %dma_wait3A_286] : memref<2x8x2x8x128xf32, #tpu.memory_space<vmem>> -> memref<1x1x1x8x128xf32, #tpu.memory_space<vmem>>
    %dma_wait3A_288 = tpu.memref_squeeze %dma_wait3A_287 : memref<1x1x1x8x128xf32, #tpu.memory_space<vmem>> -> memref<8x128xf32, #tpu.memory_space<vmem>>
    tpu.wait_dma2 semaphore(%arg13 : memref<!tpu.dma_semaphore, #tpu.memory_space<semaphore_mem>>) src(%dma_wait3A_288 : memref<8x128xf32, #tpu.memory_space<vmem>>) dst(%dma_wait3A_284 : memref<8x128xf32, #tpu.memory_space<hbm>>)
    %dma_wait3A_289 = arith.constant 0 : i32
    %dma_wait3A_290 = arith.constant 0 : i32
    %dma_wait3A_291 = arith.constant 0 : i32
    %dma_wait3A_292 = arith.constant 0 : i32
    %dma_wait3A_293 = arith.constant 0 : i32
    %dma_wait3A_294 = tpu.memref_slice %arg10[%dma_wait3A_289, %dma_wait3A_290, %dma_wait3A_291, %dma_wait3A_292, %dma_wait3A_293] : memref<2x8x2x8x128xf32, #tpu.memory_space<vmem>> -> memref<1x1x1x8x128xf32, #tpu.memory_space<vmem>>
    %dma_wait3A_295 = tpu.memref_squeeze %dma_wait3A_294 : memref<1x1x1x8x128xf32, #tpu.memory_space<vmem>> -> memref<8x128xf32, #tpu.memory_space<vmem>>
    %dma_wait3A_296 = arith.constant 0 : i32
    %dma_wait3A_297 = arith.constant 0 : i32
    %dma_wait3A_298 = tpu.memref_slice %arg5[%dma_wait3A_296, %dma_wait3A_297] : memref<16384x256xf32, #tpu.memory_space<hbm>> -> memref<8x128xf32, #tpu.memory_space<hbm>>
    %dma_wait3A_299 = arith.constant 0 : i32
    %dma_wait3A_300 = arith.constant 0 : i32
    %dma_wait3A_301 = tpu.memref_slice %arg5[%dma_wait3A_299, %dma_wait3A_300] : memref<16384x256xf32, #tpu.memory_space<hbm>> -> memref<8x128xf32, #tpu.memory_space<hbm>>
    %dma_wait3A_302 = arith.constant 0 : i32
    %dma_wait3A_303 = arith.constant 0 : i32
    %dma_wait3A_304 = tpu.memref_slice %arg10[%dma_wait3A_289, %dma_wait3A_290, %dma_wait3A_291, %dma_wait3A_302, %dma_wait3A_303] : memref<2x8x2x8x128xf32, #tpu.memory_space<vmem>> -> memref<1x1x1x8x128xf32, #tpu.memory_space<vmem>>
    %dma_wait3A_305 = tpu.memref_squeeze %dma_wait3A_304 : memref<1x1x1x8x128xf32, #tpu.memory_space<vmem>> -> memref<8x128xf32, #tpu.memory_space<vmem>>
    tpu.wait_dma2 semaphore(%arg13 : memref<!tpu.dma_semaphore, #tpu.memory_space<semaphore_mem>>) src(%dma_wait3A_305 : memref<8x128xf32, #tpu.memory_space<vmem>>) dst(%dma_wait3A_301 : memref<8x128xf32, #tpu.memory_space<hbm>>)
    %dma_wait3A_306 = arith.constant 0 : i32
    %dma_wait3A_307 = arith.constant 0 : i32
    %dma_wait3A_308 = arith.constant 0 : i32
    %dma_wait3A_309 = arith.constant 0 : i32
    %dma_wait3A_310 = arith.constant 0 : i32
    %dma_wait3A_311 = tpu.memref_slice %arg10[%dma_wait3A_306, %dma_wait3A_307, %dma_wait3A_308, %dma_wait3A_309, %dma_wait3A_310] : memref<2x8x2x8x128xf32, #tpu.memory_space<vmem>> -> memref<1x1x1x8x128xf32, #tpu.memory_space<vmem>>
    %dma_wait3A_312 = tpu.memref_squeeze %dma_wait3A_311 : memref<1x1x1x8x128xf32, #tpu.memory_space<vmem>> -> memref<8x128xf32, #tpu.memory_space<vmem>>
    %dma_wait3A_313 = arith.constant 0 : i32
    %dma_wait3A_314 = arith.constant 0 : i32
    %dma_wait3A_315 = tpu.memref_slice %arg5[%dma_wait3A_313, %dma_wait3A_314] : memref<16384x256xf32, #tpu.memory_space<hbm>> -> memref<8x128xf32, #tpu.memory_space<hbm>>
    %dma_wait3A_316 = arith.constant 0 : i32
    %dma_wait3A_317 = arith.constant 0 : i32
    %dma_wait3A_318 = tpu.memref_slice %arg5[%dma_wait3A_316, %dma_wait3A_317] : memref<16384x256xf32, #tpu.memory_space<hbm>> -> memref<8x128xf32, #tpu.memory_space<hbm>>
    %dma_wait3A_319 = arith.constant 0 : i32
    %dma_wait3A_320 = arith.constant 0 : i32
    %dma_wait3A_321 = tpu.memref_slice %arg10[%dma_wait3A_306, %dma_wait3A_307, %dma_wait3A_308, %dma_wait3A_319, %dma_wait3A_320] : memref<2x8x2x8x128xf32, #tpu.memory_space<vmem>> -> memref<1x1x1x8x128xf32, #tpu.memory_space<vmem>>
    %dma_wait3A_322 = tpu.memref_squeeze %dma_wait3A_321 : memref<1x1x1x8x128xf32, #tpu.memory_space<vmem>> -> memref<8x128xf32, #tpu.memory_space<vmem>>
    tpu.wait_dma2 semaphore(%arg13 : memref<!tpu.dma_semaphore, #tpu.memory_space<semaphore_mem>>) src(%dma_wait3A_322 : memref<8x128xf32, #tpu.memory_space<vmem>>) dst(%dma_wait3A_318 : memref<8x128xf32, #tpu.memory_space<hbm>>)
    %dma_wait3A_323 = arith.constant 1 : i32
    %dma_wait3A_324 = arith.constant 0 : i32
    %dma_wait3A_325 = arith.constant 0 : i32
    %dma_wait3A_326 = arith.constant 0 : i32
    %dma_wait3A_327 = arith.constant 0 : i32
    %dma_wait3A_328 = tpu.memref_slice %arg10[%dma_wait3A_323, %dma_wait3A_324, %dma_wait3A_325, %dma_wait3A_326, %dma_wait3A_327] : memref<2x8x2x8x128xf32, #tpu.memory_space<vmem>> -> memref<1x1x1x8x128xf32, #tpu.memory_space<vmem>>
    %dma_wait3A_329 = tpu.memref_squeeze %dma_wait3A_328 : memref<1x1x1x8x128xf32, #tpu.memory_space<vmem>> -> memref<8x128xf32, #tpu.memory_space<vmem>>
    %dma_wait3A_330 = arith.constant 0 : i32
    %dma_wait3A_331 = arith.constant 0 : i32
    %dma_wait3A_332 = tpu.memref_slice %arg5[%dma_wait3A_330, %dma_wait3A_331] : memref<16384x256xf32, #tpu.memory_space<hbm>> -> memref<8x128xf32, #tpu.memory_space<hbm>>
    %dma_wait3A_333 = arith.constant 0 : i32
    %dma_wait3A_334 = arith.constant 0 : i32
    %dma_wait3A_335 = tpu.memref_slice %arg5[%dma_wait3A_333, %dma_wait3A_334] : memref<16384x256xf32, #tpu.memory_space<hbm>> -> memref<8x128xf32, #tpu.memory_space<hbm>>
    %dma_wait3A_336 = arith.constant 0 : i32
    %dma_wait3A_337 = arith.constant 0 : i32
    %dma_wait3A_338 = tpu.memref_slice %arg10[%dma_wait3A_323, %dma_wait3A_324, %dma_wait3A_325, %dma_wait3A_336, %dma_wait3A_337] : memref<2x8x2x8x128xf32, #tpu.memory_space<vmem>> -> memref<1x1x1x8x128xf32, #tpu.memory_space<vmem>>
    %dma_wait3A_339 = tpu.memref_squeeze %dma_wait3A_338 : memref<1x1x1x8x128xf32, #tpu.memory_space<vmem>> -> memref<8x128xf32, #tpu.memory_space<vmem>>
    tpu.wait_dma2 semaphore(%arg13 : memref<!tpu.dma_semaphore, #tpu.memory_space<semaphore_mem>>) src(%dma_wait3A_339 : memref<8x128xf32, #tpu.memory_space<vmem>>) dst(%dma_wait3A_335 : memref<8x128xf32, #tpu.memory_space<hbm>>)
    %dma_wait3A_340 = arith.constant 1 : i32
    %dma_wait3A_341 = arith.constant 0 : i32
    %dma_wait3A_342 = arith.constant 0 : i32
    %dma_wait3A_343 = arith.constant 0 : i32
    %dma_wait3A_344 = arith.constant 0 : i32
    %dma_wait3A_345 = tpu.memref_slice %arg10[%dma_wait3A_340, %dma_wait3A_341, %dma_wait3A_342, %dma_wait3A_343, %dma_wait3A_344] : memref<2x8x2x8x128xf32, #tpu.memory_space<vmem>> -> memref<1x1x1x8x128xf32, #tpu.memory_space<vmem>>
    %dma_wait3A_346 = tpu.memref_squeeze %dma_wait3A_345 : memref<1x1x1x8x128xf32, #tpu.memory_space<vmem>> -> memref<8x128xf32, #tpu.memory_space<vmem>>
    %dma_wait3A_347 = arith.constant 0 : i32
    %dma_wait3A_348 = arith.constant 0 : i32
    %dma_wait3A_349 = tpu.memref_slice %arg5[%dma_wait3A_347, %dma_wait3A_348] : memref<16384x256xf32, #tpu.memory_space<hbm>> -> memref<8x128xf32, #tpu.memory_space<hbm>>
    %dma_wait3A_350 = arith.constant 0 : i32
    %dma_wait3A_351 = arith.constant 0 : i32
    %dma_wait3A_352 = tpu.memref_slice %arg5[%dma_wait3A_350, %dma_wait3A_351] : memref<16384x256xf32, #tpu.memory_space<hbm>> -> memref<8x128xf32, #tpu.memory_space<hbm>>
    %dma_wait3A_353 = arith.constant 0 : i32
    %dma_wait3A_354 = arith.constant 0 : i32
    %dma_wait3A_355 = tpu.memref_slice %arg10[%dma_wait3A_340, %dma_wait3A_341, %dma_wait3A_342, %dma_wait3A_353, %dma_wait3A_354] : memref<2x8x2x8x128xf32, #tpu.memory_space<vmem>> -> memref<1x1x1x8x128xf32, #tpu.memory_space<vmem>>
    %dma_wait3A_356 = tpu.memref_squeeze %dma_wait3A_355 : memref<1x1x1x8x128xf32, #tpu.memory_space<vmem>> -> memref<8x128xf32, #tpu.memory_space<vmem>>
    tpu.wait_dma2 semaphore(%arg13 : memref<!tpu.dma_semaphore, #tpu.memory_space<semaphore_mem>>) src(%dma_wait3A_356 : memref<8x128xf32, #tpu.memory_space<vmem>>) dst(%dma_wait3A_352 : memref<8x128xf32, #tpu.memory_space<hbm>>)
    %dma_wait3A_357 = arith.constant 1 : i32
    %dma_wait3A_358 = arith.constant 0 : i32
    %dma_wait3A_359 = arith.constant 0 : i32
    %dma_wait3A_360 = arith.constant 0 : i32
    %dma_wait3A_361 = arith.constant 0 : i32
    %dma_wait3A_362 = tpu.memref_slice %arg10[%dma_wait3A_357, %dma_wait3A_358, %dma_wait3A_359, %dma_wait3A_360, %dma_wait3A_361] : memref<2x8x2x8x128xf32, #tpu.memory_space<vmem>> -> memref<1x1x1x8x128xf32, #tpu.memory_space<vmem>>
    %dma_wait3A_363 = tpu.memref_squeeze %dma_wait3A_362 : memref<1x1x1x8x128xf32, #tpu.memory_space<vmem>> -> memref<8x128xf32, #tpu.memory_space<vmem>>
    %dma_wait3A_364 = arith.constant 0 : i32
    %dma_wait3A_365 = arith.constant 0 : i32
    %dma_wait3A_366 = tpu.memref_slice %arg5[%dma_wait3A_364, %dma_wait3A_365] : memref<16384x256xf32, #tpu.memory_space<hbm>> -> memref<8x128xf32, #tpu.memory_space<hbm>>
    %dma_wait3A_367 = arith.constant 0 : i32
    %dma_wait3A_368 = arith.constant 0 : i32
    %dma_wait3A_369 = tpu.memref_slice %arg5[%dma_wait3A_367, %dma_wait3A_368] : memref<16384x256xf32, #tpu.memory_space<hbm>> -> memref<8x128xf32, #tpu.memory_space<hbm>>
    %dma_wait3A_370 = arith.constant 0 : i32
    %dma_wait3A_371 = arith.constant 0 : i32
    %dma_wait3A_372 = tpu.memref_slice %arg10[%dma_wait3A_357, %dma_wait3A_358, %dma_wait3A_359, %dma_wait3A_370, %dma_wait3A_371] : memref<2x8x2x8x128xf32, #tpu.memory_space<vmem>> -> memref<1x1x1x8x128xf32, #tpu.memory_space<vmem>>
    %dma_wait3A_373 = tpu.memref_squeeze %dma_wait3A_372 : memref<1x1x1x8x128xf32, #tpu.memory_space<vmem>> -> memref<8x128xf32, #tpu.memory_space<vmem>>
    tpu.wait_dma2 semaphore(%arg13 : memref<!tpu.dma_semaphore, #tpu.memory_space<semaphore_mem>>) src(%dma_wait3A_373 : memref<8x128xf32, #tpu.memory_space<vmem>>) dst(%dma_wait3A_369 : memref<8x128xf32, #tpu.memory_space<hbm>>)
    %dma_wait3A_374 = arith.constant 1 : i32
    %dma_wait3A_375 = arith.constant 0 : i32
    %dma_wait3A_376 = arith.constant 0 : i32
    %dma_wait3A_377 = arith.constant 0 : i32
    %dma_wait3A_378 = arith.constant 0 : i32
    %dma_wait3A_379 = tpu.memref_slice %arg10[%dma_wait3A_374, %dma_wait3A_375, %dma_wait3A_376, %dma_wait3A_377, %dma_wait3A_378] : memref<2x8x2x8x128xf32, #tpu.memory_space<vmem>> -> memref<1x1x1x8x128xf32, #tpu.memory_space<vmem>>
    %dma_wait3A_380 = tpu.memref_squeeze %dma_wait3A_379 : memref<1x1x1x8x128xf32, #tpu.memory_space<vmem>> -> memref<8x128xf32, #tpu.memory_space<vmem>>
    %dma_wait3A_381 = arith.constant 0 : i32
    %dma_wait3A_382 = arith.constant 0 : i32
    %dma_wait3A_383 = tpu.memref_slice %arg5[%dma_wait3A_381, %dma_wait3A_382] : memref<16384x256xf32, #tpu.memory_space<hbm>> -> memref<8x128xf32, #tpu.memory_space<hbm>>
    %dma_wait3A_384 = arith.constant 0 : i32
    %dma_wait3A_385 = arith.constant 0 : i32
    %dma_wait3A_386 = tpu.memref_slice %arg5[%dma_wait3A_384, %dma_wait3A_385] : memref<16384x256xf32, #tpu.memory_space<hbm>> -> memref<8x128xf32, #tpu.memory_space<hbm>>
    %dma_wait3A_387 = arith.constant 0 : i32
    %dma_wait3A_388 = arith.constant 0 : i32
    %dma_wait3A_389 = tpu.memref_slice %arg10[%dma_wait3A_374, %dma_wait3A_375, %dma_wait3A_376, %dma_wait3A_387, %dma_wait3A_388] : memref<2x8x2x8x128xf32, #tpu.memory_space<vmem>> -> memref<1x1x1x8x128xf32, #tpu.memory_space<vmem>>
    %dma_wait3A_390 = tpu.memref_squeeze %dma_wait3A_389 : memref<1x1x1x8x128xf32, #tpu.memory_space<vmem>> -> memref<8x128xf32, #tpu.memory_space<vmem>>
    tpu.wait_dma2 semaphore(%arg13 : memref<!tpu.dma_semaphore, #tpu.memory_space<semaphore_mem>>) src(%dma_wait3A_390 : memref<8x128xf32, #tpu.memory_space<vmem>>) dst(%dma_wait3A_386 : memref<8x128xf32, #tpu.memory_space<hbm>>)
    %dma_wait3A_391 = arith.constant 1 : i32
    %dma_wait3A_392 = arith.constant 0 : i32
    %dma_wait3A_393 = arith.constant 0 : i32
    %dma_wait3A_394 = arith.constant 0 : i32
    %dma_wait3A_395 = arith.constant 0 : i32
    %dma_wait3A_396 = tpu.memref_slice %arg10[%dma_wait3A_391, %dma_wait3A_392, %dma_wait3A_393, %dma_wait3A_394, %dma_wait3A_395] : memref<2x8x2x8x128xf32, #tpu.memory_space<vmem>> -> memref<1x1x1x8x128xf32, #tpu.memory_space<vmem>>
    %dma_wait3A_397 = tpu.memref_squeeze %dma_wait3A_396 : memref<1x1x1x8x128xf32, #tpu.memory_space<vmem>> -> memref<8x128xf32, #tpu.memory_space<vmem>>
    %dma_wait3A_398 = arith.constant 0 : i32
    %dma_wait3A_399 = arith.constant 0 : i32
    %dma_wait3A_400 = tpu.memref_slice %arg5[%dma_wait3A_398, %dma_wait3A_399] : memref<16384x256xf32, #tpu.memory_space<hbm>> -> memref<8x128xf32, #tpu.memory_space<hbm>>
    %dma_wait3A_401 = arith.constant 0 : i32
    %dma_wait3A_402 = arith.constant 0 : i32
    %dma_wait3A_403 = tpu.memref_slice %arg5[%dma_wait3A_401, %dma_wait3A_402] : memref<16384x256xf32, #tpu.memory_space<hbm>> -> memref<8x128xf32, #tpu.memory_space<hbm>>
    %dma_wait3A_404 = arith.constant 0 : i32
    %dma_wait3A_405 = arith.constant 0 : i32
    %dma_wait3A_406 = tpu.memref_slice %arg10[%dma_wait3A_391, %dma_wait3A_392, %dma_wait3A_393, %dma_wait3A_404, %dma_wait3A_405] : memref<2x8x2x8x128xf32, #tpu.memory_space<vmem>> -> memref<1x1x1x8x128xf32, #tpu.memory_space<vmem>>
    %dma_wait3A_407 = tpu.memref_squeeze %dma_wait3A_406 : memref<1x1x1x8x128xf32, #tpu.memory_space<vmem>> -> memref<8x128xf32, #tpu.memory_space<vmem>>
    tpu.wait_dma2 semaphore(%arg13 : memref<!tpu.dma_semaphore, #tpu.memory_space<semaphore_mem>>) src(%dma_wait3A_407 : memref<8x128xf32, #tpu.memory_space<vmem>>) dst(%dma_wait3A_403 : memref<8x128xf32, #tpu.memory_space<hbm>>)
    %dma_wait3A_408 = arith.constant 1 : i32
    %dma_wait3A_409 = arith.constant 0 : i32
    %dma_wait3A_410 = arith.constant 0 : i32
    %dma_wait3A_411 = arith.constant 0 : i32
    %dma_wait3A_412 = arith.constant 0 : i32
    %dma_wait3A_413 = tpu.memref_slice %arg10[%dma_wait3A_408, %dma_wait3A_409, %dma_wait3A_410, %dma_wait3A_411, %dma_wait3A_412] : memref<2x8x2x8x128xf32, #tpu.memory_space<vmem>> -> memref<1x1x1x8x128xf32, #tpu.memory_space<vmem>>
    %dma_wait3A_414 = tpu.memref_squeeze %dma_wait3A_413 : memref<1x1x1x8x128xf32, #tpu.memory_space<vmem>> -> memref<8x128xf32, #tpu.memory_space<vmem>>
    %dma_wait3A_415 = arith.constant 0 : i32
    %dma_wait3A_416 = arith.constant 0 : i32
    %dma_wait3A_417 = tpu.memref_slice %arg5[%dma_wait3A_415, %dma_wait3A_416] : memref<16384x256xf32, #tpu.memory_space<hbm>> -> memref<8x128xf32, #tpu.memory_space<hbm>>
    %dma_wait3A_418 = arith.constant 0 : i32
    %dma_wait3A_419 = arith.constant 0 : i32
    %dma_wait3A_420 = tpu.memref_slice %arg5[%dma_wait3A_418, %dma_wait3A_419] : memref<16384x256xf32, #tpu.memory_space<hbm>> -> memref<8x128xf32, #tpu.memory_space<hbm>>
    %dma_wait3A_421 = arith.constant 0 : i32
    %dma_wait3A_422 = arith.constant 0 : i32
    %dma_wait3A_423 = tpu.memref_slice %arg10[%dma_wait3A_408, %dma_wait3A_409, %dma_wait3A_410, %dma_wait3A_421, %dma_wait3A_422] : memref<2x8x2x8x128xf32, #tpu.memory_space<vmem>> -> memref<1x1x1x8x128xf32, #tpu.memory_space<vmem>>
    %dma_wait3A_424 = tpu.memref_squeeze %dma_wait3A_423 : memref<1x1x1x8x128xf32, #tpu.memory_space<vmem>> -> memref<8x128xf32, #tpu.memory_space<vmem>>
    tpu.wait_dma2 semaphore(%arg13 : memref<!tpu.dma_semaphore, #tpu.memory_space<semaphore_mem>>) src(%dma_wait3A_424 : memref<8x128xf32, #tpu.memory_space<vmem>>) dst(%dma_wait3A_420 : memref<8x128xf32, #tpu.memory_space<hbm>>)
    %dma_wait3A_425 = arith.constant 1 : i32
    %dma_wait3A_426 = arith.constant 0 : i32
    %dma_wait3A_427 = arith.constant 0 : i32
    %dma_wait3A_428 = arith.constant 0 : i32
    %dma_wait3A_429 = arith.constant 0 : i32
    %dma_wait3A_430 = tpu.memref_slice %arg10[%dma_wait3A_425, %dma_wait3A_426, %dma_wait3A_427, %dma_wait3A_428, %dma_wait3A_429] : memref<2x8x2x8x128xf32, #tpu.memory_space<vmem>> -> memref<1x1x1x8x128xf32, #tpu.memory_space<vmem>>
    %dma_wait3A_431 = tpu.memref_squeeze %dma_wait3A_430 : memref<1x1x1x8x128xf32, #tpu.memory_space<vmem>> -> memref<8x128xf32, #tpu.memory_space<vmem>>
    %dma_wait3A_432 = arith.constant 0 : i32
    %dma_wait3A_433 = arith.constant 0 : i32
    %dma_wait3A_434 = tpu.memref_slice %arg5[%dma_wait3A_432, %dma_wait3A_433] : memref<16384x256xf32, #tpu.memory_space<hbm>> -> memref<8x128xf32, #tpu.memory_space<hbm>>
    %dma_wait3A_435 = arith.constant 0 : i32
    %dma_wait3A_436 = arith.constant 0 : i32
    %dma_wait3A_437 = tpu.memref_slice %arg5[%dma_wait3A_435, %dma_wait3A_436] : memref<16384x256xf32, #tpu.memory_space<hbm>> -> memref<8x128xf32, #tpu.memory_space<hbm>>
    %dma_wait3A_438 = arith.constant 0 : i32
    %dma_wait3A_439 = arith.constant 0 : i32
    %dma_wait3A_440 = tpu.memref_slice %arg10[%dma_wait3A_425, %dma_wait3A_426, %dma_wait3A_427, %dma_wait3A_438, %dma_wait3A_439] : memref<2x8x2x8x128xf32, #tpu.memory_space<vmem>> -> memref<1x1x1x8x128xf32, #tpu.memory_space<vmem>>
    %dma_wait3A_441 = tpu.memref_squeeze %dma_wait3A_440 : memref<1x1x1x8x128xf32, #tpu.memory_space<vmem>> -> memref<8x128xf32, #tpu.memory_space<vmem>>
    tpu.wait_dma2 semaphore(%arg13 : memref<!tpu.dma_semaphore, #tpu.memory_space<semaphore_mem>>) src(%dma_wait3A_441 : memref<8x128xf32, #tpu.memory_space<vmem>>) dst(%dma_wait3A_437 : memref<8x128xf32, #tpu.memory_space<hbm>>)
    %dma_wait3A_442 = arith.constant 1 : i32
    %dma_wait3A_443 = arith.constant 0 : i32
    %dma_wait3A_444 = arith.constant 0 : i32
    %dma_wait3A_445 = arith.constant 0 : i32
    %dma_wait3A_446 = arith.constant 0 : i32
    %dma_wait3A_447 = tpu.memref_slice %arg10[%dma_wait3A_442, %dma_wait3A_443, %dma_wait3A_444, %dma_wait3A_445, %dma_wait3A_446] : memref<2x8x2x8x128xf32, #tpu.memory_space<vmem>> -> memref<1x1x1x8x128xf32, #tpu.memory_space<vmem>>
    %dma_wait3A_448 = tpu.memref_squeeze %dma_wait3A_447 : memref<1x1x1x8x128xf32, #tpu.memory_space<vmem>> -> memref<8x128xf32, #tpu.memory_space<vmem>>
    %dma_wait3A_449 = arith.constant 0 : i32
    %dma_wait3A_450 = arith.constant 0 : i32
    %dma_wait3A_451 = tpu.memref_slice %arg5[%dma_wait3A_449, %dma_wait3A_450] : memref<16384x256xf32, #tpu.memory_space<hbm>> -> memref<8x128xf32, #tpu.memory_space<hbm>>
    %dma_wait3A_452 = arith.constant 0 : i32
    %dma_wait3A_453 = arith.constant 0 : i32
    %dma_wait3A_454 = tpu.memref_slice %arg5[%dma_wait3A_452, %dma_wait3A_453] : memref<16384x256xf32, #tpu.memory_space<hbm>> -> memref<8x128xf32, #tpu.memory_space<hbm>>
    %dma_wait3A_455 = arith.constant 0 : i32
    %dma_wait3A_456 = arith.constant 0 : i32
    %dma_wait3A_457 = tpu.memref_slice %arg10[%dma_wait3A_442, %dma_wait3A_443, %dma_wait3A_444, %dma_wait3A_455, %dma_wait3A_456] : memref<2x8x2x8x128xf32, #tpu.memory_space<vmem>> -> memref<1x1x1x8x128xf32, #tpu.memory_space<vmem>>
    %dma_wait3A_458 = tpu.memref_squeeze %dma_wait3A_457 : memref<1x1x1x8x128xf32, #tpu.memory_space<vmem>> -> memref<8x128xf32, #tpu.memory_space<vmem>>
    tpu.wait_dma2 semaphore(%arg13 : memref<!tpu.dma_semaphore, #tpu.memory_space<semaphore_mem>>) src(%dma_wait3A_458 : memref<8x128xf32, #tpu.memory_space<vmem>>) dst(%dma_wait3A_454 : memref<8x128xf32, #tpu.memory_space<hbm>>)
    %dma_wait3A_459 = arith.constant 1 : i32
    %dma_wait3A_460 = arith.constant 0 : i32
    %dma_wait3A_461 = arith.constant 0 : i32
    %dma_wait3A_462 = arith.constant 0 : i32
    %dma_wait3A_463 = arith.constant 0 : i32
    %dma_wait3A_464 = tpu.memref_slice %arg10[%dma_wait3A_459, %dma_wait3A_460, %dma_wait3A_461, %dma_wait3A_462, %dma_wait3A_463] : memref<2x8x2x8x128xf32, #tpu.memory_space<vmem>> -> memref<1x1x1x8x128xf32, #tpu.memory_space<vmem>>
    %dma_wait3A_465 = tpu.memref_squeeze %dma_wait3A_464 : memref<1x1x1x8x128xf32, #tpu.memory_space<vmem>> -> memref<8x128xf32, #tpu.memory_space<vmem>>
    %dma_wait3A_466 = arith.constant 0 : i32
    %dma_wait3A_467 = arith.constant 0 : i32
    %dma_wait3A_468 = tpu.memref_slice %arg5[%dma_wait3A_466, %dma_wait3A_467] : memref<16384x256xf32, #tpu.memory_space<hbm>> -> memref<8x128xf32, #tpu.memory_space<hbm>>
    %dma_wait3A_469 = arith.constant 0 : i32
    %dma_wait3A_470 = arith.constant 0 : i32
    %dma_wait3A_471 = tpu.memref_slice %arg5[%dma_wait3A_469, %dma_wait3A_470] : memref<16384x256xf32, #tpu.memory_space<hbm>> -> memref<8x128xf32, #tpu.memory_space<hbm>>
    %dma_wait3A_472 = arith.constant 0 : i32
    %dma_wait3A_473 = arith.constant 0 : i32
    %dma_wait3A_474 = tpu.memref_slice %arg10[%dma_wait3A_459, %dma_wait3A_460, %dma_wait3A_461, %dma_wait3A_472, %dma_wait3A_473] : memref<2x8x2x8x128xf32, #tpu.memory_space<vmem>> -> memref<1x1x1x8x128xf32, #tpu.memory_space<vmem>>
    %dma_wait3A_475 = tpu.memref_squeeze %dma_wait3A_474 : memref<1x1x1x8x128xf32, #tpu.memory_space<vmem>> -> memref<8x128xf32, #tpu.memory_space<vmem>>
    tpu.wait_dma2 semaphore(%arg13 : memref<!tpu.dma_semaphore, #tpu.memory_space<semaphore_mem>>) src(%dma_wait3A_475 : memref<8x128xf32, #tpu.memory_space<vmem>>) dst(%dma_wait3A_471 : memref<8x128xf32, #tpu.memory_space<hbm>>)
    %dma_wait3A_476 = arith.constant 1 : i32
    %dma_wait3A_477 = arith.constant 0 : i32
    %dma_wait3A_478 = arith.constant 0 : i32
    %dma_wait3A_479 = arith.constant 0 : i32
    %dma_wait3A_480 = arith.constant 0 : i32
    %dma_wait3A_481 = tpu.memref_slice %arg10[%dma_wait3A_476, %dma_wait3A_477, %dma_wait3A_478, %dma_wait3A_479, %dma_wait3A_480] : memref<2x8x2x8x128xf32, #tpu.memory_space<vmem>> -> memref<1x1x1x8x128xf32, #tpu.memory_space<vmem>>
    %dma_wait3A_482 = tpu.memref_squeeze %dma_wait3A_481 : memref<1x1x1x8x128xf32, #tpu.memory_space<vmem>> -> memref<8x128xf32, #tpu.memory_space<vmem>>
    %dma_wait3A_483 = arith.constant 0 : i32
    %dma_wait3A_484 = arith.constant 0 : i32
    %dma_wait3A_485 = tpu.memref_slice %arg5[%dma_wait3A_483, %dma_wait3A_484] : memref<16384x256xf32, #tpu.memory_space<hbm>> -> memref<8x128xf32, #tpu.memory_space<hbm>>
    %dma_wait3A_486 = arith.constant 0 : i32
    %dma_wait3A_487 = arith.constant 0 : i32
    %dma_wait3A_488 = tpu.memref_slice %arg5[%dma_wait3A_486, %dma_wait3A_487] : memref<16384x256xf32, #tpu.memory_space<hbm>> -> memref<8x128xf32, #tpu.memory_space<hbm>>
    %dma_wait3A_489 = arith.constant 0 : i32
    %dma_wait3A_490 = arith.constant 0 : i32
    %dma_wait3A_491 = tpu.memref_slice %arg10[%dma_wait3A_476, %dma_wait3A_477, %dma_wait3A_478, %dma_wait3A_489, %dma_wait3A_490] : memref<2x8x2x8x128xf32, #tpu.memory_space<vmem>> -> memref<1x1x1x8x128xf32, #tpu.memory_space<vmem>>
    %dma_wait3A_492 = tpu.memref_squeeze %dma_wait3A_491 : memref<1x1x1x8x128xf32, #tpu.memory_space<vmem>> -> memref<8x128xf32, #tpu.memory_space<vmem>>
    tpu.wait_dma2 semaphore(%arg13 : memref<!tpu.dma_semaphore, #tpu.memory_space<semaphore_mem>>) src(%dma_wait3A_492 : memref<8x128xf32, #tpu.memory_space<vmem>>) dst(%dma_wait3A_488 : memref<8x128xf32, #tpu.memory_space<hbm>>)
    %dma_wait3A_493 = arith.constant 1 : i32
    %dma_wait3A_494 = arith.constant 0 : i32
    %dma_wait3A_495 = arith.constant 0 : i32
    %dma_wait3A_496 = arith.constant 0 : i32
    %dma_wait3A_497 = arith.constant 0 : i32
    %dma_wait3A_498 = tpu.memref_slice %arg10[%dma_wait3A_493, %dma_wait3A_494, %dma_wait3A_495, %dma_wait3A_496, %dma_wait3A_497] : memref<2x8x2x8x128xf32, #tpu.memory_space<vmem>> -> memref<1x1x1x8x128xf32, #tpu.memory_space<vmem>>
    %dma_wait3A_499 = tpu.memref_squeeze %dma_wait3A_498 : memref<1x1x1x8x128xf32, #tpu.memory_space<vmem>> -> memref<8x128xf32, #tpu.memory_space<vmem>>
    %dma_wait3A_500 = arith.constant 0 : i32
    %dma_wait3A_501 = arith.constant 0 : i32
    %dma_wait3A_502 = tpu.memref_slice %arg5[%dma_wait3A_500, %dma_wait3A_501] : memref<16384x256xf32, #tpu.memory_space<hbm>> -> memref<8x128xf32, #tpu.memory_space<hbm>>
    %dma_wait3A_503 = arith.constant 0 : i32
    %dma_wait3A_504 = arith.constant 0 : i32
    %dma_wait3A_505 = tpu.memref_slice %arg5[%dma_wait3A_503, %dma_wait3A_504] : memref<16384x256xf32, #tpu.memory_space<hbm>> -> memref<8x128xf32, #tpu.memory_space<hbm>>
    %dma_wait3A_506 = arith.constant 0 : i32
    %dma_wait3A_507 = arith.constant 0 : i32
    %dma_wait3A_508 = tpu.memref_slice %arg10[%dma_wait3A_493, %dma_wait3A_494, %dma_wait3A_495, %dma_wait3A_506, %dma_wait3A_507] : memref<2x8x2x8x128xf32, #tpu.memory_space<vmem>> -> memref<1x1x1x8x128xf32, #tpu.memory_space<vmem>>
    %dma_wait3A_509 = tpu.memref_squeeze %dma_wait3A_508 : memref<1x1x1x8x128xf32, #tpu.memory_space<vmem>> -> memref<8x128xf32, #tpu.memory_space<vmem>>
    tpu.wait_dma2 semaphore(%arg13 : memref<!tpu.dma_semaphore, #tpu.memory_space<semaphore_mem>>) src(%dma_wait3A_509 : memref<8x128xf32, #tpu.memory_space<vmem>>) dst(%dma_wait3A_505 : memref<8x128xf32, #tpu.memory_space<hbm>>)
    %dma_wait3A_510 = arith.constant 1 : i32
    %dma_wait3A_511 = arith.constant 0 : i32
    %dma_wait3A_512 = arith.constant 0 : i32
    %dma_wait3A_513 = arith.constant 0 : i32
    %dma_wait3A_514 = arith.constant 0 : i32
    %dma_wait3A_515 = tpu.memref_slice %arg10[%dma_wait3A_510, %dma_wait3A_511, %dma_wait3A_512, %dma_wait3A_513, %dma_wait3A_514] : memref<2x8x2x8x128xf32, #tpu.memory_space<vmem>> -> memref<1x1x1x8x128xf32, #tpu.memory_space<vmem>>
    %dma_wait3A_516 = tpu.memref_squeeze %dma_wait3A_515 : memref<1x1x1x8x128xf32, #tpu.memory_space<vmem>> -> memref<8x128xf32, #tpu.memory_space<vmem>>
    %dma_wait3A_517 = arith.constant 0 : i32
    %dma_wait3A_518 = arith.constant 0 : i32
    %dma_wait3A_519 = tpu.memref_slice %arg5[%dma_wait3A_517, %dma_wait3A_518] : memref<16384x256xf32, #tpu.memory_space<hbm>> -> memref<8x128xf32, #tpu.memory_space<hbm>>
    %dma_wait3A_520 = arith.constant 0 : i32
    %dma_wait3A_521 = arith.constant 0 : i32
    %dma_wait3A_522 = tpu.memref_slice %arg5[%dma_wait3A_520, %dma_wait3A_521] : memref<16384x256xf32, #tpu.memory_space<hbm>> -> memref<8x128xf32, #tpu.memory_space<hbm>>
    %dma_wait3A_523 = arith.constant 0 : i32
    %dma_wait3A_524 = arith.constant 0 : i32
    %dma_wait3A_525 = tpu.memref_slice %arg10[%dma_wait3A_510, %dma_wait3A_511, %dma_wait3A_512, %dma_wait3A_523, %dma_wait3A_524] : memref<2x8x2x8x128xf32, #tpu.memory_space<vmem>> -> memref<1x1x1x8x128xf32, #tpu.memory_space<vmem>>
    %dma_wait3A_526 = tpu.memref_squeeze %dma_wait3A_525 : memref<1x1x1x8x128xf32, #tpu.memory_space<vmem>> -> memref<8x128xf32, #tpu.memory_space<vmem>>
    tpu.wait_dma2 semaphore(%arg13 : memref<!tpu.dma_semaphore, #tpu.memory_space<semaphore_mem>>) src(%dma_wait3A_526 : memref<8x128xf32, #tpu.memory_space<vmem>>) dst(%dma_wait3A_522 : memref<8x128xf32, #tpu.memory_space<hbm>>)
    %dma_wait3A_527 = arith.constant 1 : i32
    %dma_wait3A_528 = arith.constant 0 : i32
    %dma_wait3A_529 = arith.constant 0 : i32
    %dma_wait3A_530 = arith.constant 0 : i32
    %dma_wait3A_531 = arith.constant 0 : i32
    %dma_wait3A_532 = tpu.memref_slice %arg10[%dma_wait3A_527, %dma_wait3A_528, %dma_wait3A_529, %dma_wait3A_530, %dma_wait3A_531] : memref<2x8x2x8x128xf32, #tpu.memory_space<vmem>> -> memref<1x1x1x8x128xf32, #tpu.memory_space<vmem>>
    %dma_wait3A_533 = tpu.memref_squeeze %dma_wait3A_532 : memref<1x1x1x8x128xf32, #tpu.memory_space<vmem>> -> memref<8x128xf32, #tpu.memory_space<vmem>>
    %dma_wait3A_534 = arith.constant 0 : i32
    %dma_wait3A_535 = arith.constant 0 : i32
    %dma_wait3A_536 = tpu.memref_slice %arg5[%dma_wait3A_534, %dma_wait3A_535] : memref<16384x256xf32, #tpu.memory_space<hbm>> -> memref<8x128xf32, #tpu.memory_space<hbm>>
    %dma_wait3A_537 = arith.constant 0 : i32
    %dma_wait3A_538 = arith.constant 0 : i32
    %dma_wait3A_539 = tpu.memref_slice %arg5[%dma_wait3A_537, %dma_wait3A_538] : memref<16384x256xf32, #tpu.memory_space<hbm>> -> memref<8x128xf32, #tpu.memory_space<hbm>>
    %dma_wait3A_540 = arith.constant 0 : i32
    %dma_wait3A_541 = arith.constant 0 : i32
    %dma_wait3A_542 = tpu.memref_slice %arg10[%dma_wait3A_527, %dma_wait3A_528, %dma_wait3A_529, %dma_wait3A_540, %dma_wait3A_541] : memref<2x8x2x8x128xf32, #tpu.memory_space<vmem>> -> memref<1x1x1x8x128xf32, #tpu.memory_space<vmem>>
    %dma_wait3A_543 = tpu.memref_squeeze %dma_wait3A_542 : memref<1x1x1x8x128xf32, #tpu.memory_space<vmem>> -> memref<8x128xf32, #tpu.memory_space<vmem>>
    tpu.wait_dma2 semaphore(%arg13 : memref<!tpu.dma_semaphore, #tpu.memory_space<semaphore_mem>>) src(%dma_wait3A_543 : memref<8x128xf32, #tpu.memory_space<vmem>>) dst(%dma_wait3A_539 : memref<8x128xf32, #tpu.memory_space<hbm>>)
    %dma_wait3A_544 = arith.constant 1 : i32
    %dma_wait3A_545 = arith.constant 0 : i32
    %dma_wait3A_546 = arith.constant 0 : i32
    %dma_wait3A_547 = arith.constant 0 : i32
    %dma_wait3A_548 = arith.constant 0 : i32
    %dma_wait3A_549 = tpu.memref_slice %arg10[%dma_wait3A_544, %dma_wait3A_545, %dma_wait3A_546, %dma_wait3A_547, %dma_wait3A_548] : memref<2x8x2x8x128xf32, #tpu.memory_space<vmem>> -> memref<1x1x1x8x128xf32, #tpu.memory_space<vmem>>
    %dma_wait3A_550 = tpu.memref_squeeze %dma_wait3A_549 : memref<1x1x1x8x128xf32, #tpu.memory_space<vmem>> -> memref<8x128xf32, #tpu.memory_space<vmem>>
    %dma_wait3A_551 = arith.constant 0 : i32
    %dma_wait3A_552 = arith.constant 0 : i32
    %dma_wait3A_553 = tpu.memref_slice %arg5[%dma_wait3A_551, %dma_wait3A_552] : memref<16384x256xf32, #tpu.memory_space<hbm>> -> memref<8x128xf32, #tpu.memory_space<hbm>>
    %dma_wait3A_554 = arith.constant 0 : i32
    %dma_wait3A_555 = arith.constant 0 : i32
    %dma_wait3A_556 = tpu.memref_slice %arg5[%dma_wait3A_554, %dma_wait3A_555] : memref<16384x256xf32, #tpu.memory_space<hbm>> -> memref<8x128xf32, #tpu.memory_space<hbm>>
    %dma_wait3A_557 = arith.constant 0 : i32
    %dma_wait3A_558 = arith.constant 0 : i32
    %dma_wait3A_559 = tpu.memref_slice %arg10[%dma_wait3A_544, %dma_wait3A_545, %dma_wait3A_546, %dma_wait3A_557, %dma_wait3A_558] : memref<2x8x2x8x128xf32, #tpu.memory_space<vmem>> -> memref<1x1x1x8x128xf32, #tpu.memory_space<vmem>>
    %dma_wait3A_560 = tpu.memref_squeeze %dma_wait3A_559 : memref<1x1x1x8x128xf32, #tpu.memory_space<vmem>> -> memref<8x128xf32, #tpu.memory_space<vmem>>
    tpu.wait_dma2 semaphore(%arg13 : memref<!tpu.dma_semaphore, #tpu.memory_space<semaphore_mem>>) src(%dma_wait3A_560 : memref<8x128xf32, #tpu.memory_space<vmem>>) dst(%dma_wait3A_556 : memref<8x128xf32, #tpu.memory_space<hbm>>)
    %dma_wait3A_561 = arith.constant 1 : i32
    %dma_wait3A_562 = arith.constant 0 : i32
    %dma_wait3A_563 = arith.constant 0 : i32
    %dma_wait3A_564 = arith.constant 0 : i32
    %dma_wait3A_565 = arith.constant 0 : i32
    %dma_wait3A_566 = tpu.memref_slice %arg10[%dma_wait3A_561, %dma_wait3A_562, %dma_wait3A_563, %dma_wait3A_564, %dma_wait3A_565] : memref<2x8x2x8x128xf32, #tpu.memory_space<vmem>> -> memref<1x1x1x8x128xf32, #tpu.memory_space<vmem>>
    %dma_wait3A_567 = tpu.memref_squeeze %dma_wait3A_566 : memref<1x1x1x8x128xf32, #tpu.memory_space<vmem>> -> memref<8x128xf32, #tpu.memory_space<vmem>>
    %dma_wait3A_568 = arith.constant 0 : i32
    %dma_wait3A_569 = arith.constant 0 : i32
    %dma_wait3A_570 = tpu.memref_slice %arg5[%dma_wait3A_568, %dma_wait3A_569] : memref<16384x256xf32, #tpu.memory_space<hbm>> -> memref<8x128xf32, #tpu.memory_space<hbm>>
    %dma_wait3A_571 = arith.constant 0 : i32
    %dma_wait3A_572 = arith.constant 0 : i32
    %dma_wait3A_573 = tpu.memref_slice %arg5[%dma_wait3A_571, %dma_wait3A_572] : memref<16384x256xf32, #tpu.memory_space<hbm>> -> memref<8x128xf32, #tpu.memory_space<hbm>>
    %dma_wait3A_574 = arith.constant 0 : i32
    %dma_wait3A_575 = arith.constant 0 : i32
    %dma_wait3A_576 = tpu.memref_slice %arg10[%dma_wait3A_561, %dma_wait3A_562, %dma_wait3A_563, %dma_wait3A_574, %dma_wait3A_575] : memref<2x8x2x8x128xf32, #tpu.memory_space<vmem>> -> memref<1x1x1x8x128xf32, #tpu.memory_space<vmem>>
    %dma_wait3A_577 = tpu.memref_squeeze %dma_wait3A_576 : memref<1x1x1x8x128xf32, #tpu.memory_space<vmem>> -> memref<8x128xf32, #tpu.memory_space<vmem>>
    tpu.wait_dma2 semaphore(%arg13 : memref<!tpu.dma_semaphore, #tpu.memory_space<semaphore_mem>>) src(%dma_wait3A_577 : memref<8x128xf32, #tpu.memory_space<vmem>>) dst(%dma_wait3A_573 : memref<8x128xf32, #tpu.memory_space<hbm>>)
    %dma_wait3A_578 = arith.constant 1 : i32
    %dma_wait3A_579 = arith.constant 0 : i32
    %dma_wait3A_580 = arith.constant 0 : i32
    %dma_wait3A_581 = arith.constant 0 : i32
    %dma_wait3A_582 = arith.constant 0 : i32
    %dma_wait3A_583 = tpu.memref_slice %arg10[%dma_wait3A_578, %dma_wait3A_579, %dma_wait3A_580, %dma_wait3A_581, %dma_wait3A_582] : memref<2x8x2x8x128xf32, #tpu.memory_space<vmem>> -> memref<1x1x1x8x128xf32, #tpu.memory_space<vmem>>
    %dma_wait3A_584 = tpu.memref_squeeze %dma_wait3A_583 : memref<1x1x1x8x128xf32, #tpu.memory_space<vmem>> -> memref<8x128xf32, #tpu.memory_space<vmem>>
    %dma_wait3A_585 = arith.constant 0 : i32
    %dma_wait3A_586 = arith.constant 0 : i32
    %dma_wait3A_587 = tpu.memref_slice %arg5[%dma_wait3A_585, %dma_wait3A_586] : memref<16384x256xf32, #tpu.memory_space<hbm>> -> memref<8x128xf32, #tpu.memory_space<hbm>>
    %dma_wait3A_588 = arith.constant 0 : i32
    %dma_wait3A_589 = arith.constant 0 : i32
    %dma_wait3A_590 = tpu.memref_slice %arg5[%dma_wait3A_588, %dma_wait3A_589] : memref<16384x256xf32, #tpu.memory_space<hbm>> -> memref<8x128xf32, #tpu.memory_space<hbm>>
    %dma_wait3A_591 = arith.constant 0 : i32
    %dma_wait3A_592 = arith.constant 0 : i32
    %dma_wait3A_593 = tpu.memref_slice %arg10[%dma_wait3A_578, %dma_wait3A_579, %dma_wait3A_580, %dma_wait3A_591, %dma_wait3A_592] : memref<2x8x2x8x128xf32, #tpu.memory_space<vmem>> -> memref<1x1x1x8x128xf32, #tpu.memory_space<vmem>>
    %dma_wait3A_594 = tpu.memref_squeeze %dma_wait3A_593 : memref<1x1x1x8x128xf32, #tpu.memory_space<vmem>> -> memref<8x128xf32, #tpu.memory_space<vmem>>
    tpu.wait_dma2 semaphore(%arg13 : memref<!tpu.dma_semaphore, #tpu.memory_space<semaphore_mem>>) src(%dma_wait3A_594 : memref<8x128xf32, #tpu.memory_space<vmem>>) dst(%dma_wait3A_590 : memref<8x128xf32, #tpu.memory_space<hbm>>)
    return
  }
}

</mosaic_0001>

<sc_bundles>
// kernel: kernel.3.cloned.1.call-start
scs
__scs_entry_jumppad:
0x0: {  	(pc) =	sbr.rel $0x88, $3  }
0x1: {  	(tag) =	ssettag $0x0;
	lr =	simm.s32 $0x1  }
0x2: {  	[smem:$0x3F9E] =	sst lr;
	_ =	strace $0xD0000000  }
0x3: {  	_ = 	snop  }
0x4: {  	_ = 	snop  }
0x5: {  	_ = 	snop  }
0x6: {  	_ = 	snop  }
0x7: {  	_ = 	snop  }
__scs_overlays_trampoline_lowered:
0x8: {  	[smem:$0x3FAD] =	sst s0  }
0x9: {  	[smem:$0x3FAE] =	sst s1  }
0xa: {  	[smem:$0x3FAF] =	sst s2  }
0xb: {  	[smem:$0x3FB0] =	sst s3  }
0xc: {  	[smem:$0x3FB1] =	sst s4  }
0xd: {  	[smem:$0x3FB2] =	sst s5  }
0xe: {  	[smem:$0x3FB3] =	sst s6  }
0xf: {  	[smem:$0x3FB4] =	sst s7  }
0x10: {  	[smem:$0x3FB5] =	sst s8  }
0x11: {  	[smem:$0x3FB6] =	sst s9;
	s0 =	simm.s32 @!p0 $0x0  }
0x12: {  	s1 =	sld [smem:$0x3F9C];
	s0 =	simm.s32 @p0 $0x1  }
0x13: {  	[smem:$0x3FB7] =	sst s0;
	s0 =	simm.s32 @!p1 $0x0  }
0x14: {  	s2 =	sld [smem:$0x3F9B];
	s0 =	simm.s32 @p1 $0x1  }
0x15: {  	[smem:$0x3FB8] =	sst s0;
	s0 =	simm.s32 @!p2 $0x0  }
0x16: {  	s3 =	sld [smem:$0x3FDB];
	s0 =	simm.s32 @p2 $0x1  }
0x17: {  	s4 =	simm.s32 $0x1BF5;
	[smem:$0x3FBA] =	sst s0  }
0x18: {  	s0 =	sld [smem:$0x3F9D];
	_ =	swait.ge [sflag:s4], $0x0  }
0x19: {  	s7 =	sld [smem:$0x3F9E]  }
0x1a: {  	s8 =	sadd.s32 $0xFFFFE003, lr  }
0x1b: {  	s9 =	sadd.s32 $0xFFFFFEF7, lr;
	s5 =	simm.s32 $0xFFFFFFFF;
	p2 =	slt.u32 s8, $0xFFFFF086  }
0x1c: {  	p1 =	slt.u32 s9, $0xF7A;
	s5 =	simm.s32 @!p2 $0x0  }
0x1d: {  	s5 =	simm.s32 @p1 $0x1;
	p0 =	seq.s32 s7, s2  }
0x1e: {  	s7 =	smul.u32 @!p0 $0xF7A, s2;
	p2 =	seq.s32 @!p0 s5, $0x0  }
0x1f: {  	s9 =	smul.u32 $0xF7A, s1;
	s8 =	simm.s32 @!p0 $0x1BF5;
	p2 =	por !p2, p0  }
0x20: {  	[sflag:s8] =	ssyncset.s32 @!p0 $0xFFFFF086;
	s6 =	sadd.s32 @!p0 s3, s7;
	s7 =	simm.s32 @!p0 $0x108  }
0x21: {  	s3 =	sadd.s32 s3, s9;
	s6 =	sadd.s32 @!p0 $0x88, s6;
	s7 =	simm.s32 @p2 $0x1082  }
0x22: {  	[simem:s7], [sflag:s8] =	dma.local @!p0 [hbm:s6], $0xF7A  }
0x23: {  	s9 =	sor.u32 $0xD0000000, s2;
	s6 =	simm.s32 $0x108;
	_ =	swait.ge @!p0 [sflag:s8], $0x0  }
0x24: {  	s3 =	sadd.s32 $0x88, s3;
	s6 =	simm.s32 @!p1 $0x1082;
	[sflag:s4] =	ssyncset.s32 $0xFFFFF086  }
0x25: {  	[simem:s6], [sflag:s4] =	dma.local [hbm:s3], $0xF7A  }
0x26: {  	[smem:$0x3F9E] =	sst s1;
	(tag) =	ssettag s2;
	_ =	strace s9  }
0x27: {  	s1 =	sld [smem:$0x3FAE]  }
0x28: {  	s2 =	sld [smem:$0x3FAF]  }
0x29: {  	s4 =	sld [smem:$0x3FB1]  }
0x2a: {  	p0 =	seq.s32 s5, $0x0;
	s5 =	sld [smem:$0x3FB2]  }
0x2b: {  	s6 =	sld [smem:$0x3FB3]  }
0x2c: {  	s7 =	sld [smem:$0x3FB4]  }
0x2d: {  	s3 =	simm.s32 $0x108;
	s8 =	sld [smem:$0x3FB5]  }
0x2e: {  	s3 =	simm.s32 @!p0 $0x1082;
	s9 =	sld [smem:$0x3FB6]  }
0x2f: {  	lr =	sadd.s32 s0, s3;
	s0 =	sld [smem:$0x3FAD]  }
0x30: {  	s3 =	sld [smem:$0x3FB0]  }
0x31: {  	[smem:$0x3FB9] =	sst s10  }
0x32: {  	s10 =	sld [smem:$0x3FB7];
	_ =	sdelay $0x3  }
0x33: {  	p0 =	seq.s32 s10, $0x1;
	s10 =	sld [smem:$0x3FB9];
	_ =	sdelay $0x3  }
0x34: {  	[smem:$0x3FB9] =	sst s10  }
0x35: {  	s10 =	sld [smem:$0x3FB8];
	_ =	sdelay $0x3  }
0x36: {  	p1 =	seq.s32 s10, $0x1;
	s10 =	sld [smem:$0x3FB9];
	_ =	sdelay $0x3  }
0x37: {  	[smem:$0x3FB9] =	sst s10  }
0x38: {  	s10 =	sld [smem:$0x3FBA]  }
0x39: {  	_ = 	snop;
	(pc) =	sbr.ind lr, $3  }
0x3a: {  	_ = 	snop  }
0x3b: {  	_ = 	snop  }
0x3c: {  	p2 =	seq.s32 s10, $0x1;
	s10 =	sld [smem:$0x3FB9]  }
0x3d: {  	_ =	shalt  }
0x3e: {  	_ =	shalt  }
0x3f: {  	_ =	shalt  }
0x40: {  	_ =	shalt  }
0x41: {  	_ =	shalt  }
0x42: {  	_ =	shalt  }
0x43: {  	_ =	shalt  }
0x44: {  	_ =	shalt  }
0x45: {  	_ =	shalt  }
0x46: {  	_ =	shalt  }
0x47: {  	_ =	shalt  }
0x48: {  	_ =	shalt  }
0x49: {  	_ =	shalt  }
0x4a: {  	_ =	shalt  }
0x4b: {  	_ =	shalt  }
0x4c: {  	_ =	shalt  }
0x4d: {  	_ =	shalt  }
0x4e: {  	_ =	shalt  }
0x4f: {  	_ =	shalt  }
0x50: {  	_ =	shalt  }
0x51: {  	_ =	shalt  }
0x52: {  	_ =	shalt  }
0x53: {  	_ =	shalt  }
0x54: {  	_ =	shalt  }
0x55: {  	_ =	shalt  }
0x56: {  	_ =	shalt  }
0x57: {  	_ =	shalt  }
0x58: {  	_ =	shalt  }
0x59: {  	_ =	shalt  }
0x5a: {  	_ =	shalt  }
0x5b: {  	_ =	shalt  }
0x5c: {  	_ =	shalt  }
0x5d: {  	_ =	shalt  }
0x5e: {  	_ =	shalt  }
0x5f: {  	_ =	shalt  }
0x60: {  	_ =	shalt  }
0x61: {  	_ =	shalt  }
0x62: {  	_ =	shalt  }
0x63: {  	_ =	shalt  }
0x64: {  	_ =	shalt  }
0x65: {  	_ =	shalt  }
0x66: {  	_ =	shalt  }
0x67: {  	_ =	shalt  }
0x68: {  	_ =	shalt  }
0x69: {  	_ =	shalt  }
0x6a: {  	_ =	shalt  }
0x6b: {  	_ =	shalt  }
0x6c: {  	_ =	shalt  }
0x6d: {  	_ =	shalt  }
0x6e: {  	_ =	shalt  }
0x6f: {  	_ =	shalt  }
0x70: {  	_ =	shalt  }
0x71: {  	_ =	shalt  }
0x72: {  	_ =	shalt  }
0x73: {  	_ =	shalt  }
0x74: {  	_ =	shalt  }
0x75: {  	_ =	shalt  }
0x76: {  	_ =	shalt  }
0x77: {  	_ =	shalt  }
0x78: {  	_ =	shalt  }
0x79: {  	_ =	shalt  }
0x7a: {  	_ =	shalt  }
0x7b: {  	_ =	shalt  }
0x7c: {  	_ =	shalt  }
0x7d: {  	_ =	shalt  }
0x7e: {  	_ =	shalt  }
0x7f: {  	_ =	shalt  }
0x80: {  	_ =	shalt  }
0x81: {  	_ =	shalt  }
0x82: {  	_ =	shalt  }
0x83: {  	_ =	shalt  }
0x84: {  	_ =	shalt  }
0x85: {  	_ =	shalt  }
0x86: {  	_ =	shalt  }
0x87: {  	_ =	shalt  }
.Lfunc_end0:
.L_simem_size_0:
called_computation_lowered:
.L_overlay_start_0:
0x88: {  	s2 =	sld [smem:$0x3FD9]  }
0x89: {  	s3 =	sld [smem:$0x3FFE];
	_ =	sdelay $0x1  }
0x8a: {  	s1 =	srdreg.scid  }
0x8b: {  	s0 =	sand.u32 $0x1, s1  }
0x8c: {  	s17 =	sshll.u32 s0, $0xA;
	s2 =	sadd.s32 s3, s2  }
0x8d: {  	s2 =	sadd.s32 s2, s17  }
0x8e: {  	[smem:$0x3FC5] =	sst s2  }
0x8f: {  	_ = 	snop  }
0x90: {  	s2 =	sld [smem:$0x3FC8]  }
0x91: {  	s18 =	sld [smem:$0x3FD0];
	(tm) =	ssettm $0x1  }
0x92: {  	s4 =	sld [smem:$0x3FFB];
	_ =	sdelay $0x3  }
0x93: {  	_ =	strace s4  }
0x94: {  	s4 =	sld [smem:$0x3FFC];
	_ =	sdelay $0x3  }
0x95: {  	_ =	strace s4  }
0x96: {  	s4 =	sld [smem:$0x3FFD];
	_ =	sdelay $0x3  }
0x97: {  	_ =	strace s4  }
0x98: {  	_ =	strace $0x8FFFFFFF  }
0x99: {  	s19 =	sld [smem:$0x3FDB];
	_ =	sdelay $0x1  }
0x9a: {  	s5 =	simm.s32 $_scs_section_size  }
0x9b: {  	s6 =	simm.s32 $_size__tile_overlayer_lowered;
	s7 =	simm.s32 $_tile_overlayer_lowered  }
0x9c: {  	s22 =	simm.s32 $0x1BFF;
	s21 =	sshll.u32 s7, $0x1;
	s4 =	sadd.s32 s5, s19  }
0x9d: {  	s8 =	simm.s32 $0x0;
	s20 =	sshll.u32 s6, $0x1;
	s6 =	sadd.s32 s21, s4  }
0x9e: {  	[timem:s8], [sflag:s22] =	dma.local [hbm:s6], s20  }
0x9f: {  	_ =	swait.ge [sflag:s22], s20  }
0xa0: {  	s5 =	ssub.s32 $0x0, s20;
	[sflag:s22] =	ssyncset.done $0x0  }
0xa1: {  	[sflag:s22] =	ssyncadd.s32 s5;
	_ =	sdelay $0x1  }
0xa2: {  	s23 =	simm.s32 $0x1B8B  }
0xa3: {  	_ =	swait.ge [sflag:s23], $0x1  }
0xa4: {  	[sflag:s23] =	ssyncset.done $0x0  }
0xa5: {  	s25 =	simm.s32 $0x1B8E;
	s24 =	sld [smem:$0x3FFE];
	[sflag:s23] =	ssyncadd.s32 $0xFFFFFFFF  }
0xa6: {  	s26 =	simm.s32 $execute0_lowered;
	[smem:$0x3FD2] =	sst s25  }
0xa7: {  	s6 =	sshll.u32 s26, $0x1;
	_ =	strace $0x80000046;
	[dreg:$0x1] =	wrdreg $0xFFFFFFFF  }
0xa8: {  	s28 =	simm.s32 $_size_execute0_lowered;
	s4 =	sadd.s32 s4, s6;
	[dreg:$0x0] =	wrdreg $0x0  }
0xa9: {  	s6 =	sshll.u32 s28, $0x1;
	[dreg:$0x2] =	wrdreg s4  }
0xaa: {  	[dreg:$0x3] =	wrdreg s6  }
0xab: {  	[dreg:$0x4] =	wrdreg $0xC0  }
0xac: {  	_ =	task [dreg:s8], $0x5FFFF  }
0xad: {  	[dreg:$0x1] =	wrdreg $0xFFFFFFFF  }
0xae: {  	[dreg:$0x0] =	wrdreg $0x60  }
0xaf: {  	[dreg:$0x2] =	wrdreg s18  }
0xb0: {  	[dreg:$0x3] =	wrdreg s2  }
0xb1: {  	[dreg:$0x4] =	wrdreg s24  }
0xb2: {  	[dreg:$0x5] =	wrdreg $0x9  }
0xb3: {  	_ =	task.clear_ibuf [dreg:s8], $0x6FFFF;
	_ =	strace $0x90000046  }
0xb4: {  	s29 =	simm.s32 $0x9;
	_ =	strace $0x80000048  }
0xb5: {  	_ =	swait.ge [sflag:s29], $0x1  }
0xb6: {  	[sflag:s29] =	ssyncadd.s32 $0xFFFFFFFF  }
0xb7: {  	_ =	strace $0x90000048  }
0xb8: {  	_ =	sfence  }
0xb9: {  	s30 =	sld [smem:$0x0];
	_ =	sdelay $0x2  }
0xba: {  	s31 =	sshll.u32 s1, $0xD;
	s1 =	sshrl.u32 s1, $0x2  }
0xbb: {  	s3 =	sand.u32 $0x4000, s31;
	s1 =	sadd.s32 s1, s30  }
0xbc: {  	s0 =	sor.u32 s3, s0;
	s1 =	sshll.u32 s1, $0x11  }
0xbd: {  	s0 =	sor.u32 s1, s0  }
0xbe: {  	s0 =	sadd.s32 $0x8F2B, s0  }
0xbf: {  	[sflag:s0] =	ssyncadd.remote.s32 $0x1  }
0xc0: {  	_ =	sfence.sel $0xFFFF  }
0xc1: {  	[dreg:$0x0] =	wrdreg $0xFFFFFFFF;
	(pc) =	sbr.abs _section_cstart, $3  }
0xc2: {  	[dreg:$0x1] =	wrdreg $0xFFFFFFFF  }
0xc3: {  	_ =	task.clear_ibuf [dreg:s8], $0x2FFFF;
	_ =	strace $0x9FFFFFFF  }
0xc4: {  	(tm) =	ssettm $0x7FFFFFFF  }
0xc5: {  	_ =	shalt  }
tec
execute0_lowered:
.L_overlay_start_1:
0x0: {  	(tag) =	ssettag $0x1  }
0x1: {  	s10 =	rddreg [dreg:$0x0]  }
0x2: {  	s0 =	rddreg [dreg:$0x1]  }
0x3: {  	s1 =	rddreg [dreg:$0x2]  }
0x4: {  	s2 =	srdreg.scid;
	s4 =	stileid.u32;
	s3 =	simm.s32 $0x0  }
0x5: {  	s29 =	simm.s32 $0x1;
	s2 =	sand.u32 $0x1, s2;
	s4 =	sshll.u32 s4, $0x1  }
0x6: {  	[smem:$0x7FF] =	sst s3;
	s7 =	sadd.s32 $0x600, s1;
	s30 =	sadd.s32 $0x680, s1  }
0x7: {  	s12 =	sadd.s32 $0x700, s1;
	s13 =	sadd.s32 $0x780, s1;
	s14 =	sadd.s32 $0x800, s1  }
0x8: {  	s15 =	sadd.s32 $0x880, s1;
	s16 =	sadd.s32 $0x900, s1;
	s17 =	sadd.s32 $0x980, s1  }
0x9: {  	s18 =	sadd.s32 $0xA00, s1;
	s19 =	sadd.s32 $0xA80, s1;
	s20 =	sadd.s32 $0xB00, s1  }
0xa: {  	s21 =	sadd.s32 $0xB80, s1;
	s5 =	sor.u32 s2, s4;
	_ =	strace $0x80000047  }
0xb: {  	s2 =	ssub.s32 $0x2, s2;
	s4 =	sadd.s32 $0xF42A00, s1;
	[dreg:$0x4] =	wrdreg s7  }
0xc: {  	[dreg:$0xa] =	wrdreg s30;
	s6 =	smul.u32 $0x19000, s5;
	s22 =	sshrl.u32 s2, $0x1  }
0xd: {  	s23 =	smul.u32 $0x3200, s5;
	s8 =	sshll.u32 s5, $0x9;
	s9 =	sshll.u32 s5, $0x6  }
0xe: {  	s28 =	sshll.u32 s5, $0xE;
	s2 =	ssub.s32 s2, s22;
	s0 =	sadd.s32 s0, s9  }
0xf: {  	s26 =	sor.u32 $0x80, s8;
	[dreg:$0x9] =	wrdreg s28;
	s22 =	sadd.s32 $0xC00, s1  }
0x10: {  	s6 =	sshrl.u32 s6, $0x3;
	[dreg:$0x5] =	wrdreg s0;
	s24 =	sadd.s32 s10, s23  }
0x11: {  	v0 =	vlaneseq.u32;
	[dreg:$0x8] =	wrdreg s26;
	s23 =	sadd.s32 $0xC80, s1;
	s31 =	smax.u32 s2, $0x1  }
0x12: {  	v0 =	vmul.u32 $0xFFFFFFFF, v0;
	s0 =	simm.s32 $0x3;
	s6 =	sadd.s32 s10, s6;
	[dreg:$0x6] =	wrdreg s24  }
0x13: {  	s2 =	simm.s32 $0x0;
	[dreg:$0xb] =	wrdreg s31;
	s25 =	sadd.s32 $0x640, s6  }
0x14: {  	vm0 =	vmmov $0xff;
	v0 =	vadd.s32 $0xF, v0;
	s24 =	sadd.s32 $0xD00, s1;
	[dreg:$0x7] =	wrdreg s25;
	s25 =	sadd.s32 $0xD80, s1  }
.LBB2_1:
0x15: {  	[dreg:$0xc] =	wrdreg s2  }
0x16: {  	s1 =	rddreg [dreg:$0x5];
	s26 =	simm.s32 $0x4  }
0x17: {  	[tilespmem:s3], [sflag:$0x4] =	stream.linear.gather [hbm4b:s1+s3], $0x200, $0x38;
	[tilespmem:$0x1B000] =	vst v63  }
0x18: {  	_ =	swait.ge [sflag:s26], $0x200  }
0x19: {  	s30 =	simm.s32 $0x280;
	[sflag:s26] =	ssyncset.done $0x0  }
0x1a: {  	s31 =	simm.s32 $0x2;
	s28 =	rddreg [dreg:$0x6];
	[sflag:s26] =	ssyncadd.s32 $0xFFFFFE00  }
0x1b: {  	[tilespmem:s30], [sflag:$0x2] =	stream.linear.gather [hbm4b:s28+s3], $0x3200, $0x38;
	[tilespmem:$0x1B000] =	vst v63  }
0x1c: {  	_ =	swait.ge [sflag:s31], $0x3200  }
0x1d: {  	[sflag:s31] =	ssyncset.done $0x0  }
0x1e: {  	[sflag:s31] =	ssyncadd.s32 $0xFFFFCE00  }
0x1f: {  	v1 =	vld [tilespmem:s3+$0x0];
	_ =	sdelay $0x4  }
0x20: {  	(v2sf) =	vpush v1, $0x0;
	_ =	sdelay $0xb  }
0x21: {  	s1 =	simm.s32 $0x2E0  }
0x22: {  	v1 =	vld [tilespmem:s1+$0xFFFFFFA0];
	_ =	sdelay $0x1  }
0x23: {  	s2 =	spop (v2sf)  }
0x24: {  	p0 =	sgt.s32 s2, $0x0  }
0x25: {  	s2 =	simm.s32 @!p0 $0x0  }
0x26: {  	v1 =	vshll.u32 v1, $0x7;
	s6 =	smin.u32 s2, $0x4  }
0x27: {  	s2 =	simm.s32 $0x6760;
	v1 =	vor.u32 s6, v1  }
0x28: {  	[tilespmem:s2+$0xFFFFFFA0] =	vst v1  }
0x29: {  	v1 =	vld [tilespmem:s1+$0xFFFFFFB0];
	_ =	sdelay $0x4  }
0x2a: {  	v1 =	vshll.u32 v1, $0x7  }
0x2b: {  	v1 =	vor.u32 s6, v1  }
0x2c: {  	[tilespmem:s2+$0xFFFFFFB0] =	vst v1  }
0x2d: {  	v1 =	vld [tilespmem:s1+$0xFFFFFFC0];
	_ =	sdelay $0x4  }
0x2e: {  	v1 =	vshll.u32 v1, $0x7  }
0x2f: {  	v1 =	vor.u32 s6, v1  }
0x30: {  	[tilespmem:s2+$0xFFFFFFC0] =	vst v1  }
0x31: {  	v1 =	vld [tilespmem:s1+$0xFFFFFFD0];
	_ =	sdelay $0x4  }
0x32: {  	v1 =	vshll.u32 v1, $0x7  }
0x33: {  	v1 =	vor.u32 s6, v1  }
0x34: {  	[tilespmem:s2+$0xFFFFFFD0] =	vst v1  }
0x35: {  	v1 =	vld [tilespmem:s1+$0xFFFFFFE0];
	_ =	sdelay $0x4  }
0x36: {  	v1 =	vshll.u32 v1, $0x7  }
0x37: {  	v1 =	vor.u32 s6, v1  }
0x38: {  	[tilespmem:s2+$0xFFFFFFE0] =	vst v1  }
0x39: {  	v1 =	vld [tilespmem:s1+$0xFFFFFFF0];
	_ =	sdelay $0x4  }
0x3a: {  	v1 =	vshll.u32 v1, $0x7  }
0x3b: {  	v1 =	vor.u32 s6, v1  }
0x3c: {  	[tilespmem:s2+$0xFFFFFFF0] =	vst v1  }
0x3d: {  	v1 =	vld [tilespmem:s1+$0x0];
	_ =	sdelay $0x4  }
0x3e: {  	v1 =	vshll.u32 v1, $0x7  }
0x3f: {  	v1 =	vor.u32 s6, v1  }
0x40: {  	[tilespmem:s2+$0x0] =	vst v1  }
0x41: {  	v1 =	vld [tilespmem:s1+$0x10];
	_ =	sdelay $0x4  }
0x42: {  	v1 =	vshll.u32 v1, $0x7  }
0x43: {  	v1 =	vor.u32 s6, v1  }
0x44: {  	s5 =	sand.u32 $0x3FF8, s3;
	[tilespmem:s2+$0x10] =	vst v1  }
0x45: {  	v1 =	vld [tilespmem:s5+$0x300];
	_ =	sdelay $0x4  }
0x46: {  	v1 =	vshll.u32 v1, $0x7  }
0x47: {  	v1 =	vor.u32 s6, v1  }
0x48: {  	[tilespmem:s5+$0x6780] =	vst v1  }
0x49: {  	v1 =	vld [tilespmem:s1+$0x30];
	_ =	sdelay $0x4  }
0x4a: {  	v1 =	vshll.u32 v1, $0x7  }
0x4b: {  	v1 =	vor.u32 s6, v1  }
0x4c: {  	[tilespmem:s2+$0x30] =	vst v1  }
0x4d: {  	v1 =	vld [tilespmem:s1+$0x40];
	_ =	sdelay $0x4  }
0x4e: {  	v1 =	vshll.u32 v1, $0x7  }
0x4f: {  	v1 =	vor.u32 s6, v1  }
0x50: {  	[tilespmem:s2+$0x40] =	vst v1  }
0x51: {  	v1 =	vld [tilespmem:s1+$0x50];
	_ =	sdelay $0x4  }
0x52: {  	v1 =	vshll.u32 v1, $0x7  }
0x53: {  	v1 =	vor.u32 s6, v1  }
0x54: {  	[tilespmem:s2+$0x50] =	vst v1  }
0x55: {  	v1 =	vld [tilespmem:s1+$0x60];
	_ =	sdelay $0x4  }
0x56: {  	v1 =	vshll.u32 v1, $0x7  }
0x57: {  	s5 =	simm.s32 $0xC8;
	v1 =	vor.u32 s6, v1;
	s6 =	simm.s32 $0x0  }
.LBB2_2:
0x58: {  	[tilespmem:s2+$0x60] =	vst v1;
	s6 =	sadd.s32 $0x1, s6;
	s2 =	sadd.s32 $0xC8, s2;
	s1 =	sadd.s32 $0xC8, s1  }
0x59: {  	p0 =	sne.s32 s5, $0x3138;
	s8 =	smov.u32 s5;
	s5 =	sadd.s32 $0xC8, s5;
	v1 =	vld [tilespmem:s6+$0x0]  }
0x5a: {  	_ =	sdelay $0x3  }
0x5b: {  	(v2sf) =	vpush v1, $0x0;
	_ =	sdelay $0xc  }
0x5c: {  	v1 =	vld [tilespmem:s1+$0xFFFFFFA0];
	_ =	sdelay $0x1  }
0x5d: {  	s7 =	spop (v2sf)  }
0x5e: {  	p1 =	sgt.s32 s7, $0x0  }
0x5f: {  	s7 =	simm.s32 @!p1 $0x0  }
0x60: {  	s7 =	smin.u32 s7, $0x4;
	v1 =	vshll.u32 v1, $0x7  }
0x61: {  	v1 =	vor.u32 s7, v1  }
0x62: {  	[tilespmem:s2+$0xFFFFFFA0] =	vst v1  }
0x63: {  	v1 =	vld [tilespmem:s1+$0xFFFFFFB0];
	_ =	sdelay $0x4  }
0x64: {  	v1 =	vshll.u32 v1, $0x7  }
0x65: {  	v1 =	vor.u32 s7, v1  }
0x66: {  	[tilespmem:s2+$0xFFFFFFB0] =	vst v1  }
0x67: {  	v1 =	vld [tilespmem:s1+$0xFFFFFFC0];
	_ =	sdelay $0x4  }
0x68: {  	v1 =	vshll.u32 v1, $0x7  }
0x69: {  	v1 =	vor.u32 s7, v1  }
0x6a: {  	[tilespmem:s2+$0xFFFFFFC0] =	vst v1  }
0x6b: {  	v1 =	vld [tilespmem:s1+$0xFFFFFFD0];
	_ =	sdelay $0x4  }
0x6c: {  	v1 =	vshll.u32 v1, $0x7  }
0x6d: {  	v1 =	vor.u32 s7, v1  }
0x6e: {  	[tilespmem:s2+$0xFFFFFFD0] =	vst v1  }
0x6f: {  	v1 =	vld [tilespmem:s1+$0xFFFFFFE0];
	_ =	sdelay $0x4  }
0x70: {  	v1 =	vshll.u32 v1, $0x7  }
0x71: {  	v1 =	vor.u32 s7, v1  }
0x72: {  	[tilespmem:s2+$0xFFFFFFE0] =	vst v1  }
0x73: {  	v1 =	vld [tilespmem:s1+$0xFFFFFFF0];
	_ =	sdelay $0x4  }
0x74: {  	v1 =	vshll.u32 v1, $0x7  }
0x75: {  	v1 =	vor.u32 s7, v1  }
0x76: {  	[tilespmem:s2+$0xFFFFFFF0] =	vst v1  }
0x77: {  	v1 =	vld [tilespmem:s1+$0x0];
	_ =	sdelay $0x4  }
0x78: {  	v1 =	vshll.u32 v1, $0x7  }
0x79: {  	v1 =	vor.u32 s7, v1  }
0x7a: {  	[tilespmem:s2+$0x0] =	vst v1  }
0x7b: {  	v1 =	vld [tilespmem:s1+$0x10];
	_ =	sdelay $0x4  }
0x7c: {  	v1 =	vshll.u32 v1, $0x7  }
0x7d: {  	v1 =	vor.u32 s7, v1  }
0x7e: {  	s8 =	sand.u32 $0x3FF8, s8;
	[tilespmem:s2+$0x10] =	vst v1  }
0x7f: {  	v1 =	vld [tilespmem:s8+$0x300];
	_ =	sdelay $0x4  }
0x80: {  	v1 =	vshll.u32 v1, $0x7  }
0x81: {  	v1 =	vor.u32 s7, v1  }
0x82: {  	[tilespmem:s8+$0x6780] =	vst v1  }
0x83: {  	v1 =	vld [tilespmem:s1+$0x30];
	_ =	sdelay $0x4  }
0x84: {  	v1 =	vshll.u32 v1, $0x7  }
0x85: {  	v1 =	vor.u32 s7, v1  }
0x86: {  	[tilespmem:s2+$0x30] =	vst v1  }
0x87: {  	v1 =	vld [tilespmem:s1+$0x40];
	_ =	sdelay $0x4  }
0x88: {  	v1 =	vshll.u32 v1, $0x7  }
0x89: {  	v1 =	vor.u32 s7, v1  }
0x8a: {  	[tilespmem:s2+$0x40] =	vst v1  }
0x8b: {  	v1 =	vld [tilespmem:s1+$0x50];
	_ =	sdelay $0x4  }
0x8c: {  	v1 =	vshll.u32 v1, $0x7  }
0x8d: {  	v1 =	vor.u32 s7, v1  }
0x8e: {  	[tilespmem:s2+$0x50] =	vst v1  }
0x8f: {  	v1 =	vld [tilespmem:s1+$0x60];
	_ =	sdelay $0x1  }
.Ltmp0:
0x90: {  	(pc) =	sbr.rel @p0 .LBB2_2-.Ltmp0, $3  }
0x91: {  	_ =	sdelay $0x1  }
0x92: {  	v1 =	vshll.u32 v1, $0x7  }
0x93: {  	v1 =	vor.u32 s7, v1  }
0x94: {  	s1 =	simm.s32 $0x1900;
	s11 =	simm.s32 $0x6700  }
0x95: {  	[tilespmem:s2+$0x60] =	vst v1;
	s5 =	simm.s32 $0xCB80;
	s26 =	simm.s32 $0x8000;
	s28 =	simm.s32 $0xE480  }
0x96: {  	[tilespmem:s5], [sflag:$0x1] =	stream.indirect.gather [hbm4b:s4+s1], $0x1, s11, s1, $0xb8;
	[tilespmem:$0x1B000] =	vst v63  }
0x97: {  	s7 =	simm.s32 $0x0;
	s30 =	rddreg [dreg:$0x7];
	s31 =	simm.s32 $0x3490  }
0x98: {  	[tilespmem:s28], [sflag:$0x1] =	stream.indirect.gather [hbm4b:s4+s1], $0x1, s26, s1, $0xb8;
	[tilespmem:$0x1B000] =	vst v63  }
0x99: {  	p0 =	por $0x1, $0x1;
	s6 =	simm.s32 $0x40;
	p1 =	por $0x0, $0x0  }
0x9a: {  	[tilespmem:s31], [sflag:$0x2] =	stream.linear.gather [hbm4b:s30+s7], $0x3200, $0x38;
	[tilespmem:$0x1B000] =	vst v63  }
.LBB2_4:
0x9b: {  	p2 =	seq.s32 s7, $0x7  }
.Ltmp1:
0x9c: {  	_ = 	snop;
	(pc) =	sbr.rel @p2 .LBB2_8-.Ltmp1, $1  }
0x9d: {  	_ =	sdelay $0x3  }
0x9e: {  	s1 =	simm.s32 $0x2  }
0x9f: {  	_ =	swait.ge [sflag:s1], $0x3200  }
0xa0: {  	[sflag:s1] =	ssyncset.done $0x0  }
0xa1: {  	[sflag:s1] =	ssyncadd.s32 $0xFFFFCE00  }
0xa2: {  	v1 =	vld [tilespmem:s6+$0x0];
	_ =	sdelay $0x4  }
0xa3: {  	(v2sf) =	vpush v1, $0x0;
	_ =	sdelay $0x1  }
0xa4: {  	s2 =	simm.s32 $0x1  }
0xa5: {  	s2 =	simm.s32 @!p0 $0x0  }
0xa6: {  	s30 =	smul.u32 $0xC840, s2;
	_ =	sdelay $0x1  }
0xa7: {  	s5 =	sshrl.u32 s30, $0x2  }
0xa8: {  	s1 =	sadd.s32 $0x280, s5  }
0xa9: {  	v1 =	vmov s1;
	_ =	sdelay $0x3  }
0xaa: {  	s1 =	simm.s32 $0xC0  }
0xab: {  	v3 =	vld.idx.msk [tilespmem:v1+s1+$0xFFFFFF40 ss:$0x1], $0xffff  }
0xac: {  	s5 =	sadd.s32 $0x6700, s5  }
0xad: {  	v2 =	vmov s5;
	s5 =	spop (v2sf)  }
0xae: {  	p3 =	sgt.s32 s5, $0x0  }
0xaf: {  	s5 =	simm.s32 @!p3 $0x0  }
0xb0: {  	v3 =	vshll.u32 v3, $0x7;
	s8 =	smin.u32 s5, $0x4  }
0xb1: {  	v3 =	vor.u32 s8, v3  }
0xb2: {  	[tilespmem:v2+s1+$0xFFFFFF40 ss:$0x1] =	vst.idx.msk $0xffff, v3  }
0xb3: {  	v3 =	vld.idx.msk [tilespmem:v1+s1+$0xFFFFFF50 ss:$0x1], $0xffff;
	_ =	sdelay $0x4  }
0xb4: {  	v3 =	vshll.u32 v3, $0x7  }
0xb5: {  	v3 =	vor.u32 s8, v3  }
0xb6: {  	[tilespmem:v2+s1+$0xFFFFFF50 ss:$0x1] =	vst.idx.msk $0xffff, v3  }
0xb7: {  	v3 =	vld.idx.msk [tilespmem:v1+s1+$0xFFFFFF60 ss:$0x1], $0xffff;
	_ =	sdelay $0x4  }
0xb8: {  	v3 =	vshll.u32 v3, $0x7  }
0xb9: {  	v3 =	vor.u32 s8, v3  }
0xba: {  	[tilespmem:v2+s1+$0xFFFFFF60 ss:$0x1] =	vst.idx.msk $0xffff, v3  }
0xbb: {  	v3 =	vld.idx.msk [tilespmem:v1+s1+$0xFFFFFF70 ss:$0x1], $0xffff;
	_ =	sdelay $0x4  }
0xbc: {  	v3 =	vshll.u32 v3, $0x7  }
0xbd: {  	v3 =	vor.u32 s8, v3  }
0xbe: {  	[tilespmem:v2+s1+$0xFFFFFF70 ss:$0x1] =	vst.idx.msk $0xffff, v3  }
0xbf: {  	v3 =	vld.idx.msk [tilespmem:v1+s1+$0xFFFFFF80 ss:$0x1], $0xffff;
	_ =	sdelay $0x4  }
0xc0: {  	v3 =	vshll.u32 v3, $0x7  }
0xc1: {  	v3 =	vor.u32 s8, v3  }
0xc2: {  	[tilespmem:v2+s1+$0xFFFFFF80 ss:$0x1] =	vst.idx.msk $0xffff, v3  }
0xc3: {  	v3 =	vld.idx.msk [tilespmem:v1+s1+$0xFFFFFF90 ss:$0x1], $0xffff;
	_ =	sdelay $0x4  }
0xc4: {  	v3 =	vshll.u32 v3, $0x7  }
0xc5: {  	v3 =	vor.u32 s8, v3  }
0xc6: {  	[tilespmem:v2+s1+$0xFFFFFF90 ss:$0x1] =	vst.idx.msk $0xffff, v3  }
0xc7: {  	v3 =	vld.idx.msk [tilespmem:v1+s1+$0xFFFFFFA0 ss:$0x1], $0xffff;
	_ =	sdelay $0x4  }
0xc8: {  	v3 =	vshll.u32 v3, $0x7  }
0xc9: {  	v3 =	vor.u32 s8, v3  }
0xca: {  	[tilespmem:v2+s1+$0xFFFFFFA0 ss:$0x1] =	vst.idx.msk $0xffff, v3  }
0xcb: {  	v3 =	vld.idx.msk [tilespmem:v1+s1+$0xFFFFFFB0 ss:$0x1], $0xffff;
	_ =	sdelay $0x4  }
0xcc: {  	s2 =	smul.u32 $0x3210, s2;
	v3 =	vshll.u32 v3, $0x7  }
0xcd: {  	v3 =	vor.u32 s8, v3  }
0xce: {  	s31 =	sand.u32 $0x7FF8, s2;
	[tilespmem:v2+s1+$0xFFFFFFB0 ss:$0x1] =	vst.idx.msk $0xffff, v3  }
0xcf: {  	v3 =	vld [tilespmem:s31+$0x300];
	_ =	sdelay $0x4  }
0xd0: {  	v3 =	vshll.u32 v3, $0x7  }
0xd1: {  	v3 =	vor.u32 s8, v3  }
0xd2: {  	[tilespmem:s31+$0x6780] =	vst v3  }
0xd3: {  	v3 =	vld.idx.msk [tilespmem:v1+s1+$0xFFFFFFD0 ss:$0x1], $0xffff;
	_ =	sdelay $0x4  }
0xd4: {  	v3 =	vshll.u32 v3, $0x7  }
0xd5: {  	v3 =	vor.u32 s8, v3  }
0xd6: {  	[tilespmem:v2+s1+$0xFFFFFFD0 ss:$0x1] =	vst.idx.msk $0xffff, v3  }
0xd7: {  	v3 =	vld.idx.msk [tilespmem:v1+s1+$0xFFFFFFE0 ss:$0x1], $0xffff;
	_ =	sdelay $0x4  }
0xd8: {  	v3 =	vshll.u32 v3, $0x7  }
0xd9: {  	v3 =	vor.u32 s8, v3  }
0xda: {  	[tilespmem:v2+s1+$0xFFFFFFE0 ss:$0x1] =	vst.idx.msk $0xffff, v3  }
0xdb: {  	v3 =	vld.idx.msk [tilespmem:v1+s1+$0xFFFFFFF0 ss:$0x1], $0xffff;
	_ =	sdelay $0x4  }
0xdc: {  	v3 =	vshll.u32 v3, $0x7  }
0xdd: {  	v3 =	vor.u32 s8, v3  }
0xde: {  	[tilespmem:v2+s1+$0xFFFFFFF0 ss:$0x1] =	vst.idx.msk $0xffff, v3  }
0xdf: {  	v3 =	vld.idx.msk [tilespmem:v1+s1+$0x0 ss:$0x1], $0xffff;
	_ =	sdelay $0x4  }
0xe0: {  	v3 =	vshll.u32 v3, $0x7  }
0xe1: {  	s5 =	simm.s32 $0x620;
	v3 =	vor.u32 s8, v3;
	s8 =	smov.u32 s6  }
.LBB2_6:
0xe2: {  	p3 =	sne.s32 s5, $0xC7E0;
	[tilespmem:v2+s1+$0x0 ss:$0x1] =	vst.idx.msk $0xffff, v3;
	s2 =	sadd.s32 $0xC8, s2;
	s8 =	sadd.s32 $0x1, s8  }
0xe3: {  	s1 =	smov.u32 s5;
	s5 =	sadd.s32 $0x320, s5;
	v3 =	vld [tilespmem:s8+$0x0];
	_ =	sdelay $0x4  }
0xe4: {  	(v2sf) =	vpush v3, $0x0;
	_ =	sdelay $0xa  }
0xe5: {  	s1 =	sshra.s32 s1, $0x2  }
0xe6: {  	v3 =	vld.idx.msk [tilespmem:v1+s1+$0xFFFFFF40 ss:$0x1], $0xffff;
	_ =	sdelay $0x2  }
0xe7: {  	s9 =	spop (v2sf)  }
0xe8: {  	p4 =	sgt.s32 s9, $0x0  }
0xe9: {  	s9 =	simm.s32 @!p4 $0x0  }
0xea: {  	v3 =	vshll.u32 v3, $0x7;
	s9 =	smin.u32 s9, $0x4  }
0xeb: {  	v3 =	vor.u32 s9, v3  }
0xec: {  	[tilespmem:v2+s1+$0xFFFFFF40 ss:$0x1] =	vst.idx.msk $0xffff, v3  }
0xed: {  	v3 =	vld.idx.msk [tilespmem:v1+s1+$0xFFFFFF50 ss:$0x1], $0xffff;
	_ =	sdelay $0x5  }
0xee: {  	v3 =	vshll.u32 v3, $0x7  }
0xef: {  	v3 =	vor.u32 s9, v3  }
0xf0: {  	[tilespmem:v2+s1+$0xFFFFFF50 ss:$0x1] =	vst.idx.msk $0xffff, v3  }
0xf1: {  	v3 =	vld.idx.msk [tilespmem:v1+s1+$0xFFFFFF60 ss:$0x1], $0xffff;
	_ =	sdelay $0x5  }
0xf2: {  	v3 =	vshll.u32 v3, $0x7  }
0xf3: {  	v3 =	vor.u32 s9, v3  }
0xf4: {  	[tilespmem:v2+s1+$0xFFFFFF60 ss:$0x1] =	vst.idx.msk $0xffff, v3  }
0xf5: {  	v3 =	vld.idx.msk [tilespmem:v1+s1+$0xFFFFFF70 ss:$0x1], $0xffff;
	_ =	sdelay $0x5  }
0xf6: {  	v3 =	vshll.u32 v3, $0x7  }
0xf7: {  	v3 =	vor.u32 s9, v3  }
0xf8: {  	[tilespmem:v2+s1+$0xFFFFFF70 ss:$0x1] =	vst.idx.msk $0xffff, v3  }
0xf9: {  	v3 =	vld.idx.msk [tilespmem:v1+s1+$0xFFFFFF80 ss:$0x1], $0xffff;
	_ =	sdelay $0x5  }
0xfa: {  	v3 =	vshll.u32 v3, $0x7  }
0xfb: {  	v3 =	vor.u32 s9, v3  }
0xfc: {  	[tilespmem:v2+s1+$0xFFFFFF80 ss:$0x1] =	vst.idx.msk $0xffff, v3  }
0xfd: {  	v3 =	vld.idx.msk [tilespmem:v1+s1+$0xFFFFFF90 ss:$0x1], $0xffff;
	_ =	sdelay $0x5  }
0xfe: {  	v3 =	vshll.u32 v3, $0x7  }
0xff: {  	v3 =	vor.u32 s9, v3  }
0x100: {  	[tilespmem:v2+s1+$0xFFFFFF90 ss:$0x1] =	vst.idx.msk $0xffff, v3  }
0x101: {  	v3 =	vld.idx.msk [tilespmem:v1+s1+$0xFFFFFFA0 ss:$0x1], $0xffff;
	_ =	sdelay $0x5  }
0x102: {  	v3 =	vshll.u32 v3, $0x7  }
0x103: {  	v3 =	vor.u32 s9, v3  }
0x104: {  	[tilespmem:v2+s1+$0xFFFFFFA0 ss:$0x1] =	vst.idx.msk $0xffff, v3  }
0x105: {  	v3 =	vld.idx.msk [tilespmem:v1+s1+$0xFFFFFFB0 ss:$0x1], $0xffff;
	_ =	sdelay $0x5  }
0x106: {  	v3 =	vshll.u32 v3, $0x7  }
0x107: {  	v3 =	vor.u32 s9, v3  }
0x108: {  	s26 =	sand.u32 $0x7FF8, s2;
	[tilespmem:v2+s1+$0xFFFFFFB0 ss:$0x1] =	vst.idx.msk $0xffff, v3  }
0x109: {  	v3 =	vld [tilespmem:s26+$0x300];
	_ =	sdelay $0x4  }
0x10a: {  	v3 =	vshll.u32 v3, $0x7  }
0x10b: {  	v3 =	vor.u32 s9, v3  }
0x10c: {  	[tilespmem:s26+$0x6780] =	vst v3  }
0x10d: {  	v3 =	vld.idx.msk [tilespmem:v1+s1+$0xFFFFFFD0 ss:$0x1], $0xffff;
	_ =	sdelay $0x5  }
0x10e: {  	v3 =	vshll.u32 v3, $0x7  }
0x10f: {  	v3 =	vor.u32 s9, v3  }
0x110: {  	[tilespmem:v2+s1+$0xFFFFFFD0 ss:$0x1] =	vst.idx.msk $0xffff, v3  }
0x111: {  	v3 =	vld.idx.msk [tilespmem:v1+s1+$0xFFFFFFE0 ss:$0x1], $0xffff;
	_ =	sdelay $0x5  }
0x112: {  	v3 =	vshll.u32 v3, $0x7  }
0x113: {  	v3 =	vor.u32 s9, v3  }
0x114: {  	[tilespmem:v2+s1+$0xFFFFFFE0 ss:$0x1] =	vst.idx.msk $0xffff, v3  }
0x115: {  	v3 =	vld.idx.msk [tilespmem:v1+s1+$0xFFFFFFF0 ss:$0x1], $0xffff;
	_ =	sdelay $0x5  }
0x116: {  	v3 =	vshll.u32 v3, $0x7  }
0x117: {  	v3 =	vor.u32 s9, v3  }
0x118: {  	[tilespmem:v2+s1+$0xFFFFFFF0 ss:$0x1] =	vst.idx.msk $0xffff, v3  }
0x119: {  	v3 =	vld.idx.msk [tilespmem:v1+s1+$0x0 ss:$0x1], $0xffff;
	_ =	sdelay $0x2  }
.Ltmp2:
0x11a: {  	(pc) =	sbr.rel @p3 .LBB2_6-.Ltmp2, $3  }
0x11b: {  	_ =	sdelay $0x1  }
0x11c: {  	v3 =	vshll.u32 v3, $0x7  }
0x11d: {  	v3 =	vor.u32 s9, v3  }
0x11e: {  	_ =	sdelay $0x3  }
0x11f: {  	[tilespmem:v2+s1+$0x0 ss:$0x1] =	vst.idx.msk $0xffff, v3  }
.LBB2_8:
0x120: {  	s1 =	sand.u32 $0x1, s7  }
0x121: {  	s2 =	sxor.u32 $0x1, s1  }
0x122: {  	_ =	swait.ge [sflag:s29], $0x3200;
	p3 =	sgt.u32 @!p2 s7, $0x5;
	s2 =	smul.u32 @!p2 $0x3210, s2  }
0x123: {  	s9 =	simm.s32 @!p2 $0x1900;
	[sflag:s29] =	ssyncset.done $0x0;
	p3 =	por p2, p3  }
0x124: {  	[sflag:s29] =	ssyncadd.s32 $0xFFFFCE00;
	s5 =	sadd.s32 @!p2 $0xCB80, s2;
	s8 =	sadd.s32 @!p2 $0x6700, s2  }
0x125: {  	[tilespmem:s5], [sflag:$0x1] =	stream.indirect.gather @!p2 [hbm4b:s4+s9], $0x1, s8, s9, $0xb8;
	[tilespmem:$0x1B000] =	vst v63  }
0x126: {  	s10 =	rddreg [dreg:$0x8];
	s5 =	sshll.u32 @!p3 s7, $0x6  }
0x127: {  	s8 =	smul.u32 $0x3210, s1;
	s5 =	sadd.s32 @!p3 s5, s10  }
0x128: {  	s26 =	sadd.s32 @!p2 $0xE480, s2;
	s2 =	sor.u32 @!p2 $0x8000, s2;
	s5 =	smul.u32 @!p3 $0x19, s5  }
0x129: {  	[tilespmem:s26], [sflag:$0x1] =	stream.indirect.gather @!p2 [hbm4b:s4+s9], $0x1, s2, s9, $0xb8;
	[tilespmem:$0x1B000] =	vst v63  }
0x12a: {  	s2 =	sadd.s32 @!p3 $0x280, s8;
	s8 =	rddreg [dreg:$0x0];
	p2 =	slt.u32 @!p3 s7, $0x2  }
0x12b: {  	p2 =	por p3, !p2;
	s5 =	sadd.s32 @!p3 s8, s5;
	s8 =	simm.s32 @!p3 $0x0  }
0x12c: {  	[tilespmem:s2], [sflag:$0x2] =	stream.linear.gather @!p3 [hbm4b:s5+s8], $0x3200, $0x38;
	[tilespmem:$0x1B000] =	vst v63  }
0x12d: {  	_ =	swait.ge @p2 [sflag:s0], $0x400  }
0x12e: {  	[sflag:s0] =	ssyncset.done @p2 $0x0  }
0x12f: {  	[sflag:s0] =	ssyncadd.s32 @p2 $0xFFFFFC00  }
0x130: {  	_ =	swait.ge @p2 [sflag:s0], $0x400  }
0x131: {  	[sflag:s0] =	ssyncset.done @p2 $0x0  }
0x132: {  	[sflag:s0] =	ssyncadd.s32 @p2 $0xFFFFFC00  }
0x133: {  	_ =	swait.ge @p2 [sflag:s0], $0x400  }
0x134: {  	[sflag:s0] =	ssyncset.done @p2 $0x0  }
0x135: {  	[sflag:s0] =	ssyncadd.s32 @p2 $0xFFFFFC00  }
0x136: {  	_ =	swait.ge @p2 [sflag:s0], $0x400  }
0x137: {  	[sflag:s0] =	ssyncset.done @p2 $0x0  }
0x138: {  	[sflag:s0] =	ssyncadd.s32 @p2 $0xFFFFFC00  }
0x139: {  	_ =	swait.ge @p2 [sflag:s0], $0x400  }
0x13a: {  	[sflag:s0] =	ssyncset.done @p2 $0x0  }
0x13b: {  	[sflag:s0] =	ssyncadd.s32 @p2 $0xFFFFFC00  }
0x13c: {  	_ =	swait.ge @p2 [sflag:s0], $0x400  }
0x13d: {  	[sflag:s0] =	ssyncset.done @p2 $0x0  }
0x13e: {  	[sflag:s0] =	ssyncadd.s32 @p2 $0xFFFFFC00  }
0x13f: {  	_ =	swait.ge @p2 [sflag:s0], $0x400  }
0x140: {  	[sflag:s0] =	ssyncset.done @p2 $0x0  }
0x141: {  	[sflag:s0] =	ssyncadd.s32 @p2 $0xFFFFFC00  }
0x142: {  	_ =	swait.ge @p2 [sflag:s0], $0x400  }
0x143: {  	[sflag:s0] =	ssyncset.done @p2 $0x0  }
0x144: {  	[sflag:s0] =	ssyncadd.s32 @p2 $0xFFFFFC00  }
0x145: {  	_ =	swait.ge @p2 [sflag:s0], $0x400  }
0x146: {  	[sflag:s0] =	ssyncset.done @p2 $0x0  }
0x147: {  	[sflag:s0] =	ssyncadd.s32 @p2 $0xFFFFFC00  }
0x148: {  	_ =	swait.ge @p2 [sflag:s0], $0x400  }
0x149: {  	[sflag:s0] =	ssyncset.done @p2 $0x0  }
0x14a: {  	[sflag:s0] =	ssyncadd.s32 @p2 $0xFFFFFC00  }
0x14b: {  	_ =	swait.ge @p2 [sflag:s0], $0x400  }
0x14c: {  	[sflag:s0] =	ssyncset.done @p2 $0x0  }
0x14d: {  	[sflag:s0] =	ssyncadd.s32 @p2 $0xFFFFFC00  }
0x14e: {  	_ =	swait.ge @p2 [sflag:s0], $0x400  }
0x14f: {  	[sflag:s0] =	ssyncset.done @p2 $0x0  }
0x150: {  	[sflag:s0] =	ssyncadd.s32 @p2 $0xFFFFFC00  }
0x151: {  	_ =	swait.ge @p2 [sflag:s0], $0x400  }
0x152: {  	[sflag:s0] =	ssyncset.done @p2 $0x0  }
0x153: {  	[sflag:s0] =	ssyncadd.s32 @p2 $0xFFFFFC00  }
0x154: {  	_ =	swait.ge @p2 [sflag:s0], $0x400  }
0x155: {  	[sflag:s0] =	ssyncset.done @p2 $0x0  }
0x156: {  	[sflag:s0] =	ssyncadd.s32 @p2 $0xFFFFFC00  }
0x157: {  	s2 =	simm.s32 $0x1;
	_ =	swait.ge @p2 [sflag:s0], $0x400  }
0x158: {  	s2 =	simm.s32 @!p1 $0x0;
	[sflag:s0] =	ssyncset.done @p2 $0x0  }
0x159: {  	s11 =	smul.u32 $0xC840, s2;
	[sflag:s0] =	ssyncadd.s32 @p2 $0xFFFFFC00  }
0x15a: {  	_ =	swait.ge @p2 [sflag:s0], $0x400  }
0x15b: {  	s5 =	sshrl.u32 s11, $0x2;
	[sflag:s0] =	ssyncset.done @p2 $0x0  }
0x15c: {  	s8 =	sadd.s32 $0xCBE0, s5;
	[sflag:s0] =	ssyncadd.s32 @p2 $0xFFFFFC00  }
0x15d: {  	v12 =	vld [tilespmem:s8+$0xFFFFFFA0];
	_ =	sdelay $0x1  }
0x15e: {  	v2 =	vld [tilespmem:s8+$0xFFFFFFB0];
	_ =	sdelay $0x1  }
0x15f: {  	v6 =	vld [tilespmem:s8+$0xFFFFFFC0]  }
0x160: {  	v3 =	vmul.f32 $1.442695020e+00, v12  }
0x161: {  	v1 =	vld [tilespmem:s8+$0xFFFFFFD0]  }
0x162: {  	v4 =	vmul.f32 $1.442695020e+00, v2;
	(erf) = vpow2.f32 v3;
	v3 =	vld [tilespmem:s8+$0xFFFFFFE0];
	_ =	sdelay $0x1  }
0x163: {  	v5 =	vmul.f32 $1.442695020e+00, v6;
	(erf) = vpow2.f32 v4  }
0x164: {  	v4 =	vld [tilespmem:s8+$0xFFFFFFF0]  }
0x165: {  	v7 =	vmul.f32 $1.442695020e+00, v1;
	(erf) = vpow2.f32 v5;
	v5 =	vld [tilespmem:s8+$0x0]  }
0x166: {  	v9 =	vmul.f32 $1.442695020e+00, v3  }
0x167: {  	s31 =	smul.u32 $0x3210, s2;
	v8 =	vld [tilespmem:s8+$0x10];
	(erf) = vpow2.f32 v7;
	_ =	sdelay $0x1  }
0x168: {  	s26 =	sand.u32 $0x7FF8, s31;
	v10 =	vmul.f32 $1.442695020e+00, v4  }
0x169: {  	v7 =	vld [tilespmem:s26+$0xCC00];
	(erf) = vpow2.f32 v9;
	v11 =	vmul.f32 $1.442695020e+00, v5;
	v9 =	vpop (erf)  }
0x16a: {  	v9 =	vadd.f32 $0.0e+00, v9  }
0x16b: {  	v14 =	vmul.f32 $1.442695020e+00, v8;
	(erf) = vpow2.f32 v10;
	v10 =	vld [tilespmem:s8+$0x30];
	v13 =	vpop (erf)  }
0x16c: {  	v13 =	vadd.f32 v13, v9  }
0x16d: {  	(erf) = vpow2.f32 v11;
	v11 =	vpop (erf)  }
0x16e: {  	v15 =	vmul.f32 $1.442695020e+00, v7;
	v13 =	vadd.f32 v11, v13  }
0x16f: {  	(erf) = vpow2.f32 v14;
	v9 =	vld [tilespmem:s8+$0x40];
	v14 =	vpop (erf)  }
0x170: {  	v11 =	vld [tilespmem:s8+$0x50];
	v13 =	vadd.f32 v14, v13;
	v14 =	vmul.f32 $1.442695020e+00, v10;
	_ =	sdelay $0x1  }
0x171: {  	v16 =	vld [tilespmem:s8+$0x60];
	(erf) = vpow2.f32 v15;
	v15 =	vpop (erf)  }
0x172: {  	v13 =	vadd.f32 v15, v13  }
0x173: {  	v15 =	vmul.f32 $1.442695020e+00, v9;
	(erf) = vpow2.f32 v14;
	v14 =	vpop (erf)  }
0x174: {  	v13 =	vadd.f32 v14, v13;
	v14 =	vmul.f32 $1.442695020e+00, v11  }
0x175: {  	(erf) = vpow2.f32 v15  }
0x176: {  	v15 =	vmul.f32 $1.442695020e+00, v16;
	v17 =	vpop (erf)  }
0x177: {  	v13 =	vadd.f32 v17, v13;
	(erf) = vpow2.f32 v14  }
0x178: {  	v14 =	vpop (erf);
	(erf) = vpow2.f32 v15  }
0x179: {  	v13 =	vadd.f32 v14, v13  }
0x17a: {  	v14 =	vpop (erf)  }
0x17b: {  	v13 =	vadd.f32 v14, v13  }
0x17c: {  	v14 =	vpop (erf)  }
0x17d: {  	v13 =	vadd.f32 v14, v13  }
0x17e: {  	v14 =	vpop (erf)  }
0x17f: {  	v13 =	vadd.f32 v14, v13  }
0x180: {  	v14 =	vpop (erf)  }
0x181: {  	v13 =	vadd.f32 v14, v13;
	v14 =	vpop (erf)  }
0x182: {  	v14 =	vnsel vm0, $0x0, v14  }
0x183: {  	v13 =	vadd.f32 v14, v13;
	_ =	sdelay $0x1  }
0x184: {  	v14 =	vperm.xlane v13, v0;
	_ =	sdelay $0x1  }
0x185: {  	v13 =	vadd.f32 v13, v14;
	_ =	sdelay $0x1  }
0x186: {  	(v2sf) =	vpush v13, $0x0  }
0x187: {  	(v2sf) =	vpush v13, $0x1;
	_ =	sdelay $0x1  }
0x188: {  	(v2sf) =	vpush v13, $0x2;
	_ =	sdelay $0x1  }
0x189: {  	(v2sf) =	vpush v13, $0x3;
	_ =	sdelay $0x1  }
0x18a: {  	(v2sf) =	vpush v13, $0x4;
	_ =	sdelay $0x1  }
0x18b: {  	(v2sf) =	vpush v13, $0x5;
	_ =	sdelay $0x1  }
0x18c: {  	(v2sf) =	vpush v13, $0x6;
	_ =	sdelay $0x1  }
0x18d: {  	(v2sf) =	vpush v13, $0x7;
	_ =	sdelay $0x1  }
0x18e: {  	s9 =	spop (v2sf)  }
0x18f: {  	s10 =	spop (v2sf)  }
0x190: {  	s5 =	sadd.f32 s10, s9  }
0x191: {  	s11 =	spop (v2sf)  }
0x192: {  	s5 =	sadd.f32 s5, s11  }
0x193: {  	s26 =	spop (v2sf)  }
0x194: {  	s5 =	sadd.f32 s5, s26  }
0x195: {  	s10 =	spop (v2sf)  }
0x196: {  	s5 =	sadd.f32 s5, s10  }
0x197: {  	s11 =	spop (v2sf)  }
0x198: {  	s5 =	sadd.f32 s5, s11  }
0x199: {  	s26 =	spop (v2sf)  }
0x19a: {  	s5 =	sadd.f32 s5, s26  }
0x19b: {  	s10 =	spop (v2sf)  }
0x19c: {  	s5 =	sadd.f32 s5, s10;
	_ =	sdelay $0x1  }
0x19d: {  	v13 =	vmov s5  }
0x19e: {  	v13 =	vcvt.s32.f32 v13;
	_ =	sdelay $0x1  }
0x19f: {  	v13 =	vmul.f32 $1.192092900e-07, v13;
	_ =	sdelay $0x1  }
0x1a0: {  	v13 =	vadd.f32 $-1.270000000e+02, v13;
	_ =	sdelay $0x1  }
0x1a1: {  	v13 =	vmul.f32 $6.931471820e-01, v13;
	_ =	sdelay $0x1  }
0x1a2: {  	v14 =	vsub.f32 $0.0e+00, v13;
	_ =	sdelay $0x1  }
0x1a3: {  	v14 =	vmul.f32 $1.442695020e+00, v14;
	_ =	sdelay $0x1  }
0x1a4: {  	(erf) = vpow2.f32 v14;
	_ =	sdelay $0x8  }
0x1a5: {  	v14 =	vpop (erf)  }
0x1a6: {  	v13 =	vadd.f32 $-1.000000000e+00, v13;
	v14 =	vmul.f32 s5, v14;
	_ =	sdelay $0x1  }
0x1a7: {  	s28 =	sshll.u32 s1, $0xE;
	s2 =	sshll.u32 s2, $0xE;
	s11 =	simm.s32 $0x0;
	v14 =	vadd.f32 v14, v13  }
0x1a8: {  	s1 =	simm.s32 $0x1;
	s9 =	sand.u32 $0x3FFFFC00, s11;
	s5 =	sor.u32 $0x13000, s2  }
0x1a9: {  	s26 =	sadd.s32 $0x1, s7;
	s2 =	sor.u32 $0x13000, s28;
	s30 =	sadd.s32 $0x80, s5;
	v15 =	vsub.f32 v12, v14;
	v12 =	vsub.f32 v16, v14  }
.LBB2_9:
0x1aa: {  	s10 =	sadd.s32 s9, s5;
	v6 =	vsub.f32 v6, v14;
	v11 =	vsub.f32 v11, v14;
	s8 =	sadd.s32 $0xC8, s8;
	s31 =	sadd.s32 $0xC8, s31  }
0x1ab: {  	p2 =	sne.s32 s1, $0x3F;
	v2 =	vsub.f32 v2, v14;
	v10 =	vsub.f32 v10, v14;
	s9 =	smov.u32 s1;
	s1 =	sadd.s32 $0x1, s1;
	[tilespmem:s10+$0x0] =	vst v15  }
0x1ac: {  	v1 =	vsub.f32 v1, v14;
	v8 =	vsub.f32 v8, v14;
	s5 =	smov.u32 s30;
	[tilespmem:s10+$0x440] =	vst v12  }
0x1ad: {  	v7 =	vsub.f32 v7, v14;
	v9 =	vsub.f32 v9, v14;
	[tilespmem:s10+$0x430] =	vst v11  }
0x1ae: {  	v3 =	vsub.f32 v3, v14;
	v4 =	vsub.f32 v4, v14;
	[tilespmem:s10+$0x410] =	vst v10  }
0x1af: {  	v5 =	vsub.f32 v5, v14;
	[tilespmem:s10+$0x20] =	vst v6  }
0x1b0: {  	[tilespmem:s10+$0x70] =	vst v8  }
0x1b1: {  	[tilespmem:s10+$0x60] =	vst v5  }
0x1b2: {  	[tilespmem:s10+$0x420] =	vst v9  }
0x1b3: {  	[tilespmem:s10+$0x50] =	vst v4  }
0x1b4: {  	[tilespmem:s10+$0x10] =	vst v2  }
0x1b5: {  	[tilespmem:s10+$0x40] =	vst v3  }
0x1b6: {  	[tilespmem:s10+$0x400] =	vst v7  }
0x1b7: {  	[tilespmem:s10+$0x30] =	vst v1  }
0x1b8: {  	v12 =	vld [tilespmem:s8+$0xFFFFFFA0];
	_ =	sdelay $0x1  }
0x1b9: {  	v2 =	vld [tilespmem:s8+$0xFFFFFFB0];
	_ =	sdelay $0x1  }
0x1ba: {  	v6 =	vld [tilespmem:s8+$0xFFFFFFC0]  }
0x1bb: {  	v3 =	vmul.f32 $1.442695020e+00, v12  }
0x1bc: {  	v1 =	vld [tilespmem:s8+$0xFFFFFFD0]  }
0x1bd: {  	v4 =	vmul.f32 $1.442695020e+00, v2;
	(erf) = vpow2.f32 v3  }
0x1be: {  	v3 =	vld [tilespmem:s8+$0xFFFFFFE0]  }
0x1bf: {  	v5 =	vmul.f32 $1.442695020e+00, v6;
	(erf) = vpow2.f32 v4  }
0x1c0: {  	v4 =	vld [tilespmem:s8+$0xFFFFFFF0]  }
0x1c1: {  	v7 =	vmul.f32 $1.442695020e+00, v1;
	(erf) = vpow2.f32 v5  }
0x1c2: {  	v5 =	vld [tilespmem:s8+$0x0]  }
0x1c3: {  	v11 =	vmul.f32 $1.442695020e+00, v3;
	(erf) = vpow2.f32 v7  }
0x1c4: {  	v8 =	vld [tilespmem:s8+$0x10]  }
0x1c5: {  	s10 =	sand.u32 $0x7FF8, s31;
	v10 =	vmul.f32 $1.442695020e+00, v4;
	(erf) = vpow2.f32 v11  }
0x1c6: {  	v7 =	vld [tilespmem:s10+$0xCC00];
	v9 =	vpop (erf)  }
0x1c7: {  	v9 =	vadd.f32 $0.0e+00, v9;
	v15 =	vmul.f32 $1.442695020e+00, v5;
	(erf) = vpow2.f32 v10  }
0x1c8: {  	v10 =	vld [tilespmem:s8+$0x30];
	v13 =	vpop (erf)  }
0x1c9: {  	v13 =	vadd.f32 v13, v9;
	v16 =	vmul.f32 $1.442695020e+00, v8;
	(erf) = vpow2.f32 v15  }
0x1ca: {  	v9 =	vld [tilespmem:s8+$0x40];
	v11 =	vpop (erf)  }
0x1cb: {  	v13 =	vadd.f32 v11, v13;
	v17 =	vmul.f32 $1.442695020e+00, v7;
	(erf) = vpow2.f32 v16  }
0x1cc: {  	v11 =	vld [tilespmem:s8+$0x50];
	v14 =	vpop (erf)  }
0x1cd: {  	v14 =	vadd.f32 v14, v13;
	v18 =	vmul.f32 $1.442695020e+00, v10;
	v13 =	vld [tilespmem:s8+$0x60];
	(erf) = vpow2.f32 v17  }
0x1ce: {  	v15 =	vpop (erf)  }
0x1cf: {  	v14 =	vadd.f32 v15, v14;
	v15 =	vmul.f32 $1.442695020e+00, v9;
	(erf) = vpow2.f32 v18  }
0x1d0: {  	v16 =	vpop (erf)  }
0x1d1: {  	v14 =	vadd.f32 v16, v14;
	v18 =	vmul.f32 $1.442695020e+00, v11;
	(erf) = vpow2.f32 v15  }
0x1d2: {  	v15 =	vmul.f32 $1.442695020e+00, v13;
	v17 =	vpop (erf)  }
0x1d3: {  	v14 =	vadd.f32 v17, v14;
	(erf) = vpow2.f32 v18  }
0x1d4: {  	v16 =	vpop (erf);
	(erf) = vpow2.f32 v15  }
0x1d5: {  	v14 =	vadd.f32 v16, v14  }
0x1d6: {  	v15 =	vpop (erf)  }
0x1d7: {  	v14 =	vadd.f32 v15, v14  }
0x1d8: {  	v15 =	vpop (erf)  }
0x1d9: {  	v14 =	vadd.f32 v15, v14  }
0x1da: {  	v15 =	vpop (erf)  }
0x1db: {  	v14 =	vadd.f32 v15, v14  }
0x1dc: {  	v15 =	vpop (erf)  }
0x1dd: {  	v14 =	vadd.f32 v15, v14;
	v15 =	vpop (erf)  }
0x1de: {  	v15 =	vnsel vm0, $0x0, v15  }
0x1df: {  	v14 =	vadd.f32 v15, v14;
	_ =	sdelay $0x1  }
0x1e0: {  	v15 =	vperm.xlane v14, v0;
	_ =	sdelay $0x1  }
0x1e1: {  	v14 =	vadd.f32 v14, v15;
	_ =	sdelay $0x1  }
0x1e2: {  	(v2sf) =	vpush v14, $0x0  }
0x1e3: {  	(v2sf) =	vpush v14, $0x1  }
0x1e4: {  	(v2sf) =	vpush v14, $0x2;
	_ =	sdelay $0x1  }
0x1e5: {  	(v2sf) =	vpush v14, $0x3;
	_ =	sdelay $0x1  }
0x1e6: {  	(v2sf) =	vpush v14, $0x4;
	_ =	sdelay $0x1  }
0x1e7: {  	(v2sf) =	vpush v14, $0x5;
	_ =	sdelay $0x1  }
0x1e8: {  	(v2sf) =	vpush v14, $0x6;
	_ =	sdelay $0x1  }
0x1e9: {  	(v2sf) =	vpush v14, $0x7;
	_ =	sdelay $0x2  }
0x1ea: {  	s10 =	spop (v2sf)  }
0x1eb: {  	s11 =	spop (v2sf)  }
0x1ec: {  	s10 =	sadd.f32 s11, s10;
	s11 =	spop (v2sf)  }
0x1ed: {  	_ = 	snop  }
0x1ee: {  	s10 =	sadd.f32 s10, s11;
	s11 =	spop (v2sf)  }
0x1ef: {  	_ = 	snop  }
0x1f0: {  	s10 =	sadd.f32 s10, s11;
	s11 =	spop (v2sf)  }
0x1f1: {  	_ = 	snop  }
0x1f2: {  	s10 =	sadd.f32 s10, s11;
	s11 =	spop (v2sf)  }
0x1f3: {  	_ = 	snop  }
0x1f4: {  	s10 =	sadd.f32 s10, s11;
	s11 =	spop (v2sf)  }
0x1f5: {  	_ = 	snop  }
0x1f6: {  	s10 =	sadd.f32 s10, s11;
	s11 =	spop (v2sf)  }
0x1f7: {  	_ = 	snop  }
0x1f8: {  	s10 =	sadd.f32 s10, s11;
	_ =	sdelay $0x1  }
0x1f9: {  	v14 =	vmov s10  }
0x1fa: {  	v14 =	vcvt.s32.f32 v14;
	_ =	sdelay $0x1  }
0x1fb: {  	v14 =	vmul.f32 $1.192092900e-07, v14;
	_ =	sdelay $0x1  }
0x1fc: {  	v14 =	vadd.f32 $-1.270000000e+02, v14;
	_ =	sdelay $0x1  }
0x1fd: {  	v14 =	vmul.f32 $6.931471820e-01, v14;
	_ =	sdelay $0x1  }
0x1fe: {  	v15 =	vsub.f32 $0.0e+00, v14;
	_ =	sdelay $0x1  }
0x1ff: {  	v15 =	vmul.f32 $1.442695020e+00, v15;
	_ =	sdelay $0x1  }
0x200: {  	(erf) = vpow2.f32 v15;
	_ =	sdelay $0x8  }
0x201: {  	v14 =	vadd.f32 $-1.000000000e+00, v14;
	v15 =	vpop (erf)  }
.Ltmp3:
0x202: {  	v15 =	vmul.f32 s10, v15;
	(pc) =	sbr.rel @p2 .LBB2_9-.Ltmp3, $4  }
0x203: {  	_ = 	snop  }
0x204: {  	v14 =	vadd.f32 v15, v14  }
0x205: {  	s9 =	sshll.u32 s9, $0x7  }
0x206: {  	s30 =	sadd.s32 $0x80, s30;
	s9 =	sand.u32 $0x3FFFFC00, s9;
	v15 =	vsub.f32 v12, v14;
	v12 =	vsub.f32 v13, v14  }
0x207: {  	s1 =	sadd.s32 s9, s5  }
0x208: {  	v11 =	vsub.f32 v11, v14;
	[tilespmem:s1+$0x0] =	vst v15  }
0x209: {  	v10 =	vsub.f32 v10, v14;
	[tilespmem:s1+$0x440] =	vst v12  }
0x20a: {  	v6 =	vsub.f32 v6, v14;
	[tilespmem:s1+$0x430] =	vst v11  }
0x20b: {  	v8 =	vsub.f32 v8, v14;
	[tilespmem:s1+$0x410] =	vst v10  }
0x20c: {  	v5 =	vsub.f32 v5, v14;
	[tilespmem:s1+$0x20] =	vst v6  }
0x20d: {  	v62 =	vsub.f32 v9, v14;
	[tilespmem:s1+$0x70] =	vst v8  }
0x20e: {  	v4 =	vsub.f32 v4, v14;
	[tilespmem:s1+$0x60] =	vst v5  }
0x20f: {  	v2 =	vsub.f32 v2, v14;
	[tilespmem:s1+$0x420] =	vst v62  }
0x210: {  	v3 =	vsub.f32 v3, v14;
	[tilespmem:s1+$0x50] =	vst v4  }
0x211: {  	v63 =	vsub.f32 v7, v14;
	[tilespmem:s1+$0x10] =	vst v2  }
0x212: {  	v1 =	vsub.f32 v1, v14;
	s30 =	sshll.u32 s7, $0xB;
	s31 =	rddreg [dreg:$0x9];
	[tilespmem:s1+$0x40] =	vst v3  }
0x213: {  	s7 =	rddreg [dreg:$0x4];
	s5 =	sadd.s32 s31, s30;
	[tilespmem:s1+$0x400] =	vst v63  }
0x214: {  	s9 =	rddreg [dreg:$0xa];
	[tilespmem:s1+$0x30] =	vst v1;
	s1 =	sadd.s32 s7, s5  }
0x215: {  	[hbm4b:s1+s3] =	stream.linear.scatter [tilespmem:s2], [sflag:$0x3], $0x400, $0x38;
	[tilespmem:$0x1B000] =	vst v63  }
0x216: {  	s8 =	sadd.s32 $0x13400, s28;
	s2 =	sadd.s32 s5, s9  }
0x217: {  	[hbm4b:s2+s3] =	stream.linear.scatter [tilespmem:s8], [sflag:$0x3], $0x400, $0x38;
	[tilespmem:$0x1B000] =	vst v63  }
0x218: {  	s10 =	sadd.s32 $0x13800, s28;
	s11 =	sadd.s32 s5, s12  }
0x219: {  	[hbm4b:s11+s3] =	stream.linear.scatter [tilespmem:s10], [sflag:$0x3], $0x400, $0x38;
	[tilespmem:$0x1B000] =	vst v63  }
0x21a: {  	s30 =	sadd.s32 $0x13C00, s28;
	s31 =	sadd.s32 s5, s13  }
0x21b: {  	[hbm4b:s31+s3] =	stream.linear.scatter [tilespmem:s30], [sflag:$0x3], $0x400, $0x38;
	[tilespmem:$0x1B000] =	vst v63  }
0x21c: {  	s7 =	sadd.s32 s5, s14;
	s2 =	sadd.s32 $0x14000, s28  }
0x21d: {  	[hbm4b:s7+s3] =	stream.linear.scatter [tilespmem:s2], [sflag:$0x3], $0x400, $0x38;
	[tilespmem:$0x1B000] =	vst v63  }
0x21e: {  	s9 =	sadd.s32 s5, s15;
	s8 =	sadd.s32 $0x14400, s28  }
0x21f: {  	[hbm4b:s9+s3] =	stream.linear.scatter [tilespmem:s8], [sflag:$0x3], $0x400, $0x38;
	[tilespmem:$0x1B000] =	vst v63  }
0x220: {  	s10 =	sadd.s32 $0x14800, s28;
	s11 =	sadd.s32 s5, s16  }
0x221: {  	[hbm4b:s11+s3] =	stream.linear.scatter [tilespmem:s10], [sflag:$0x3], $0x400, $0x38;
	[tilespmem:$0x1B000] =	vst v63  }
0x222: {  	s30 =	sadd.s32 $0x14C00, s28;
	s31 =	sadd.s32 s5, s17  }
0x223: {  	[hbm4b:s31+s3] =	stream.linear.scatter [tilespmem:s30], [sflag:$0x3], $0x400, $0x38;
	[tilespmem:$0x1B000] =	vst v63  }
0x224: {  	s2 =	sadd.s32 $0x15000, s28;
	s7 =	sadd.s32 s5, s18  }
0x225: {  	[hbm4b:s7+s3] =	stream.linear.scatter [tilespmem:s2], [sflag:$0x3], $0x400, $0x38;
	[tilespmem:$0x1B000] =	vst v63  }
0x226: {  	s8 =	sadd.s32 $0x15400, s28;
	s9 =	sadd.s32 s5, s19  }
0x227: {  	[hbm4b:s9+s3] =	stream.linear.scatter [tilespmem:s8], [sflag:$0x3], $0x400, $0x38;
	[tilespmem:$0x1B000] =	vst v63  }
0x228: {  	s10 =	sadd.s32 $0x15800, s28;
	s11 =	sadd.s32 s5, s20  }
0x229: {  	[hbm4b:s11+s3] =	stream.linear.scatter [tilespmem:s10], [sflag:$0x3], $0x400, $0x38;
	[tilespmem:$0x1B000] =	vst v63  }
0x22a: {  	s30 =	sadd.s32 $0x15C00, s28;
	s31 =	sadd.s32 s5, s21  }
0x22b: {  	[hbm4b:s31+s3] =	stream.linear.scatter [tilespmem:s30], [sflag:$0x3], $0x400, $0x38;
	[tilespmem:$0x1B000] =	vst v63  }
0x22c: {  	s2 =	sadd.s32 $0x16000, s28;
	s7 =	sadd.s32 s5, s22  }
0x22d: {  	[hbm4b:s7+s3] =	stream.linear.scatter [tilespmem:s2], [sflag:$0x3], $0x400, $0x38;
	[tilespmem:$0x1B000] =	vst v63  }
0x22e: {  	p2 =	sne.s32 s26, $0x8;
	s8 =	sadd.s32 $0x16400, s28;
	s9 =	sadd.s32 s5, s23  }
0x22f: {  	[hbm4b:s9+s3] =	stream.linear.scatter [tilespmem:s8], [sflag:$0x3], $0x400, $0x38;
	[tilespmem:$0x1B000] =	vst v63  }
.Ltmp4:
0x230: {  	p0 =	por !p0, !p0;
	s6 =	sadd.s32 $0x40, s6;
	(pc) =	sbr.rel @p2 .LBB2_4-.Ltmp4, $4  }
0x231: {  	p1 =	por !p1, !p1;
	s10 =	sadd.s32 $0x16800, s28;
	s11 =	sadd.s32 s5, s24  }
0x232: {  	[hbm4b:s11+s3] =	stream.linear.scatter [tilespmem:s10], [sflag:$0x3], $0x400, $0x38;
	[tilespmem:$0x1B000] =	vst v63  }
0x233: {  	s30 =	sadd.s32 $0x16C00, s28;
	s31 =	sadd.s32 s5, s25;
	s7 =	smov.u32 s26  }
0x234: {  	[hbm4b:s31+s3] =	stream.linear.scatter [tilespmem:s30], [sflag:$0x3], $0x400, $0x38;
	[tilespmem:$0x1B000] =	vst v63  }
0x235: {  	_ =	swait.ge [sflag:s0], $0x400  }
0x236: {  	[sflag:s0] =	ssyncset.done $0x0  }
0x237: {  	[sflag:s0] =	ssyncadd.s32 $0xFFFFFC00  }
0x238: {  	_ =	swait.ge [sflag:s0], $0x400  }
0x239: {  	[sflag:s0] =	ssyncset.done $0x0  }
0x23a: {  	[sflag:s0] =	ssyncadd.s32 $0xFFFFFC00  }
0x23b: {  	_ =	swait.ge [sflag:s0], $0x400  }
0x23c: {  	[sflag:s0] =	ssyncset.done $0x0  }
0x23d: {  	[sflag:s0] =	ssyncadd.s32 $0xFFFFFC00  }
0x23e: {  	_ =	swait.ge [sflag:s0], $0x400  }
0x23f: {  	[sflag:s0] =	ssyncset.done $0x0  }
0x240: {  	[sflag:s0] =	ssyncadd.s32 $0xFFFFFC00  }
0x241: {  	_ =	swait.ge [sflag:s0], $0x400  }
0x242: {  	[sflag:s0] =	ssyncset.done $0x0  }
0x243: {  	[sflag:s0] =	ssyncadd.s32 $0xFFFFFC00  }
0x244: {  	_ =	swait.ge [sflag:s0], $0x400  }
0x245: {  	[sflag:s0] =	ssyncset.done $0x0  }
0x246: {  	[sflag:s0] =	ssyncadd.s32 $0xFFFFFC00  }
0x247: {  	_ =	swait.ge [sflag:s0], $0x400  }
0x248: {  	[sflag:s0] =	ssyncset.done $0x0  }
0x249: {  	[sflag:s0] =	ssyncadd.s32 $0xFFFFFC00  }
0x24a: {  	_ =	swait.ge [sflag:s0], $0x400  }
0x24b: {  	[sflag:s0] =	ssyncset.done $0x0  }
0x24c: {  	[sflag:s0] =	ssyncadd.s32 $0xFFFFFC00  }
0x24d: {  	_ =	swait.ge [sflag:s0], $0x400  }
0x24e: {  	[sflag:s0] =	ssyncset.done $0x0  }
0x24f: {  	[sflag:s0] =	ssyncadd.s32 $0xFFFFFC00  }
0x250: {  	_ =	swait.ge [sflag:s0], $0x400  }
0x251: {  	[sflag:s0] =	ssyncset.done $0x0  }
0x252: {  	[sflag:s0] =	ssyncadd.s32 $0xFFFFFC00  }
0x253: {  	_ =	swait.ge [sflag:s0], $0x400  }
0x254: {  	[sflag:s0] =	ssyncset.done $0x0  }
0x255: {  	[sflag:s0] =	ssyncadd.s32 $0xFFFFFC00  }
0x256: {  	_ =	swait.ge [sflag:s0], $0x400  }
0x257: {  	[sflag:s0] =	ssyncset.done $0x0  }
0x258: {  	[sflag:s0] =	ssyncadd.s32 $0xFFFFFC00  }
0x259: {  	_ =	swait.ge [sflag:s0], $0x400  }
0x25a: {  	[sflag:s0] =	ssyncset.done $0x0  }
0x25b: {  	[sflag:s0] =	ssyncadd.s32 $0xFFFFFC00  }
0x25c: {  	_ =	swait.ge [sflag:s0], $0x400  }
0x25d: {  	[sflag:s0] =	ssyncset.done $0x0  }
0x25e: {  	[sflag:s0] =	ssyncadd.s32 $0xFFFFFC00  }
0x25f: {  	_ =	swait.ge [sflag:s0], $0x400  }
0x260: {  	[sflag:s0] =	ssyncset.done $0x0  }
0x261: {  	[sflag:s0] =	ssyncadd.s32 $0xFFFFFC00  }
0x262: {  	_ =	swait.ge [sflag:s0], $0x400  }
0x263: {  	[sflag:s0] =	ssyncset.done $0x0  }
0x264: {  	[sflag:s0] =	ssyncadd.s32 $0xFFFFFC00  }
0x265: {  	_ =	swait.ge [sflag:s0], $0x400  }
0x266: {  	[sflag:s0] =	ssyncset.done $0x0  }
0x267: {  	[sflag:s0] =	ssyncadd.s32 $0xFFFFFC00  }
0x268: {  	_ =	swait.ge [sflag:s0], $0x400  }
0x269: {  	[sflag:s0] =	ssyncset.done $0x0  }
0x26a: {  	[sflag:s0] =	ssyncadd.s32 $0xFFFFFC00  }
0x26b: {  	_ =	swait.ge [sflag:s0], $0x400  }
0x26c: {  	[sflag:s0] =	ssyncset.done $0x0  }
0x26d: {  	[sflag:s0] =	ssyncadd.s32 $0xFFFFFC00  }
0x26e: {  	_ =	swait.ge [sflag:s0], $0x400  }
0x26f: {  	[sflag:s0] =	ssyncset.done $0x0  }
0x270: {  	[sflag:s0] =	ssyncadd.s32 $0xFFFFFC00  }
0x271: {  	_ =	swait.ge [sflag:s0], $0x400  }
0x272: {  	[sflag:s0] =	ssyncset.done $0x0  }
0x273: {  	[sflag:s0] =	ssyncadd.s32 $0xFFFFFC00  }
0x274: {  	_ =	swait.ge [sflag:s0], $0x400  }
0x275: {  	[sflag:s0] =	ssyncset.done $0x0  }
0x276: {  	[sflag:s0] =	ssyncadd.s32 $0xFFFFFC00  }
0x277: {  	_ =	swait.ge [sflag:s0], $0x400  }
0x278: {  	[sflag:s0] =	ssyncset.done $0x0  }
0x279: {  	[sflag:s0] =	ssyncadd.s32 $0xFFFFFC00  }
0x27a: {  	_ =	swait.ge [sflag:s0], $0x400  }
0x27b: {  	[sflag:s0] =	ssyncset.done $0x0  }
0x27c: {  	[sflag:s0] =	ssyncadd.s32 $0xFFFFFC00  }
0x27d: {  	_ =	swait.ge [sflag:s0], $0x400  }
0x27e: {  	[sflag:s0] =	ssyncset.done $0x0  }
0x27f: {  	[sflag:s0] =	ssyncadd.s32 $0xFFFFFC00  }
0x280: {  	_ =	swait.ge [sflag:s0], $0x400  }
0x281: {  	[sflag:s0] =	ssyncset.done $0x0  }
0x282: {  	[sflag:s0] =	ssyncadd.s32 $0xFFFFFC00  }
0x283: {  	_ =	swait.ge [sflag:s0], $0x400  }
0x284: {  	[sflag:s0] =	ssyncset.done $0x0  }
0x285: {  	[sflag:s0] =	ssyncadd.s32 $0xFFFFFC00  }
0x286: {  	_ =	swait.ge [sflag:s0], $0x400  }
0x287: {  	[sflag:s0] =	ssyncset.done $0x0  }
0x288: {  	[sflag:s0] =	ssyncadd.s32 $0xFFFFFC00  }
0x289: {  	_ =	swait.ge [sflag:s0], $0x400  }
0x28a: {  	[sflag:s0] =	ssyncset.done $0x0  }
0x28b: {  	[sflag:s0] =	ssyncadd.s32 $0xFFFFFC00  }
0x28c: {  	_ =	swait.ge [sflag:s0], $0x400  }
0x28d: {  	[sflag:s0] =	ssyncset.done $0x0  }
0x28e: {  	[sflag:s0] =	ssyncadd.s32 $0xFFFFFC00  }
0x28f: {  	_ =	swait.ge [sflag:s0], $0x400  }
0x290: {  	[sflag:s0] =	ssyncset.done $0x0  }
0x291: {  	[sflag:s0] =	ssyncadd.s32 $0xFFFFFC00  }
0x292: {  	_ =	swait.ge [sflag:s0], $0x400  }
0x293: {  	s2 =	rddreg [dreg:$0xc]  }
0x294: {  	s1 =	rddreg [dreg:$0xb];
	s2 =	sadd.s32 $0x1, s2  }
0x295: {  	p0 =	sne.s32 s2, s1  }
.Ltmp5:
0x296: {  	_ = 	snop;
	(pc) =	sbr.rel @p0 .LBB2_1-.Ltmp5, $3  }
0x297: {  	_ =	sdelay $0x1  }
0x298: {  	[sflag:s0] =	ssyncset.done $0x0  }
0x299: {  	[sflag:s0] =	ssyncadd.s32 $0xFFFFFC00  }
0x29a: {  	_ =	sfence.sel $0x180000  }
0x29b: {  	[bflag:$0x0] =	sbarrier.arrive $0xFFFF  }
0x29c: {  	_ =	strace $0x90000047  }
0x29d: {  	s0 =	stileid.u32;
	[bflag:$0x2] =	sbarrier.arrive $0xFFFF  }
0x29e: {  	p0 =	sne.s32 s0, $0x0;
	s0 =	rddreg [dreg:$0x3]  }
0x29f: {  	s0 =	sadd.s32 @!p0 $0x100000, s0  }
0x2a0: {  	[sflag:s0] =	ssyncadd.tile.s32 @!p0 $0x1;
	_ =	shalt  }
.Lfunc_end2:
_tile_overlayer_lowered:
.L_overlay_start_2:
0x2a1: {  	(tag) =	ssettag $0x2  }
0x2a2: {  	s0 =	rddreg [dreg:$0x0];
	s2 =	stileid.u32  }
0x2a3: {  	s1 =	rddreg [dreg:$0x1];
	p0 =	sne.s32 s2, $0x0  }
0x2a4: {  	s3 =	rddreg [dreg:$0x2];
	[bflag:$0x3] =	sbarrier.arrive $0xFFFF;
	s2 =	simm.s32 @!p0 $0x1C04  }
0x2a5: {  	[timem:s3], [sflag:s2] =	dma.local @!p0 [hbm:s0], s1  }
0x2a6: {  	s0 =	simm.s32 @!p0 $0x4  }
0x2a7: {  	_ =	swait.ge @!p0 [sflag:s0], s1  }
0x2a8: {  	s1 =	ssub.s32 @!p0 $0x0, s1;
	[sflag:s0] =	ssyncset.done @!p0 $0x0  }
0x2a9: {  	[sflag:s0] =	ssyncadd.s32 @!p0 s1  }
0x2aa: {  	[bflag:$0x3] =	sbarrier.arrive $0xFFFF  }
0x2ab: {  	_ =	shalt  }

</sc_bundles>
